<compile_context>
chip_gen: v7x
topology: tpu7x:2x2x1
jax: 0.10.2.dev20260603
libtpu: 0.0.44.dev20260713+nightly
codegen_flags: <defaults>
</compile_context>

<pallas_src>
import functools

import jax
import jax.numpy as jnp
from jax import lax
from jax.experimental import pallas as pl
from jax.experimental.pallas import tpu as pltpu
from jax.experimental.pallas import tpu_sc as plsc

N = 10000
E = 320000
F = 144
NC = 2
NS = 16
NW = NC * NS
L = 16
EPW = E // NW
CH = 80
NCHUNK = EPW // CH
NPAD = N + L
RPT = NPAD // NS
WPT = N // NS

_mesh = plsc.VectorSubcoreMesh(core_axis_name="c", subcore_axis_name="s")
_sc_params = pltpu.CompilerParams(needs_layout_passes=False,
                                  use_tc_tiling_on_sc=False)


@functools.partial(
    pl.kernel,
    out_type=[jax.ShapeDtypeStruct((NW, N), jnp.float32),
              jax.ShapeDtypeStruct((E,), jnp.int32)],
    mesh=_mesh,
    compiler_params=_sc_params,
    scratch_types=[pltpu.VMEM((EPW,), jnp.int32),
                   pltpu.VMEM((EPW,), jnp.int32),
                   pltpu.VMEM((EPW,), jnp.int32),
                   pltpu.VMEM((NPAD,), jnp.float32)],
)
def _deg_ridx(row_hbm, col_hbm, pdeg_hbm, ridx_hbm, row_v, col_v, ridx_v, deg_v):
    c = lax.axis_index("c")
    s = lax.axis_index("s")
    wid = s * NC + c
    base = wid * EPW
    pltpu.sync_copy(row_hbm.at[pl.ds(base, EPW)], row_v)
    pltpu.sync_copy(col_hbm.at[pl.ds(base, EPW)], col_v)

    zero = jnp.zeros((L,), jnp.float32)

    def zbody(i, carry):
        deg_v[pl.ds(i * L, L)] = zero
        return carry

    lax.fori_loop(0, NPAD // L, zbody, 0)

    ones = jnp.ones((L,), jnp.float32)

    def ebody(i, carry):
        r = row_v[pl.ds(i * L, L)]
        cc = col_v[pl.ds(i * L, L)]
        r2 = jnp.where(r != cc, r, N)
        plsc.addupdate_scatter(deg_v, [r2], ones)
        ridx_v[pl.ds(i * L, L)] = r2
        return carry

    lax.fori_loop(0, EPW // L, ebody, 0)

    pltpu.sync_copy(deg_v.at[pl.ds(0, N)], pdeg_hbm.at[wid])
    pltpu.sync_copy(ridx_v, ridx_hbm.at[pl.ds(base, EPW)])


@functools.partial(
    pl.kernel,
    out_type=jax.ShapeDtypeStruct((NC, N, F), jnp.float32),
    mesh=_mesh,
    compiler_params=_sc_params,
    scratch_types=[pltpu.VMEM((EPW,), jnp.int32),
                   pltpu.VMEM((EPW,), jnp.int32),
                   pltpu.VMEM((CH,), jnp.int32),
                   pltpu.VMEM((CH,), jnp.int32),
                   pltpu.VMEM((CH, F), jnp.float32),
                   pltpu.VMEM((L, F), jnp.float32),
                   pltpu.VMEM_SHARED((NPAD, F), jnp.float32),
                   pltpu.SemaphoreType.DMA],
)
def _spmm(vec_hbm, ridx_hbm, cidx_hbm, out_hbm,
          ridx_v, cidx_v, rbuf, cbuf, rows_v, zbuf, acc, sem):
    c = lax.axis_index("c")
    s = lax.axis_index("s")
    wid = s * NC + c
    base = wid * EPW
    pltpu.sync_copy(ridx_hbm.at[pl.ds(base, EPW)], ridx_v)
    pltpu.sync_copy(cidx_hbm.at[pl.ds(base, EPW)], cidx_v)

    zero = jnp.zeros((L,), jnp.float32)
    for r in range(L):
        for j in range(F // L):
            zbuf[r, pl.ds(j * L, L)] = zero

    def zacc(i, carry):
        pltpu.sync_copy(zbuf, acc.at[pl.ds(s * RPT + i * L, L)])
        return carry

    lax.fori_loop(0, RPT // L, zacc, 0)
    rem = RPT - (RPT // L) * L
    if rem:
        pltpu.sync_copy(zbuf.at[pl.ds(0, rem)],
                        acc.at[pl.ds(s * RPT + RPT - rem, rem)])

    plsc.subcore_barrier()

    def body(i, carry):
        eb = i * CH
        for j in range(CH // L):
            rbuf[pl.ds(j * L, L)] = ridx_v[pl.ds(eb + j * L, L)]
            cbuf[pl.ds(j * L, L)] = cidx_v[pl.ds(eb + j * L, L)]
        pltpu.async_copy(vec_hbm.at[cbuf], rows_v, sem).wait()
        pltpu.sync_copy(rows_v, acc.at[rbuf], add=True)
        return carry

    lax.fori_loop(0, NCHUNK, body, 0)

    plsc.subcore_barrier()
    pltpu.sync_copy(acc.at[pl.ds(s * WPT, WPT)],
                    out_hbm.at[c, pl.ds(s * WPT, WPT)])


def _dinv_body(pdeg_ref, dinv_ref):
    deg = jnp.sum(pdeg_ref[...], axis=0)
    dinv_ref[...] = jnp.where(deg > 0.0, lax.rsqrt(deg), 0.0)


_dinv_call = pl.pallas_call(
    _dinv_body,
    out_shape=jax.ShapeDtypeStruct((N,), jnp.float32),
)

BN = 2000


def _scale_body(x_ref, dv_ref, xs_ref):
    xs_ref[...] = x_ref[...] * dv_ref[...]


_scale_call = pl.pallas_call(
    _scale_body,
    grid=(N // BN,),
    in_specs=[pl.BlockSpec((BN, F), lambda i: (i, 0)),
              pl.BlockSpec((BN, 1), lambda i: (i, 0))],
    out_specs=pl.BlockSpec((BN, F), lambda i: (i, 0)),
    out_shape=jax.ShapeDtypeStruct((N, F), jnp.float32),
)


def _e1_body(x_ref, dv_ref, p0_ref, p1_ref, w0_ref, w1_ref, b_ref,
             ys_ref, po_ref):
    dv = dv_ref[...]
    tx1 = (-dv) * (p0_ref[...] + p1_ref[...])
    ys_ref[...] = dv * tx1
    po_ref[...] = (jnp.dot(x_ref[...], w0_ref[...],
                           preferred_element_type=jnp.float32)
                   + jnp.dot(tx1, w1_ref[...],
                             preferred_element_type=jnp.float32)
                   + b_ref[...])


_e1_call = pl.pallas_call(
    _e1_body,
    grid=(N // BN,),
    in_specs=[pl.BlockSpec((BN, F), lambda i: (i, 0)),
              pl.BlockSpec((BN, 1), lambda i: (i, 0)),
              pl.BlockSpec((BN, F), lambda i: (i, 0)),
              pl.BlockSpec((BN, F), lambda i: (i, 0)),
              pl.BlockSpec((F, F), lambda i: (0, 0)),
              pl.BlockSpec((F, F), lambda i: (0, 0)),
              pl.BlockSpec((1, F), lambda i: (0, 0))],
    out_specs=[pl.BlockSpec((BN, F), lambda i: (i, 0)),
               pl.BlockSpec((BN, F), lambda i: (i, 0))],
    out_shape=[jax.ShapeDtypeStruct((N, F), jnp.float32),
               jax.ShapeDtypeStruct((N, F), jnp.float32)],
)


def _e2_body(po_ref, x_ref, dv_ref, q0_ref, q1_ref, w2_ref, out_ref):
    tx2 = (-2.0 * dv_ref[...]) * (q0_ref[...] + q1_ref[...]) - x_ref[...]
    out_ref[...] = po_ref[...] + jnp.dot(tx2, w2_ref[...],
                                         preferred_element_type=jnp.float32)


_e2_call = pl.pallas_call(
    _e2_body,
    grid=(N // BN,),
    in_specs=[pl.BlockSpec((BN, F), lambda i: (i, 0)),
              pl.BlockSpec((BN, F), lambda i: (i, 0)),
              pl.BlockSpec((BN, 1), lambda i: (i, 0)),
              pl.BlockSpec((BN, F), lambda i: (i, 0)),
              pl.BlockSpec((BN, F), lambda i: (i, 0)),
              pl.BlockSpec((F, F), lambda i: (0, 0))],
    out_specs=pl.BlockSpec((BN, F), lambda i: (i, 0)),
    out_shape=jax.ShapeDtypeStruct((N, F), jnp.float32),
)


def kernel(x, edge_index, weight, bias):
    row = edge_index[0]
    col = edge_index[1]
    pdeg, ridx = _deg_ridx(row, col)
    dinv = _dinv_call(pdeg)
    dv = dinv.reshape(N, 1)
    xs = _scale_call(x, dv)
    s1 = _spmm(xs, ridx, col)
    ys, pout = _e1_call(x, dv, s1[0], s1[1], weight[0], weight[1],
                        bias.reshape(1, F))
    s2 = _spmm(ys, ridx, col)
    return _e2_call(pout, x, dv, s2[0], s2[1], weight[2])

# --- scband reference (transcript-rebuilt; emitter-appended) ---
"""Pipeline reference for scband-stcheb-conv-88167088652338 (READ-ONLY COPY).

The authoritative reference and input builder live on the scoring server;
editing this copy changes nothing except your own understanding.
"""

import jax, jax.numpy as jnp
import numpy as np


def setup_inputs(seed: int = 0) -> dict:
    key = jax.random.key(seed)
    k1, k2, k3, k4 = jax.random.split(key, 4)
    N, E = 10000, 320000
    in_c, out_c, K = 1, 1, 3
    x = jax.random.normal(k1, (N, 144 * in_c), dtype=jnp.float32)
    edge_index = jax.random.randint(k2, (2, E), 0, N, dtype=jnp.int32)
    # parameters initialized like reset_parameters: uniform(-b, b), b = 1/sqrt(in_channels*144*K)
    bound = 1.0 / np.sqrt(in_c * 144 * K)
    weight = jax.random.uniform(k3, (K, 144 * in_c, 144 * out_c), minval=-bound, maxval=bound, dtype=jnp.float32)
    bias = jax.random.uniform(k4, (144 * out_c,), minval=-bound, maxval=bound, dtype=jnp.float32)
    return {"x": x, "edge_index": edge_index, "weight": weight, "bias": bias}


def reference(x, edge_index, weight, bias):
    # remove_self_loops expressed as a fixed-shape masked equivalent
    row = edge_index[0]
    col = edge_index[1]
    mask = row != col
    N = x.shape[0]
    edge_weight = mask.astype(x.dtype)
    # degree(row, num_nodes) -> count of outgoing edges per node
    deg = jnp.zeros((N,), dtype=x.dtype).at[row].add(edge_weight)
    deg_inv = jnp.where(deg > 0, deg ** -0.5, 0.0)  # deg^-0.5 with inf -> 0
    lap = -deg_inv[row] * edge_weight * deg_inv[col]

    def spmm(vec):
        # out = A @ vec with A[row, col] = lap (scatter-add over destination rows)
        return jnp.zeros_like(vec).at[row].add(lap[:, None] * vec[col])

    K = weight.shape[0]
    Tx_0 = x
    out = Tx_0 @ weight[0]
    if K > 1:
        Tx_1 = spmm(x)
        out = out + Tx_1 @ weight[1]
    for k in range(2, K):
        Tx_2 = 2.0 * spmm(Tx_1) - Tx_0
        out = out + Tx_2 @ weight[k]
        Tx_0, Tx_1 = Tx_1, Tx_2
    out = out + bias
    return out

if __name__ == "__main__":
    import jax
    _d = setup_inputs()
    print(jax.jit(kernel)(*tuple(_d.values())))

</pallas_src>

<mosaic_0001>
#map = affine_map<(d0, d1) -> (0)>
#map1 = affine_map<(d0, d1) -> (0, 0)>
module attributes {stable_mosaic.version = 14 : i64} {
  func.func @_deg_ridx(%arg0: i32, %arg1: i32, %arg2: memref<320000xi32, #tpu.memory_space<hbm>>, %arg3: memref<320000xi32, #tpu.memory_space<hbm>>, %arg4: memref<32x10000xf32, #tpu.memory_space<hbm>>, %arg5: memref<320000xi32, #tpu.memory_space<hbm>>, %arg6: memref<10000xi32, #tpu.memory_space<vmem>>, %arg7: memref<10000xi32, #tpu.memory_space<vmem>>, %arg8: memref<10000xi32, #tpu.memory_space<vmem>>, %arg9: memref<10016xf32, #tpu.memory_space<vmem>>) attributes {dimension_semantics = [#tpu.dimension_semantics<core_parallel>, #tpu.dimension_semantics<subcore_parallel>], iteration_bounds = array<i64: 2, 16>, scalar_prefetch = 0 : i64, scratch_operands = 4 : i64, tpu.core_type = #tpu.core_type<sc_vector_subcore>, window_params = [{transform_indices = #map}, {transform_indices = #map}, {transform_indices = #map1}, {transform_indices = #map}]} {
    %mul3A = arith.constant 2 : i32
    %mul3A_0 = arith.muli %arg1, %mul3A : i32
    %add3A = arith.addi %mul3A_0, %arg0 : i32
    %mul3A_1 = arith.constant 10000 : i32
    %mul3A_2 = arith.muli %add3A, %mul3A_1 : i32
    "tpu.region"() ({
      %run_scoped3A = tpu.sem_alloc : memref<!tpu.dma_semaphore, #tpu.memory_space<semaphore_mem>>
      %dma_start3A = tpu.memref_slice %arg2[%mul3A_2] : memref<320000xi32, #tpu.memory_space<hbm>> -> memref<10000xi32, #tpu.memory_space<hbm>>
      %dma_start3A_17 = tpu.memref_slice %arg2[%mul3A_2] : memref<320000xi32, #tpu.memory_space<hbm>> -> memref<10000xi32, #tpu.memory_space<hbm>>
      tpu.enqueue_dma source(%dma_start3A_17 : memref<10000xi32, #tpu.memory_space<hbm>>) target(%arg6 : memref<10000xi32, #tpu.memory_space<vmem>>) target_semaphore(%run_scoped3A : memref<!tpu.dma_semaphore, #tpu.memory_space<semaphore_mem>>)
      %dma_wait3A = tpu.memref_slice %arg2[%mul3A_2] : memref<320000xi32, #tpu.memory_space<hbm>> -> memref<10000xi32, #tpu.memory_space<hbm>>
      %dma_wait3A_18 = tpu.memref_slice %arg2[%mul3A_2] : memref<320000xi32, #tpu.memory_space<hbm>> -> memref<10000xi32, #tpu.memory_space<hbm>>
      tpu.wait_dma2 semaphore(%run_scoped3A : memref<!tpu.dma_semaphore, #tpu.memory_space<semaphore_mem>>) src(%dma_wait3A_18 : memref<10000xi32, #tpu.memory_space<hbm>>) dst(%arg6 : memref<10000xi32, #tpu.memory_space<vmem>>)
      tpu.yield
    }) : () -> ()
    "tpu.region"() ({
      %run_scoped3A = tpu.sem_alloc : memref<!tpu.dma_semaphore, #tpu.memory_space<semaphore_mem>>
      %dma_start3A = tpu.memref_slice %arg3[%mul3A_2] : memref<320000xi32, #tpu.memory_space<hbm>> -> memref<10000xi32, #tpu.memory_space<hbm>>
      %dma_start3A_17 = tpu.memref_slice %arg3[%mul3A_2] : memref<320000xi32, #tpu.memory_space<hbm>> -> memref<10000xi32, #tpu.memory_space<hbm>>
      tpu.enqueue_dma source(%dma_start3A_17 : memref<10000xi32, #tpu.memory_space<hbm>>) target(%arg7 : memref<10000xi32, #tpu.memory_space<vmem>>) target_semaphore(%run_scoped3A : memref<!tpu.dma_semaphore, #tpu.memory_space<semaphore_mem>>)
      %dma_wait3A = tpu.memref_slice %arg3[%mul3A_2] : memref<320000xi32, #tpu.memory_space<hbm>> -> memref<10000xi32, #tpu.memory_space<hbm>>
      %dma_wait3A_18 = tpu.memref_slice %arg3[%mul3A_2] : memref<320000xi32, #tpu.memory_space<hbm>> -> memref<10000xi32, #tpu.memory_space<hbm>>
      tpu.wait_dma2 semaphore(%run_scoped3A : memref<!tpu.dma_semaphore, #tpu.memory_space<semaphore_mem>>) src(%dma_wait3A_18 : memref<10000xi32, #tpu.memory_space<hbm>>) dst(%arg7 : memref<10000xi32, #tpu.memory_space<vmem>>)
      tpu.yield
    }) : () -> ()
    %broadcast_in_dim3A = arith.constant 0.000000e+00 : f32
    %broadcast_in_dim3A_3 = vector.broadcast %broadcast_in_dim3A : f32 to vector<16xf32>
    %scan3A = arith.constant 0 : i32
    %scan3A_4 = arith.constant 0 : i32
    %scan3A_5 = arith.constant 626 : i32
    %scan3A_6 = arith.addi %scan3A_4, %scan3A_5 : i32
    %scan3A_7 = arith.constant 1 : i32
    scf.for %scan3A_17 = %scan3A_4 to %scan3A_6 step %scan3A_7  : i32 {
      %mul3A_18 = arith.constant 16 : i32
      %mul3A_19 = arith.muli %scan3A_17, %mul3A_18 : i32
      %swap3A = arith.index_cast %mul3A_19 : i32 to index
      %swap3A_20 = tpu.vector_load %arg9[%swap3A] {strides = array<i32>} : memref<10016xf32, #tpu.memory_space<vmem>>, vector<16xf32>,
      tpu.vector_store %arg9[%swap3A], %broadcast_in_dim3A_3 {strides = array<i32>} : memref<10016xf32, #tpu.memory_space<vmem>>, vector<16xf32>,
    }
    %scan3A_8 = arith.constant 626 : i32
    %broadcast_in_dim3A_9 = arith.constant 1.000000e+00 : f32
    %broadcast_in_dim3A_10 = vector.broadcast %broadcast_in_dim3A_9 : f32 to vector<16xf32>
    %scan3A_11 = arith.constant 0 : i32
    %scan3A_12 = arith.constant 0 : i32
    %scan3A_13 = arith.constant 625 : i32
    %scan3A_14 = arith.addi %scan3A_12, %scan3A_13 : i32
    %scan3A_15 = arith.constant 1 : i32
    scf.for %scan3A_17 = %scan3A_12 to %scan3A_14 step %scan3A_15  : i32 {
      %mul3A_18 = arith.constant 16 : i32
      %mul3A_19 = arith.muli %scan3A_17, %mul3A_18 : i32
      %get3A = arith.index_cast %mul3A_19 : i32 to index
      %get3A_20 = tpu.vector_load %arg6[%get3A] {strides = array<i32>} : memref<10000xi32, #tpu.memory_space<vmem>>, vector<16xi32>,
      %mul3A_21 = arith.constant 16 : i32
      %mul3A_22 = arith.muli %scan3A_17, %mul3A_21 : i32
      %get3A_23 = arith.index_cast %mul3A_22 : i32 to index
      %get3A_24 = tpu.vector_load %arg7[%get3A_23] {strides = array<i32>} : memref<10000xi32, #tpu.memory_space<vmem>>, vector<16xi32>,
      %ne3A = arith.cmpi ne, %get3A_20, %get3A_24 : vector<16xi32>
      %jit3A = arith.constant 10000 : i32
      %broadcast_in_dim3A_25 = vector.broadcast %jit3A : i32 to vector<16xi32>
      %select_n3A = arith.select %ne3A, %get3A_20, %broadcast_in_dim3A_25 : vector<16xi1>, vector<16xi32>
      tpu.vector_store_idx %arg9[%select_n3A], %broadcast_in_dim3A_10 {add = true} : memref<10016xf32, #tpu.memory_space<vmem>>[vector<16xi32>], vector<16xf32>,
      %mul3A_26 = arith.constant 16 : i32
      %mul3A_27 = arith.muli %scan3A_17, %mul3A_26 : i32
      %swap3A = arith.index_cast %mul3A_27 : i32 to index
      %swap3A_28 = tpu.vector_load %arg8[%swap3A] {strides = array<i32>} : memref<10000xi32, #tpu.memory_space<vmem>>, vector<16xi32>,
      tpu.vector_store %arg8[%swap3A], %select_n3A {strides = array<i32>} : memref<10000xi32, #tpu.memory_space<vmem>>, vector<16xi32>,
    }
    %scan3A_16 = arith.constant 625 : i32
    "tpu.region"() ({
      %run_scoped3A = tpu.sem_alloc : memref<!tpu.dma_semaphore, #tpu.memory_space<semaphore_mem>>
      %dma_start3A = arith.constant 0 : i32
      %dma_start3A_17 = tpu.memref_slice %arg9[%dma_start3A] : memref<10016xf32, #tpu.memory_space<vmem>> -> memref<10000xf32, #tpu.memory_space<vmem>>
      %dma_start3A_18 = arith.constant 0 : i32
      %dma_start3A_19 = tpu.memref_slice %arg4[%add3A, %dma_start3A_18] : memref<32x10000xf32, #tpu.memory_space<hbm>> -> memref<1x10000xf32, #tpu.memory_space<hbm>>
      %dma_start3A_20 = tpu.memref_squeeze %dma_start3A_19 : memref<1x10000xf32, #tpu.memory_space<hbm>> -> memref<10000xf32, #tpu.memory_space<hbm>>
      %dma_start3A_21 = arith.constant 0 : i32
      %dma_start3A_22 = tpu.memref_slice %arg4[%add3A, %dma_start3A_21] : memref<32x10000xf32, #tpu.memory_space<hbm>> -> memref<1x10000xf32, #tpu.memory_space<hbm>>
      %dma_start3A_23 = tpu.memref_squeeze %dma_start3A_22 : memref<1x10000xf32, #tpu.memory_space<hbm>> -> memref<10000xf32, #tpu.memory_space<hbm>>
      %dma_start3A_24 = arith.constant 0 : i32
      %dma_start3A_25 = tpu.memref_slice %arg9[%dma_start3A_24] : memref<10016xf32, #tpu.memory_space<vmem>> -> memref<10000xf32, #tpu.memory_space<vmem>>
      tpu.enqueue_dma source(%dma_start3A_25 : memref<10000xf32, #tpu.memory_space<vmem>>) target(%dma_start3A_23 : memref<10000xf32, #tpu.memory_space<hbm>>) target_semaphore(%run_scoped3A : memref<!tpu.dma_semaphore, #tpu.memory_space<semaphore_mem>>)
      %dma_wait3A = arith.constant 0 : i32
      %dma_wait3A_26 = tpu.memref_slice %arg9[%dma_wait3A] : memref<10016xf32, #tpu.memory_space<vmem>> -> memref<10000xf32, #tpu.memory_space<vmem>>
      %dma_wait3A_27 = arith.constant 0 : i32
      %dma_wait3A_28 = tpu.memref_slice %arg4[%add3A, %dma_wait3A_27] : memref<32x10000xf32, #tpu.memory_space<hbm>> -> memref<1x10000xf32, #tpu.memory_space<hbm>>
      %dma_wait3A_29 = tpu.memref_squeeze %dma_wait3A_28 : memref<1x10000xf32, #tpu.memory_space<hbm>> -> memref<10000xf32, #tpu.memory_space<hbm>>
      %dma_wait3A_30 = arith.constant 0 : i32
      %dma_wait3A_31 = tpu.memref_slice %arg4[%add3A, %dma_wait3A_30] : memref<32x10000xf32, #tpu.memory_space<hbm>> -> memref<1x10000xf32, #tpu.memory_space<hbm>>
      %dma_wait3A_32 = tpu.memref_squeeze %dma_wait3A_31 : memref<1x10000xf32, #tpu.memory_space<hbm>> -> memref<10000xf32, #tpu.memory_space<hbm>>
      %dma_wait3A_33 = arith.constant 0 : i32
      %dma_wait3A_34 = tpu.memref_slice %arg9[%dma_wait3A_33] : memref<10016xf32, #tpu.memory_space<vmem>> -> memref<10000xf32, #tpu.memory_space<vmem>>
      tpu.wait_dma2 semaphore(%run_scoped3A : memref<!tpu.dma_semaphore, #tpu.memory_space<semaphore_mem>>) src(%dma_wait3A_34 : memref<10000xf32, #tpu.memory_space<vmem>>) dst(%dma_wait3A_32 : memref<10000xf32, #tpu.memory_space<hbm>>)
      tpu.yield
    }) : () -> ()
    "tpu.region"() ({
      %run_scoped3A = tpu.sem_alloc : memref<!tpu.dma_semaphore, #tpu.memory_space<semaphore_mem>>
      %dma_start3A = tpu.memref_slice %arg5[%mul3A_2] : memref<320000xi32, #tpu.memory_space<hbm>> -> memref<10000xi32, #tpu.memory_space<hbm>>
      %dma_start3A_17 = tpu.memref_slice %arg5[%mul3A_2] : memref<320000xi32, #tpu.memory_space<hbm>> -> memref<10000xi32, #tpu.memory_space<hbm>>
      tpu.enqueue_dma source(%arg8 : memref<10000xi32, #tpu.memory_space<vmem>>) target(%dma_start3A_17 : memref<10000xi32, #tpu.memory_space<hbm>>) target_semaphore(%run_scoped3A : memref<!tpu.dma_semaphore, #tpu.memory_space<semaphore_mem>>)
      %dma_wait3A = tpu.memref_slice %arg5[%mul3A_2] : memref<320000xi32, #tpu.memory_space<hbm>> -> memref<10000xi32, #tpu.memory_space<hbm>>
      %dma_wait3A_18 = tpu.memref_slice %arg5[%mul3A_2] : memref<320000xi32, #tpu.memory_space<hbm>> -> memref<10000xi32, #tpu.memory_space<hbm>>
      tpu.wait_dma2 semaphore(%run_scoped3A : memref<!tpu.dma_semaphore, #tpu.memory_space<semaphore_mem>>) src(%arg8 : memref<10000xi32, #tpu.memory_space<vmem>>) dst(%dma_wait3A_18 : memref<10000xi32, #tpu.memory_space<hbm>>)
      tpu.yield
    }) : () -> ()
    return
  }
}

#map = affine_map<(d0, d1) -> (0, 0)>
#map1 = affine_map<(d0, d1) -> (0)>
#map2 = affine_map<(d0, d1) -> (0, 0, 0)>
module attributes {stable_mosaic.version = 14 : i64} {
  func.func @_spmm(%arg0: i32, %arg1: i32, %arg2: memref<10000x144xf32, #tpu.memory_space<hbm>>, %arg3: memref<320000xi32, #tpu.memory_space<hbm>>, %arg4: memref<320000xi32, #tpu.memory_space<hbm>>, %arg5: memref<2x10000x144xf32, #tpu.memory_space<hbm>>, %arg6: memref<10000xi32, #tpu.memory_space<vmem>>, %arg7: memref<10000xi32, #tpu.memory_space<vmem>>, %arg8: memref<80xi32, #tpu.memory_space<vmem>>, %arg9: memref<80xi32, #tpu.memory_space<vmem>>, %arg10: memref<80x144xf32, #tpu.memory_space<vmem>>, %arg11: memref<16x144xf32, #tpu.memory_space<vmem>>, %arg12: memref<10016x144xf32, #tpu.memory_space<vmem_shared>>, %arg13: memref<!tpu.dma_semaphore, #tpu.memory_space<semaphore_mem>>) attributes {dimension_semantics = [#tpu.dimension_semantics<core_parallel>, #tpu.dimension_semantics<subcore_parallel>], iteration_bounds = array<i64: 2, 16>, scalar_prefetch = 0 : i64, scratch_operands = 8 : i64, tpu.core_type = #tpu.core_type<sc_vector_subcore>, window_params = [{transform_indices = #map}, {transform_indices = #map1}, {transform_indices = #map1}, {transform_indices = #map2}]} {
    %mul3A = arith.constant 2 : i32
    %mul3A_0 = arith.muli %arg1, %mul3A : i32
    %add3A = arith.addi %mul3A_0, %arg0 : i32
    %mul3A_1 = arith.constant 10000 : i32
    %mul3A_2 = arith.muli %add3A, %mul3A_1 : i32
    "tpu.region"() ({
      %run_scoped3A = tpu.sem_alloc : memref<!tpu.dma_semaphore, #tpu.memory_space<semaphore_mem>>
      %dma_start3A = tpu.memref_slice %arg3[%mul3A_2] : memref<320000xi32, #tpu.memory_space<hbm>> -> memref<10000xi32, #tpu.memory_space<hbm>>
      %dma_start3A_600 = tpu.memref_slice %arg3[%mul3A_2] : memref<320000xi32, #tpu.memory_space<hbm>> -> memref<10000xi32, #tpu.memory_space<hbm>>
      tpu.enqueue_dma source(%dma_start3A_600 : memref<10000xi32, #tpu.memory_space<hbm>>) target(%arg6 : memref<10000xi32, #tpu.memory_space<vmem>>) target_semaphore(%run_scoped3A : memref<!tpu.dma_semaphore, #tpu.memory_space<semaphore_mem>>)
      %dma_wait3A = tpu.memref_slice %arg3[%mul3A_2] : memref<320000xi32, #tpu.memory_space<hbm>> -> memref<10000xi32, #tpu.memory_space<hbm>>
      %dma_wait3A_601 = tpu.memref_slice %arg3[%mul3A_2] : memref<320000xi32, #tpu.memory_space<hbm>> -> memref<10000xi32, #tpu.memory_space<hbm>>
      tpu.wait_dma2 semaphore(%run_scoped3A : memref<!tpu.dma_semaphore, #tpu.memory_space<semaphore_mem>>) src(%dma_wait3A_601 : memref<10000xi32, #tpu.memory_space<hbm>>) dst(%arg6 : memref<10000xi32, #tpu.memory_space<vmem>>)
      tpu.yield
    }) : () -> ()
    "tpu.region"() ({
      %run_scoped3A = tpu.sem_alloc : memref<!tpu.dma_semaphore, #tpu.memory_space<semaphore_mem>>
      %dma_start3A = tpu.memref_slice %arg4[%mul3A_2] : memref<320000xi32, #tpu.memory_space<hbm>> -> memref<10000xi32, #tpu.memory_space<hbm>>
      %dma_start3A_600 = tpu.memref_slice %arg4[%mul3A_2] : memref<320000xi32, #tpu.memory_space<hbm>> -> memref<10000xi32, #tpu.memory_space<hbm>>
      tpu.enqueue_dma source(%dma_start3A_600 : memref<10000xi32, #tpu.memory_space<hbm>>) target(%arg7 : memref<10000xi32, #tpu.memory_space<vmem>>) target_semaphore(%run_scoped3A : memref<!tpu.dma_semaphore, #tpu.memory_space<semaphore_mem>>)
      %dma_wait3A = tpu.memref_slice %arg4[%mul3A_2] : memref<320000xi32, #tpu.memory_space<hbm>> -> memref<10000xi32, #tpu.memory_space<hbm>>
      %dma_wait3A_601 = tpu.memref_slice %arg4[%mul3A_2] : memref<320000xi32, #tpu.memory_space<hbm>> -> memref<10000xi32, #tpu.memory_space<hbm>>
      tpu.wait_dma2 semaphore(%run_scoped3A : memref<!tpu.dma_semaphore, #tpu.memory_space<semaphore_mem>>) src(%dma_wait3A_601 : memref<10000xi32, #tpu.memory_space<hbm>>) dst(%arg7 : memref<10000xi32, #tpu.memory_space<vmem>>)
      tpu.yield
    }) : () -> ()
    %broadcast_in_dim3A = arith.constant 0.000000e+00 : f32
    %broadcast_in_dim3A_3 = vector.broadcast %broadcast_in_dim3A : f32 to vector<16xf32>
    %swap3A = arith.constant 0 : i32
    %swap3A_4 = arith.index_cast %swap3A : i32 to index
    %swap3A_5 = arith.constant 0 : index
    %swap3A_6 = tpu.vector_load %arg11[%swap3A_4, %swap3A_5] {strides = array<i32>} : memref<16x144xf32, #tpu.memory_space<vmem>>, vector<16xf32>,
    tpu.vector_store %arg11[%swap3A_4, %swap3A_5], %broadcast_in_dim3A_3 {strides = array<i32>} : memref<16x144xf32, #tpu.memory_space<vmem>>, vector<16xf32>,
    %swap3A_7 = arith.constant 0 : i32
    %swap3A_8 = arith.index_cast %swap3A_7 : i32 to index
    %swap3A_9 = arith.constant 16 : index
    %swap3A_10 = tpu.vector_load %arg11[%swap3A_8, %swap3A_9] {strides = array<i32>} : memref<16x144xf32, #tpu.memory_space<vmem>>, vector<16xf32>,
    tpu.vector_store %arg11[%swap3A_8, %swap3A_9], %broadcast_in_dim3A_3 {strides = array<i32>} : memref<16x144xf32, #tpu.memory_space<vmem>>, vector<16xf32>,
    %swap3A_11 = arith.constant 0 : i32
    %swap3A_12 = arith.index_cast %swap3A_11 : i32 to index
    %swap3A_13 = arith.constant 32 : index
    %swap3A_14 = tpu.vector_load %arg11[%swap3A_12, %swap3A_13] {strides = array<i32>} : memref<16x144xf32, #tpu.memory_space<vmem>>, vector<16xf32>,
    tpu.vector_store %arg11[%swap3A_12, %swap3A_13], %broadcast_in_dim3A_3 {strides = array<i32>} : memref<16x144xf32, #tpu.memory_space<vmem>>, vector<16xf32>,
    %swap3A_15 = arith.constant 0 : i32
    %swap3A_16 = arith.index_cast %swap3A_15 : i32 to index
    %swap3A_17 = arith.constant 48 : index
    %swap3A_18 = tpu.vector_load %arg11[%swap3A_16, %swap3A_17] {strides = array<i32>} : memref<16x144xf32, #tpu.memory_space<vmem>>, vector<16xf32>,
    tpu.vector_store %arg11[%swap3A_16, %swap3A_17], %broadcast_in_dim3A_3 {strides = array<i32>} : memref<16x144xf32, #tpu.memory_space<vmem>>, vector<16xf32>,
    %swap3A_19 = arith.constant 0 : i32
    %swap3A_20 = arith.index_cast %swap3A_19 : i32 to index
    %swap3A_21 = arith.constant 64 : index
    %swap3A_22 = tpu.vector_load %arg11[%swap3A_20, %swap3A_21] {strides = array<i32>} : memref<16x144xf32, #tpu.memory_space<vmem>>, vector<16xf32>,
    tpu.vector_store %arg11[%swap3A_20, %swap3A_21], %broadcast_in_dim3A_3 {strides = array<i32>} : memref<16x144xf32, #tpu.memory_space<vmem>>, vector<16xf32>,
    %swap3A_23 = arith.constant 0 : i32
    %swap3A_24 = arith.index_cast %swap3A_23 : i32 to index
    %swap3A_25 = arith.constant 80 : index
    %swap3A_26 = tpu.vector_load %arg11[%swap3A_24, %swap3A_25] {strides = array<i32>} : memref<16x144xf32, #tpu.memory_space<vmem>>, vector<16xf32>,
    tpu.vector_store %arg11[%swap3A_24, %swap3A_25], %broadcast_in_dim3A_3 {strides = array<i32>} : memref<16x144xf32, #tpu.memory_space<vmem>>, vector<16xf32>,
    %swap3A_27 = arith.constant 0 : i32
    %swap3A_28 = arith.index_cast %swap3A_27 : i32 to index
    %swap3A_29 = arith.constant 96 : index
    %swap3A_30 = tpu.vector_load %arg11[%swap3A_28, %swap3A_29] {strides = array<i32>} : memref<16x144xf32, #tpu.memory_space<vmem>>, vector<16xf32>,
    tpu.vector_store %arg11[%swap3A_28, %swap3A_29], %broadcast_in_dim3A_3 {strides = array<i32>} : memref<16x144xf32, #tpu.memory_space<vmem>>, vector<16xf32>,
    %swap3A_31 = arith.constant 0 : i32
    %swap3A_32 = arith.index_cast %swap3A_31 : i32 to index
    %swap3A_33 = arith.constant 112 : index
    %swap3A_34 = tpu.vector_load %arg11[%swap3A_32, %swap3A_33] {strides = array<i32>} : memref<16x144xf32, #tpu.memory_space<vmem>>, vector<16xf32>,
    tpu.vector_store %arg11[%swap3A_32, %swap3A_33], %broadcast_in_dim3A_3 {strides = array<i32>} : memref<16x144xf32, #tpu.memory_space<vmem>>, vector<16xf32>,
    %swap3A_35 = arith.constant 0 : i32
    %swap3A_36 = arith.index_cast %swap3A_35 : i32 to index
    %swap3A_37 = arith.constant 128 : index
    %swap3A_38 = tpu.vector_load %arg11[%swap3A_36, %swap3A_37] {strides = array<i32>} : memref<16x144xf32, #tpu.memory_space<vmem>>, vector<16xf32>,
    tpu.vector_store %arg11[%swap3A_36, %swap3A_37], %broadcast_in_dim3A_3 {strides = array<i32>} : memref<16x144xf32, #tpu.memory_space<vmem>>, vector<16xf32>,
    %swap3A_39 = arith.constant 1 : i32
    %swap3A_40 = arith.index_cast %swap3A_39 : i32 to index
    %swap3A_41 = arith.constant 0 : index
    %swap3A_42 = tpu.vector_load %arg11[%swap3A_40, %swap3A_41] {strides = array<i32>} : memref<16x144xf32, #tpu.memory_space<vmem>>, vector<16xf32>,
    tpu.vector_store %arg11[%swap3A_40, %swap3A_41], %broadcast_in_dim3A_3 {strides = array<i32>} : memref<16x144xf32, #tpu.memory_space<vmem>>, vector<16xf32>,
    %swap3A_43 = arith.constant 1 : i32
    %swap3A_44 = arith.index_cast %swap3A_43 : i32 to index
    %swap3A_45 = arith.constant 16 : index
    %swap3A_46 = tpu.vector_load %arg11[%swap3A_44, %swap3A_45] {strides = array<i32>} : memref<16x144xf32, #tpu.memory_space<vmem>>, vector<16xf32>,
    tpu.vector_store %arg11[%swap3A_44, %swap3A_45], %broadcast_in_dim3A_3 {strides = array<i32>} : memref<16x144xf32, #tpu.memory_space<vmem>>, vector<16xf32>,
    %swap3A_47 = arith.constant 1 : i32
    %swap3A_48 = arith.index_cast %swap3A_47 : i32 to index
    %swap3A_49 = arith.constant 32 : index
    %swap3A_50 = tpu.vector_load %arg11[%swap3A_48, %swap3A_49] {strides = array<i32>} : memref<16x144xf32, #tpu.memory_space<vmem>>, vector<16xf32>,
    tpu.vector_store %arg11[%swap3A_48, %swap3A_49], %broadcast_in_dim3A_3 {strides = array<i32>} : memref<16x144xf32, #tpu.memory_space<vmem>>, vector<16xf32>,
    %swap3A_51 = arith.constant 1 : i32
    %swap3A_52 = arith.index_cast %swap3A_51 : i32 to index
    %swap3A_53 = arith.constant 48 : index
    %swap3A_54 = tpu.vector_load %arg11[%swap3A_52, %swap3A_53] {strides = array<i32>} : memref<16x144xf32, #tpu.memory_space<vmem>>, vector<16xf32>,
    tpu.vector_store %arg11[%swap3A_52, %swap3A_53], %broadcast_in_dim3A_3 {strides = array<i32>} : memref<16x144xf32, #tpu.memory_space<vmem>>, vector<16xf32>,
    %swap3A_55 = arith.constant 1 : i32
    %swap3A_56 = arith.index_cast %swap3A_55 : i32 to index
    %swap3A_57 = arith.constant 64 : index
    %swap3A_58 = tpu.vector_load %arg11[%swap3A_56, %swap3A_57] {strides = array<i32>} : memref<16x144xf32, #tpu.memory_space<vmem>>, vector<16xf32>,
    tpu.vector_store %arg11[%swap3A_56, %swap3A_57], %broadcast_in_dim3A_3 {strides = array<i32>} : memref<16x144xf32, #tpu.memory_space<vmem>>, vector<16xf32>,
    %swap3A_59 = arith.constant 1 : i32
    %swap3A_60 = arith.index_cast %swap3A_59 : i32 to index
    %swap3A_61 = arith.constant 80 : index
    %swap3A_62 = tpu.vector_load %arg11[%swap3A_60, %swap3A_61] {strides = array<i32>} : memref<16x144xf32, #tpu.memory_space<vmem>>, vector<16xf32>,
    tpu.vector_store %arg11[%swap3A_60, %swap3A_61], %broadcast_in_dim3A_3 {strides = array<i32>} : memref<16x144xf32, #tpu.memory_space<vmem>>, vector<16xf32>,
    %swap3A_63 = arith.constant 1 : i32
    %swap3A_64 = arith.index_cast %swap3A_63 : i32 to index
    %swap3A_65 = arith.constant 96 : index
    %swap3A_66 = tpu.vector_load %arg11[%swap3A_64, %swap3A_65] {strides = array<i32>} : memref<16x144xf32, #tpu.memory_space<vmem>>, vector<16xf32>,
    tpu.vector_store %arg11[%swap3A_64, %swap3A_65], %broadcast_in_dim3A_3 {strides = array<i32>} : memref<16x144xf32, #tpu.memory_space<vmem>>, vector<16xf32>,
    %swap3A_67 = arith.constant 1 : i32
    %swap3A_68 = arith.index_cast %swap3A_67 : i32 to index
    %swap3A_69 = arith.constant 112 : index
    %swap3A_70 = tpu.vector_load %arg11[%swap3A_68, %swap3A_69] {strides = array<i32>} : memref<16x144xf32, #tpu.memory_space<vmem>>, vector<16xf32>,
    tpu.vector_store %arg11[%swap3A_68, %swap3A_69], %broadcast_in_dim3A_3 {strides = array<i32>} : memref<16x144xf32, #tpu.memory_space<vmem>>, vector<16xf32>,
    %swap3A_71 = arith.constant 1 : i32
    %swap3A_72 = arith.index_cast %swap3A_71 : i32 to index
    %swap3A_73 = arith.constant 128 : index
    %swap3A_74 = tpu.vector_load %arg11[%swap3A_72, %swap3A_73] {strides = array<i32>} : memref<16x144xf32, #tpu.memory_space<vmem>>, vector<16xf32>,
    tpu.vector_store %arg11[%swap3A_72, %swap3A_73], %broadcast_in_dim3A_3 {strides = array<i32>} : memref<16x144xf32, #tpu.memory_space<vmem>>, vector<16xf32>,
    %swap3A_75 = arith.constant 2 : i32
    %swap3A_76 = arith.index_cast %swap3A_75 : i32 to index
    %swap3A_77 = arith.constant 0 : index
    %swap3A_78 = tpu.vector_load %arg11[%swap3A_76, %swap3A_77] {strides = array<i32>} : memref<16x144xf32, #tpu.memory_space<vmem>>, vector<16xf32>,
    tpu.vector_store %arg11[%swap3A_76, %swap3A_77], %broadcast_in_dim3A_3 {strides = array<i32>} : memref<16x144xf32, #tpu.memory_space<vmem>>, vector<16xf32>,
    %swap3A_79 = arith.constant 2 : i32
    %swap3A_80 = arith.index_cast %swap3A_79 : i32 to index
    %swap3A_81 = arith.constant 16 : index
    %swap3A_82 = tpu.vector_load %arg11[%swap3A_80, %swap3A_81] {strides = array<i32>} : memref<16x144xf32, #tpu.memory_space<vmem>>, vector<16xf32>,
    tpu.vector_store %arg11[%swap3A_80, %swap3A_81], %broadcast_in_dim3A_3 {strides = array<i32>} : memref<16x144xf32, #tpu.memory_space<vmem>>, vector<16xf32>,
    %swap3A_83 = arith.constant 2 : i32
    %swap3A_84 = arith.index_cast %swap3A_83 : i32 to index
    %swap3A_85 = arith.constant 32 : index
    %swap3A_86 = tpu.vector_load %arg11[%swap3A_84, %swap3A_85] {strides = array<i32>} : memref<16x144xf32, #tpu.memory_space<vmem>>, vector<16xf32>,
    tpu.vector_store %arg11[%swap3A_84, %swap3A_85], %broadcast_in_dim3A_3 {strides = array<i32>} : memref<16x144xf32, #tpu.memory_space<vmem>>, vector<16xf32>,
    %swap3A_87 = arith.constant 2 : i32
    %swap3A_88 = arith.index_cast %swap3A_87 : i32 to index
    %swap3A_89 = arith.constant 48 : index
    %swap3A_90 = tpu.vector_load %arg11[%swap3A_88, %swap3A_89] {strides = array<i32>} : memref<16x144xf32, #tpu.memory_space<vmem>>, vector<16xf32>,
    tpu.vector_store %arg11[%swap3A_88, %swap3A_89], %broadcast_in_dim3A_3 {strides = array<i32>} : memref<16x144xf32, #tpu.memory_space<vmem>>, vector<16xf32>,
    %swap3A_91 = arith.constant 2 : i32
    %swap3A_92 = arith.index_cast %swap3A_91 : i32 to index
    %swap3A_93 = arith.constant 64 : index
    %swap3A_94 = tpu.vector_load %arg11[%swap3A_92, %swap3A_93] {strides = array<i32>} : memref<16x144xf32, #tpu.memory_space<vmem>>, vector<16xf32>,
    tpu.vector_store %arg11[%swap3A_92, %swap3A_93], %broadcast_in_dim3A_3 {strides = array<i32>} : memref<16x144xf32, #tpu.memory_space<vmem>>, vector<16xf32>,
    %swap3A_95 = arith.constant 2 : i32
    %swap3A_96 = arith.index_cast %swap3A_95 : i32 to index
    %swap3A_97 = arith.constant 80 : index
    %swap3A_98 = tpu.vector_load %arg11[%swap3A_96, %swap3A_97] {strides = array<i32>} : memref<16x144xf32, #tpu.memory_space<vmem>>, vector<16xf32>,
    tpu.vector_store %arg11[%swap3A_96, %swap3A_97], %broadcast_in_dim3A_3 {strides = array<i32>} : memref<16x144xf32, #tpu.memory_space<vmem>>, vector<16xf32>,
    %swap3A_99 = arith.constant 2 : i32
    %swap3A_100 = arith.index_cast %swap3A_99 : i32 to index
    %swap3A_101 = arith.constant 96 : index
    %swap3A_102 = tpu.vector_load %arg11[%swap3A_100, %swap3A_101] {strides = array<i32>} : memref<16x144xf32, #tpu.memory_space<vmem>>, vector<16xf32>,
    tpu.vector_store %arg11[%swap3A_100, %swap3A_101], %broadcast_in_dim3A_3 {strides = array<i32>} : memref<16x144xf32, #tpu.memory_space<vmem>>, vector<16xf32>,
    %swap3A_103 = arith.constant 2 : i32
    %swap3A_104 = arith.index_cast %swap3A_103 : i32 to index
    %swap3A_105 = arith.constant 112 : index
    %swap3A_106 = tpu.vector_load %arg11[%swap3A_104, %swap3A_105] {strides = array<i32>} : memref<16x144xf32, #tpu.memory_space<vmem>>, vector<16xf32>,
    tpu.vector_store %arg11[%swap3A_104, %swap3A_105], %broadcast_in_dim3A_3 {strides = array<i32>} : memref<16x144xf32, #tpu.memory_space<vmem>>, vector<16xf32>,
    %swap3A_107 = arith.constant 2 : i32
    %swap3A_108 = arith.index_cast %swap3A_107 : i32 to index
    %swap3A_109 = arith.constant 128 : index
    %swap3A_110 = tpu.vector_load %arg11[%swap3A_108, %swap3A_109] {strides = array<i32>} : memref<16x144xf32, #tpu.memory_space<vmem>>, vector<16xf32>,
    tpu.vector_store %arg11[%swap3A_108, %swap3A_109], %broadcast_in_dim3A_3 {strides = array<i32>} : memref<16x144xf32, #tpu.memory_space<vmem>>, vector<16xf32>,
    %swap3A_111 = arith.constant 3 : i32
    %swap3A_112 = arith.index_cast %swap3A_111 : i32 to index
    %swap3A_113 = arith.constant 0 : index
    %swap3A_114 = tpu.vector_load %arg11[%swap3A_112, %swap3A_113] {strides = array<i32>} : memref<16x144xf32, #tpu.memory_space<vmem>>, vector<16xf32>,
    tpu.vector_store %arg11[%swap3A_112, %swap3A_113], %broadcast_in_dim3A_3 {strides = array<i32>} : memref<16x144xf32, #tpu.memory_space<vmem>>, vector<16xf32>,
    %swap3A_115 = arith.constant 3 : i32
    %swap3A_116 = arith.index_cast %swap3A_115 : i32 to index
    %swap3A_117 = arith.constant 16 : index
    %swap3A_118 = tpu.vector_load %arg11[%swap3A_116, %swap3A_117] {strides = array<i32>} : memref<16x144xf32, #tpu.memory_space<vmem>>, vector<16xf32>,
    tpu.vector_store %arg11[%swap3A_116, %swap3A_117], %broadcast_in_dim3A_3 {strides = array<i32>} : memref<16x144xf32, #tpu.memory_space<vmem>>, vector<16xf32>,
    %swap3A_119 = arith.constant 3 : i32
    %swap3A_120 = arith.index_cast %swap3A_119 : i32 to index
    %swap3A_121 = arith.constant 32 : index
    %swap3A_122 = tpu.vector_load %arg11[%swap3A_120, %swap3A_121] {strides = array<i32>} : memref<16x144xf32, #tpu.memory_space<vmem>>, vector<16xf32>,
    tpu.vector_store %arg11[%swap3A_120, %swap3A_121], %broadcast_in_dim3A_3 {strides = array<i32>} : memref<16x144xf32, #tpu.memory_space<vmem>>, vector<16xf32>,
    %swap3A_123 = arith.constant 3 : i32
    %swap3A_124 = arith.index_cast %swap3A_123 : i32 to index
    %swap3A_125 = arith.constant 48 : index
    %swap3A_126 = tpu.vector_load %arg11[%swap3A_124, %swap3A_125] {strides = array<i32>} : memref<16x144xf32, #tpu.memory_space<vmem>>, vector<16xf32>,
    tpu.vector_store %arg11[%swap3A_124, %swap3A_125], %broadcast_in_dim3A_3 {strides = array<i32>} : memref<16x144xf32, #tpu.memory_space<vmem>>, vector<16xf32>,
    %swap3A_127 = arith.constant 3 : i32
    %swap3A_128 = arith.index_cast %swap3A_127 : i32 to index
    %swap3A_129 = arith.constant 64 : index
    %swap3A_130 = tpu.vector_load %arg11[%swap3A_128, %swap3A_129] {strides = array<i32>} : memref<16x144xf32, #tpu.memory_space<vmem>>, vector<16xf32>,
    tpu.vector_store %arg11[%swap3A_128, %swap3A_129], %broadcast_in_dim3A_3 {strides = array<i32>} : memref<16x144xf32, #tpu.memory_space<vmem>>, vector<16xf32>,
    %swap3A_131 = arith.constant 3 : i32
    %swap3A_132 = arith.index_cast %swap3A_131 : i32 to index
    %swap3A_133 = arith.constant 80 : index
    %swap3A_134 = tpu.vector_load %arg11[%swap3A_132, %swap3A_133] {strides = array<i32>} : memref<16x144xf32, #tpu.memory_space<vmem>>, vector<16xf32>,
    tpu.vector_store %arg11[%swap3A_132, %swap3A_133], %broadcast_in_dim3A_3 {strides = array<i32>} : memref<16x144xf32, #tpu.memory_space<vmem>>, vector<16xf32>,
    %swap3A_135 = arith.constant 3 : i32
    %swap3A_136 = arith.index_cast %swap3A_135 : i32 to index
    %swap3A_137 = arith.constant 96 : index
    %swap3A_138 = tpu.vector_load %arg11[%swap3A_136, %swap3A_137] {strides = array<i32>} : memref<16x144xf32, #tpu.memory_space<vmem>>, vector<16xf32>,
    tpu.vector_store %arg11[%swap3A_136, %swap3A_137], %broadcast_in_dim3A_3 {strides = array<i32>} : memref<16x144xf32, #tpu.memory_space<vmem>>, vector<16xf32>,
    %swap3A_139 = arith.constant 3 : i32
    %swap3A_140 = arith.index_cast %swap3A_139 : i32 to index
    %swap3A_141 = arith.constant 112 : index
    %swap3A_142 = tpu.vector_load %arg11[%swap3A_140, %swap3A_141] {strides = array<i32>} : memref<16x144xf32, #tpu.memory_space<vmem>>, vector<16xf32>,
    tpu.vector_store %arg11[%swap3A_140, %swap3A_141], %broadcast_in_dim3A_3 {strides = array<i32>} : memref<16x144xf32, #tpu.memory_space<vmem>>, vector<16xf32>,
    %swap3A_143 = arith.constant 3 : i32
    %swap3A_144 = arith.index_cast %swap3A_143 : i32 to index
    %swap3A_145 = arith.constant 128 : index
    %swap3A_146 = tpu.vector_load %arg11[%swap3A_144, %swap3A_145] {strides = array<i32>} : memref<16x144xf32, #tpu.memory_space<vmem>>, vector<16xf32>,
    tpu.vector_store %arg11[%swap3A_144, %swap3A_145], %broadcast_in_dim3A_3 {strides = array<i32>} : memref<16x144xf32, #tpu.memory_space<vmem>>, vector<16xf32>,
    %swap3A_147 = arith.constant 4 : i32
    %swap3A_148 = arith.index_cast %swap3A_147 : i32 to index
    %swap3A_149 = arith.constant 0 : index
    %swap3A_150 = tpu.vector_load %arg11[%swap3A_148, %swap3A_149] {strides = array<i32>} : memref<16x144xf32, #tpu.memory_space<vmem>>, vector<16xf32>,
    tpu.vector_store %arg11[%swap3A_148, %swap3A_149], %broadcast_in_dim3A_3 {strides = array<i32>} : memref<16x144xf32, #tpu.memory_space<vmem>>, vector<16xf32>,
    %swap3A_151 = arith.constant 4 : i32
    %swap3A_152 = arith.index_cast %swap3A_151 : i32 to index
    %swap3A_153 = arith.constant 16 : index
    %swap3A_154 = tpu.vector_load %arg11[%swap3A_152, %swap3A_153] {strides = array<i32>} : memref<16x144xf32, #tpu.memory_space<vmem>>, vector<16xf32>,
    tpu.vector_store %arg11[%swap3A_152, %swap3A_153], %broadcast_in_dim3A_3 {strides = array<i32>} : memref<16x144xf32, #tpu.memory_space<vmem>>, vector<16xf32>,
    %swap3A_155 = arith.constant 4 : i32
    %swap3A_156 = arith.index_cast %swap3A_155 : i32 to index
    %swap3A_157 = arith.constant 32 : index
    %swap3A_158 = tpu.vector_load %arg11[%swap3A_156, %swap3A_157] {strides = array<i32>} : memref<16x144xf32, #tpu.memory_space<vmem>>, vector<16xf32>,
    tpu.vector_store %arg11[%swap3A_156, %swap3A_157], %broadcast_in_dim3A_3 {strides = array<i32>} : memref<16x144xf32, #tpu.memory_space<vmem>>, vector<16xf32>,
    %swap3A_159 = arith.constant 4 : i32
    %swap3A_160 = arith.index_cast %swap3A_159 : i32 to index
    %swap3A_161 = arith.constant 48 : index
    %swap3A_162 = tpu.vector_load %arg11[%swap3A_160, %swap3A_161] {strides = array<i32>} : memref<16x144xf32, #tpu.memory_space<vmem>>, vector<16xf32>,
    tpu.vector_store %arg11[%swap3A_160, %swap3A_161], %broadcast_in_dim3A_3 {strides = array<i32>} : memref<16x144xf32, #tpu.memory_space<vmem>>, vector<16xf32>,
    %swap3A_163 = arith.constant 4 : i32
    %swap3A_164 = arith.index_cast %swap3A_163 : i32 to index
    %swap3A_165 = arith.constant 64 : index
    %swap3A_166 = tpu.vector_load %arg11[%swap3A_164, %swap3A_165] {strides = array<i32>} : memref<16x144xf32, #tpu.memory_space<vmem>>, vector<16xf32>,
    tpu.vector_store %arg11[%swap3A_164, %swap3A_165], %broadcast_in_dim3A_3 {strides = array<i32>} : memref<16x144xf32, #tpu.memory_space<vmem>>, vector<16xf32>,
    %swap3A_167 = arith.constant 4 : i32
    %swap3A_168 = arith.index_cast %swap3A_167 : i32 to index
    %swap3A_169 = arith.constant 80 : index
    %swap3A_170 = tpu.vector_load %arg11[%swap3A_168, %swap3A_169] {strides = array<i32>} : memref<16x144xf32, #tpu.memory_space<vmem>>, vector<16xf32>,
    tpu.vector_store %arg11[%swap3A_168, %swap3A_169], %broadcast_in_dim3A_3 {strides = array<i32>} : memref<16x144xf32, #tpu.memory_space<vmem>>, vector<16xf32>,
    %swap3A_171 = arith.constant 4 : i32
    %swap3A_172 = arith.index_cast %swap3A_171 : i32 to index
    %swap3A_173 = arith.constant 96 : index
    %swap3A_174 = tpu.vector_load %arg11[%swap3A_172, %swap3A_173] {strides = array<i32>} : memref<16x144xf32, #tpu.memory_space<vmem>>, vector<16xf32>,
    tpu.vector_store %arg11[%swap3A_172, %swap3A_173], %broadcast_in_dim3A_3 {strides = array<i32>} : memref<16x144xf32, #tpu.memory_space<vmem>>, vector<16xf32>,
    %swap3A_175 = arith.constant 4 : i32
    %swap3A_176 = arith.index_cast %swap3A_175 : i32 to index
    %swap3A_177 = arith.constant 112 : index
    %swap3A_178 = tpu.vector_load %arg11[%swap3A_176, %swap3A_177] {strides = array<i32>} : memref<16x144xf32, #tpu.memory_space<vmem>>, vector<16xf32>,
    tpu.vector_store %arg11[%swap3A_176, %swap3A_177], %broadcast_in_dim3A_3 {strides = array<i32>} : memref<16x144xf32, #tpu.memory_space<vmem>>, vector<16xf32>,
    %swap3A_179 = arith.constant 4 : i32
    %swap3A_180 = arith.index_cast %swap3A_179 : i32 to index
    %swap3A_181 = arith.constant 128 : index
    %swap3A_182 = tpu.vector_load %arg11[%swap3A_180, %swap3A_181] {strides = array<i32>} : memref<16x144xf32, #tpu.memory_space<vmem>>, vector<16xf32>,
    tpu.vector_store %arg11[%swap3A_180, %swap3A_181], %broadcast_in_dim3A_3 {strides = array<i32>} : memref<16x144xf32, #tpu.memory_space<vmem>>, vector<16xf32>,
    %swap3A_183 = arith.constant 5 : i32
    %swap3A_184 = arith.index_cast %swap3A_183 : i32 to index
    %swap3A_185 = arith.constant 0 : index
    %swap3A_186 = tpu.vector_load %arg11[%swap3A_184, %swap3A_185] {strides = array<i32>} : memref<16x144xf32, #tpu.memory_space<vmem>>, vector<16xf32>,
    tpu.vector_store %arg11[%swap3A_184, %swap3A_185], %broadcast_in_dim3A_3 {strides = array<i32>} : memref<16x144xf32, #tpu.memory_space<vmem>>, vector<16xf32>,
    %swap3A_187 = arith.constant 5 : i32
    %swap3A_188 = arith.index_cast %swap3A_187 : i32 to index
    %swap3A_189 = arith.constant 16 : index
    %swap3A_190 = tpu.vector_load %arg11[%swap3A_188, %swap3A_189] {strides = array<i32>} : memref<16x144xf32, #tpu.memory_space<vmem>>, vector<16xf32>,
    tpu.vector_store %arg11[%swap3A_188, %swap3A_189], %broadcast_in_dim3A_3 {strides = array<i32>} : memref<16x144xf32, #tpu.memory_space<vmem>>, vector<16xf32>,
    %swap3A_191 = arith.constant 5 : i32
    %swap3A_192 = arith.index_cast %swap3A_191 : i32 to index
    %swap3A_193 = arith.constant 32 : index
    %swap3A_194 = tpu.vector_load %arg11[%swap3A_192, %swap3A_193] {strides = array<i32>} : memref<16x144xf32, #tpu.memory_space<vmem>>, vector<16xf32>,
    tpu.vector_store %arg11[%swap3A_192, %swap3A_193], %broadcast_in_dim3A_3 {strides = array<i32>} : memref<16x144xf32, #tpu.memory_space<vmem>>, vector<16xf32>,
    %swap3A_195 = arith.constant 5 : i32
    %swap3A_196 = arith.index_cast %swap3A_195 : i32 to index
    %swap3A_197 = arith.constant 48 : index
    %swap3A_198 = tpu.vector_load %arg11[%swap3A_196, %swap3A_197] {strides = array<i32>} : memref<16x144xf32, #tpu.memory_space<vmem>>, vector<16xf32>,
    tpu.vector_store %arg11[%swap3A_196, %swap3A_197], %broadcast_in_dim3A_3 {strides = array<i32>} : memref<16x144xf32, #tpu.memory_space<vmem>>, vector<16xf32>,
    %swap3A_199 = arith.constant 5 : i32
    %swap3A_200 = arith.index_cast %swap3A_199 : i32 to index
    %swap3A_201 = arith.constant 64 : index
    %swap3A_202 = tpu.vector_load %arg11[%swap3A_200, %swap3A_201] {strides = array<i32>} : memref<16x144xf32, #tpu.memory_space<vmem>>, vector<16xf32>,
    tpu.vector_store %arg11[%swap3A_200, %swap3A_201], %broadcast_in_dim3A_3 {strides = array<i32>} : memref<16x144xf32, #tpu.memory_space<vmem>>, vector<16xf32>,
    %swap3A_203 = arith.constant 5 : i32
    %swap3A_204 = arith.index_cast %swap3A_203 : i32 to index
    %swap3A_205 = arith.constant 80 : index
    %swap3A_206 = tpu.vector_load %arg11[%swap3A_204, %swap3A_205] {strides = array<i32>} : memref<16x144xf32, #tpu.memory_space<vmem>>, vector<16xf32>,
    tpu.vector_store %arg11[%swap3A_204, %swap3A_205], %broadcast_in_dim3A_3 {strides = array<i32>} : memref<16x144xf32, #tpu.memory_space<vmem>>, vector<16xf32>,
    %swap3A_207 = arith.constant 5 : i32
    %swap3A_208 = arith.index_cast %swap3A_207 : i32 to index
    %swap3A_209 = arith.constant 96 : index
    %swap3A_210 = tpu.vector_load %arg11[%swap3A_208, %swap3A_209] {strides = array<i32>} : memref<16x144xf32, #tpu.memory_space<vmem>>, vector<16xf32>,
    tpu.vector_store %arg11[%swap3A_208, %swap3A_209], %broadcast_in_dim3A_3 {strides = array<i32>} : memref<16x144xf32, #tpu.memory_space<vmem>>, vector<16xf32>,
    %swap3A_211 = arith.constant 5 : i32
    %swap3A_212 = arith.index_cast %swap3A_211 : i32 to index
    %swap3A_213 = arith.constant 112 : index
    %swap3A_214 = tpu.vector_load %arg11[%swap3A_212, %swap3A_213] {strides = array<i32>} : memref<16x144xf32, #tpu.memory_space<vmem>>, vector<16xf32>,
    tpu.vector_store %arg11[%swap3A_212, %swap3A_213], %broadcast_in_dim3A_3 {strides = array<i32>} : memref<16x144xf32, #tpu.memory_space<vmem>>, vector<16xf32>,
    %swap3A_215 = arith.constant 5 : i32
    %swap3A_216 = arith.index_cast %swap3A_215 : i32 to index
    %swap3A_217 = arith.constant 128 : index
    %swap3A_218 = tpu.vector_load %arg11[%swap3A_216, %swap3A_217] {strides = array<i32>} : memref<16x144xf32, #tpu.memory_space<vmem>>, vector<16xf32>,
    tpu.vector_store %arg11[%swap3A_216, %swap3A_217], %broadcast_in_dim3A_3 {strides = array<i32>} : memref<16x144xf32, #tpu.memory_space<vmem>>, vector<16xf32>,
    %swap3A_219 = arith.constant 6 : i32
    %swap3A_220 = arith.index_cast %swap3A_219 : i32 to index
    %swap3A_221 = arith.constant 0 : index
    %swap3A_222 = tpu.vector_load %arg11[%swap3A_220, %swap3A_221] {strides = array<i32>} : memref<16x144xf32, #tpu.memory_space<vmem>>, vector<16xf32>,
    tpu.vector_store %arg11[%swap3A_220, %swap3A_221], %broadcast_in_dim3A_3 {strides = array<i32>} : memref<16x144xf32, #tpu.memory_space<vmem>>, vector<16xf32>,
    %swap3A_223 = arith.constant 6 : i32
    %swap3A_224 = arith.index_cast %swap3A_223 : i32 to index
    %swap3A_225 = arith.constant 16 : index
    %swap3A_226 = tpu.vector_load %arg11[%swap3A_224, %swap3A_225] {strides = array<i32>} : memref<16x144xf32, #tpu.memory_space<vmem>>, vector<16xf32>,
    tpu.vector_store %arg11[%swap3A_224, %swap3A_225], %broadcast_in_dim3A_3 {strides = array<i32>} : memref<16x144xf32, #tpu.memory_space<vmem>>, vector<16xf32>,
    %swap3A_227 = arith.constant 6 : i32
    %swap3A_228 = arith.index_cast %swap3A_227 : i32 to index
    %swap3A_229 = arith.constant 32 : index
    %swap3A_230 = tpu.vector_load %arg11[%swap3A_228, %swap3A_229] {strides = array<i32>} : memref<16x144xf32, #tpu.memory_space<vmem>>, vector<16xf32>,
    tpu.vector_store %arg11[%swap3A_228, %swap3A_229], %broadcast_in_dim3A_3 {strides = array<i32>} : memref<16x144xf32, #tpu.memory_space<vmem>>, vector<16xf32>,
    %swap3A_231 = arith.constant 6 : i32
    %swap3A_232 = arith.index_cast %swap3A_231 : i32 to index
    %swap3A_233 = arith.constant 48 : index
    %swap3A_234 = tpu.vector_load %arg11[%swap3A_232, %swap3A_233] {strides = array<i32>} : memref<16x144xf32, #tpu.memory_space<vmem>>, vector<16xf32>,
    tpu.vector_store %arg11[%swap3A_232, %swap3A_233], %broadcast_in_dim3A_3 {strides = array<i32>} : memref<16x144xf32, #tpu.memory_space<vmem>>, vector<16xf32>,
    %swap3A_235 = arith.constant 6 : i32
    %swap3A_236 = arith.index_cast %swap3A_235 : i32 to index
    %swap3A_237 = arith.constant 64 : index
    %swap3A_238 = tpu.vector_load %arg11[%swap3A_236, %swap3A_237] {strides = array<i32>} : memref<16x144xf32, #tpu.memory_space<vmem>>, vector<16xf32>,
    tpu.vector_store %arg11[%swap3A_236, %swap3A_237], %broadcast_in_dim3A_3 {strides = array<i32>} : memref<16x144xf32, #tpu.memory_space<vmem>>, vector<16xf32>,
    %swap3A_239 = arith.constant 6 : i32
    %swap3A_240 = arith.index_cast %swap3A_239 : i32 to index
    %swap3A_241 = arith.constant 80 : index
    %swap3A_242 = tpu.vector_load %arg11[%swap3A_240, %swap3A_241] {strides = array<i32>} : memref<16x144xf32, #tpu.memory_space<vmem>>, vector<16xf32>,
    tpu.vector_store %arg11[%swap3A_240, %swap3A_241], %broadcast_in_dim3A_3 {strides = array<i32>} : memref<16x144xf32, #tpu.memory_space<vmem>>, vector<16xf32>,
    %swap3A_243 = arith.constant 6 : i32
    %swap3A_244 = arith.index_cast %swap3A_243 : i32 to index
    %swap3A_245 = arith.constant 96 : index
    %swap3A_246 = tpu.vector_load %arg11[%swap3A_244, %swap3A_245] {strides = array<i32>} : memref<16x144xf32, #tpu.memory_space<vmem>>, vector<16xf32>,
    tpu.vector_store %arg11[%swap3A_244, %swap3A_245], %broadcast_in_dim3A_3 {strides = array<i32>} : memref<16x144xf32, #tpu.memory_space<vmem>>, vector<16xf32>,
    %swap3A_247 = arith.constant 6 : i32
    %swap3A_248 = arith.index_cast %swap3A_247 : i32 to index
    %swap3A_249 = arith.constant 112 : index
    %swap3A_250 = tpu.vector_load %arg11[%swap3A_248, %swap3A_249] {strides = array<i32>} : memref<16x144xf32, #tpu.memory_space<vmem>>, vector<16xf32>,
    tpu.vector_store %arg11[%swap3A_248, %swap3A_249], %broadcast_in_dim3A_3 {strides = array<i32>} : memref<16x144xf32, #tpu.memory_space<vmem>>, vector<16xf32>,
    %swap3A_251 = arith.constant 6 : i32
    %swap3A_252 = arith.index_cast %swap3A_251 : i32 to index
    %swap3A_253 = arith.constant 128 : index
    %swap3A_254 = tpu.vector_load %arg11[%swap3A_252, %swap3A_253] {strides = array<i32>} : memref<16x144xf32, #tpu.memory_space<vmem>>, vector<16xf32>,
    tpu.vector_store %arg11[%swap3A_252, %swap3A_253], %broadcast_in_dim3A_3 {strides = array<i32>} : memref<16x144xf32, #tpu.memory_space<vmem>>, vector<16xf32>,
    %swap3A_255 = arith.constant 7 : i32
    %swap3A_256 = arith.index_cast %swap3A_255 : i32 to index
    %swap3A_257 = arith.constant 0 : index
    %swap3A_258 = tpu.vector_load %arg11[%swap3A_256, %swap3A_257] {strides = array<i32>} : memref<16x144xf32, #tpu.memory_space<vmem>>, vector<16xf32>,
    tpu.vector_store %arg11[%swap3A_256, %swap3A_257], %broadcast_in_dim3A_3 {strides = array<i32>} : memref<16x144xf32, #tpu.memory_space<vmem>>, vector<16xf32>,
    %swap3A_259 = arith.constant 7 : i32
    %swap3A_260 = arith.index_cast %swap3A_259 : i32 to index
    %swap3A_261 = arith.constant 16 : index
    %swap3A_262 = tpu.vector_load %arg11[%swap3A_260, %swap3A_261] {strides = array<i32>} : memref<16x144xf32, #tpu.memory_space<vmem>>, vector<16xf32>,
    tpu.vector_store %arg11[%swap3A_260, %swap3A_261], %broadcast_in_dim3A_3 {strides = array<i32>} : memref<16x144xf32, #tpu.memory_space<vmem>>, vector<16xf32>,
    %swap3A_263 = arith.constant 7 : i32
    %swap3A_264 = arith.index_cast %swap3A_263 : i32 to index
    %swap3A_265 = arith.constant 32 : index
    %swap3A_266 = tpu.vector_load %arg11[%swap3A_264, %swap3A_265] {strides = array<i32>} : memref<16x144xf32, #tpu.memory_space<vmem>>, vector<16xf32>,
    tpu.vector_store %arg11[%swap3A_264, %swap3A_265], %broadcast_in_dim3A_3 {strides = array<i32>} : memref<16x144xf32, #tpu.memory_space<vmem>>, vector<16xf32>,
    %swap3A_267 = arith.constant 7 : i32
    %swap3A_268 = arith.index_cast %swap3A_267 : i32 to index
    %swap3A_269 = arith.constant 48 : index
    %swap3A_270 = tpu.vector_load %arg11[%swap3A_268, %swap3A_269] {strides = array<i32>} : memref<16x144xf32, #tpu.memory_space<vmem>>, vector<16xf32>,
    tpu.vector_store %arg11[%swap3A_268, %swap3A_269], %broadcast_in_dim3A_3 {strides = array<i32>} : memref<16x144xf32, #tpu.memory_space<vmem>>, vector<16xf32>,
    %swap3A_271 = arith.constant 7 : i32
    %swap3A_272 = arith.index_cast %swap3A_271 : i32 to index
    %swap3A_273 = arith.constant 64 : index
    %swap3A_274 = tpu.vector_load %arg11[%swap3A_272, %swap3A_273] {strides = array<i32>} : memref<16x144xf32, #tpu.memory_space<vmem>>, vector<16xf32>,
    tpu.vector_store %arg11[%swap3A_272, %swap3A_273], %broadcast_in_dim3A_3 {strides = array<i32>} : memref<16x144xf32, #tpu.memory_space<vmem>>, vector<16xf32>,
    %swap3A_275 = arith.constant 7 : i32
    %swap3A_276 = arith.index_cast %swap3A_275 : i32 to index
    %swap3A_277 = arith.constant 80 : index
    %swap3A_278 = tpu.vector_load %arg11[%swap3A_276, %swap3A_277] {strides = array<i32>} : memref<16x144xf32, #tpu.memory_space<vmem>>, vector<16xf32>,
    tpu.vector_store %arg11[%swap3A_276, %swap3A_277], %broadcast_in_dim3A_3 {strides = array<i32>} : memref<16x144xf32, #tpu.memory_space<vmem>>, vector<16xf32>,
    %swap3A_279 = arith.constant 7 : i32
    %swap3A_280 = arith.index_cast %swap3A_279 : i32 to index
    %swap3A_281 = arith.constant 96 : index
    %swap3A_282 = tpu.vector_load %arg11[%swap3A_280, %swap3A_281] {strides = array<i32>} : memref<16x144xf32, #tpu.memory_space<vmem>>, vector<16xf32>,
    tpu.vector_store %arg11[%swap3A_280, %swap3A_281], %broadcast_in_dim3A_3 {strides = array<i32>} : memref<16x144xf32, #tpu.memory_space<vmem>>, vector<16xf32>,
    %swap3A_283 = arith.constant 7 : i32
    %swap3A_284 = arith.index_cast %swap3A_283 : i32 to index
    %swap3A_285 = arith.constant 112 : index
    %swap3A_286 = tpu.vector_load %arg11[%swap3A_284, %swap3A_285] {strides = array<i32>} : memref<16x144xf32, #tpu.memory_space<vmem>>, vector<16xf32>,
    tpu.vector_store %arg11[%swap3A_284, %swap3A_285], %broadcast_in_dim3A_3 {strides = array<i32>} : memref<16x144xf32, #tpu.memory_space<vmem>>, vector<16xf32>,
    %swap3A_287 = arith.constant 7 : i32
    %swap3A_288 = arith.index_cast %swap3A_287 : i32 to index
    %swap3A_289 = arith.constant 128 : index
    %swap3A_290 = tpu.vector_load %arg11[%swap3A_288, %swap3A_289] {strides = array<i32>} : memref<16x144xf32, #tpu.memory_space<vmem>>, vector<16xf32>,
    tpu.vector_store %arg11[%swap3A_288, %swap3A_289], %broadcast_in_dim3A_3 {strides = array<i32>} : memref<16x144xf32, #tpu.memory_space<vmem>>, vector<16xf32>,
    %swap3A_291 = arith.constant 8 : i32
    %swap3A_292 = arith.index_cast %swap3A_291 : i32 to index
    %swap3A_293 = arith.constant 0 : index
    %swap3A_294 = tpu.vector_load %arg11[%swap3A_292, %swap3A_293] {strides = array<i32>} : memref<16x144xf32, #tpu.memory_space<vmem>>, vector<16xf32>,
    tpu.vector_store %arg11[%swap3A_292, %swap3A_293], %broadcast_in_dim3A_3 {strides = array<i32>} : memref<16x144xf32, #tpu.memory_space<vmem>>, vector<16xf32>,
    %swap3A_295 = arith.constant 8 : i32
    %swap3A_296 = arith.index_cast %swap3A_295 : i32 to index
    %swap3A_297 = arith.constant 16 : index
    %swap3A_298 = tpu.vector_load %arg11[%swap3A_296, %swap3A_297] {strides = array<i32>} : memref<16x144xf32, #tpu.memory_space<vmem>>, vector<16xf32>,
    tpu.vector_store %arg11[%swap3A_296, %swap3A_297], %broadcast_in_dim3A_3 {strides = array<i32>} : memref<16x144xf32, #tpu.memory_space<vmem>>, vector<16xf32>,
    %swap3A_299 = arith.constant 8 : i32
    %swap3A_300 = arith.index_cast %swap3A_299 : i32 to index
    %swap3A_301 = arith.constant 32 : index
    %swap3A_302 = tpu.vector_load %arg11[%swap3A_300, %swap3A_301] {strides = array<i32>} : memref<16x144xf32, #tpu.memory_space<vmem>>, vector<16xf32>,
    tpu.vector_store %arg11[%swap3A_300, %swap3A_301], %broadcast_in_dim3A_3 {strides = array<i32>} : memref<16x144xf32, #tpu.memory_space<vmem>>, vector<16xf32>,
    %swap3A_303 = arith.constant 8 : i32
    %swap3A_304 = arith.index_cast %swap3A_303 : i32 to index
    %swap3A_305 = arith.constant 48 : index
    %swap3A_306 = tpu.vector_load %arg11[%swap3A_304, %swap3A_305] {strides = array<i32>} : memref<16x144xf32, #tpu.memory_space<vmem>>, vector<16xf32>,
    tpu.vector_store %arg11[%swap3A_304, %swap3A_305], %broadcast_in_dim3A_3 {strides = array<i32>} : memref<16x144xf32, #tpu.memory_space<vmem>>, vector<16xf32>,
    %swap3A_307 = arith.constant 8 : i32
    %swap3A_308 = arith.index_cast %swap3A_307 : i32 to index
    %swap3A_309 = arith.constant 64 : index
    %swap3A_310 = tpu.vector_load %arg11[%swap3A_308, %swap3A_309] {strides = array<i32>} : memref<16x144xf32, #tpu.memory_space<vmem>>, vector<16xf32>,
    tpu.vector_store %arg11[%swap3A_308, %swap3A_309], %broadcast_in_dim3A_3 {strides = array<i32>} : memref<16x144xf32, #tpu.memory_space<vmem>>, vector<16xf32>,
    %swap3A_311 = arith.constant 8 : i32
    %swap3A_312 = arith.index_cast %swap3A_311 : i32 to index
    %swap3A_313 = arith.constant 80 : index
    %swap3A_314 = tpu.vector_load %arg11[%swap3A_312, %swap3A_313] {strides = array<i32>} : memref<16x144xf32, #tpu.memory_space<vmem>>, vector<16xf32>,
    tpu.vector_store %arg11[%swap3A_312, %swap3A_313], %broadcast_in_dim3A_3 {strides = array<i32>} : memref<16x144xf32, #tpu.memory_space<vmem>>, vector<16xf32>,
    %swap3A_315 = arith.constant 8 : i32
    %swap3A_316 = arith.index_cast %swap3A_315 : i32 to index
    %swap3A_317 = arith.constant 96 : index
    %swap3A_318 = tpu.vector_load %arg11[%swap3A_316, %swap3A_317] {strides = array<i32>} : memref<16x144xf32, #tpu.memory_space<vmem>>, vector<16xf32>,
    tpu.vector_store %arg11[%swap3A_316, %swap3A_317], %broadcast_in_dim3A_3 {strides = array<i32>} : memref<16x144xf32, #tpu.memory_space<vmem>>, vector<16xf32>,
    %swap3A_319 = arith.constant 8 : i32
    %swap3A_320 = arith.index_cast %swap3A_319 : i32 to index
    %swap3A_321 = arith.constant 112 : index
    %swap3A_322 = tpu.vector_load %arg11[%swap3A_320, %swap3A_321] {strides = array<i32>} : memref<16x144xf32, #tpu.memory_space<vmem>>, vector<16xf32>,
    tpu.vector_store %arg11[%swap3A_320, %swap3A_321], %broadcast_in_dim3A_3 {strides = array<i32>} : memref<16x144xf32, #tpu.memory_space<vmem>>, vector<16xf32>,
    %swap3A_323 = arith.constant 8 : i32
    %swap3A_324 = arith.index_cast %swap3A_323 : i32 to index
    %swap3A_325 = arith.constant 128 : index
    %swap3A_326 = tpu.vector_load %arg11[%swap3A_324, %swap3A_325] {strides = array<i32>} : memref<16x144xf32, #tpu.memory_space<vmem>>, vector<16xf32>,
    tpu.vector_store %arg11[%swap3A_324, %swap3A_325], %broadcast_in_dim3A_3 {strides = array<i32>} : memref<16x144xf32, #tpu.memory_space<vmem>>, vector<16xf32>,
    %swap3A_327 = arith.constant 9 : i32
    %swap3A_328 = arith.index_cast %swap3A_327 : i32 to index
    %swap3A_329 = arith.constant 0 : index
    %swap3A_330 = tpu.vector_load %arg11[%swap3A_328, %swap3A_329] {strides = array<i32>} : memref<16x144xf32, #tpu.memory_space<vmem>>, vector<16xf32>,
    tpu.vector_store %arg11[%swap3A_328, %swap3A_329], %broadcast_in_dim3A_3 {strides = array<i32>} : memref<16x144xf32, #tpu.memory_space<vmem>>, vector<16xf32>,
    %swap3A_331 = arith.constant 9 : i32
    %swap3A_332 = arith.index_cast %swap3A_331 : i32 to index
    %swap3A_333 = arith.constant 16 : index
    %swap3A_334 = tpu.vector_load %arg11[%swap3A_332, %swap3A_333] {strides = array<i32>} : memref<16x144xf32, #tpu.memory_space<vmem>>, vector<16xf32>,
    tpu.vector_store %arg11[%swap3A_332, %swap3A_333], %broadcast_in_dim3A_3 {strides = array<i32>} : memref<16x144xf32, #tpu.memory_space<vmem>>, vector<16xf32>,
    %swap3A_335 = arith.constant 9 : i32
    %swap3A_336 = arith.index_cast %swap3A_335 : i32 to index
    %swap3A_337 = arith.constant 32 : index
    %swap3A_338 = tpu.vector_load %arg11[%swap3A_336, %swap3A_337] {strides = array<i32>} : memref<16x144xf32, #tpu.memory_space<vmem>>, vector<16xf32>,
    tpu.vector_store %arg11[%swap3A_336, %swap3A_337], %broadcast_in_dim3A_3 {strides = array<i32>} : memref<16x144xf32, #tpu.memory_space<vmem>>, vector<16xf32>,
    %swap3A_339 = arith.constant 9 : i32
    %swap3A_340 = arith.index_cast %swap3A_339 : i32 to index
    %swap3A_341 = arith.constant 48 : index
    %swap3A_342 = tpu.vector_load %arg11[%swap3A_340, %swap3A_341] {strides = array<i32>} : memref<16x144xf32, #tpu.memory_space<vmem>>, vector<16xf32>,
    tpu.vector_store %arg11[%swap3A_340, %swap3A_341], %broadcast_in_dim3A_3 {strides = array<i32>} : memref<16x144xf32, #tpu.memory_space<vmem>>, vector<16xf32>,
    %swap3A_343 = arith.constant 9 : i32
    %swap3A_344 = arith.index_cast %swap3A_343 : i32 to index
    %swap3A_345 = arith.constant 64 : index
    %swap3A_346 = tpu.vector_load %arg11[%swap3A_344, %swap3A_345] {strides = array<i32>} : memref<16x144xf32, #tpu.memory_space<vmem>>, vector<16xf32>,
    tpu.vector_store %arg11[%swap3A_344, %swap3A_345], %broadcast_in_dim3A_3 {strides = array<i32>} : memref<16x144xf32, #tpu.memory_space<vmem>>, vector<16xf32>,
    %swap3A_347 = arith.constant 9 : i32
    %swap3A_348 = arith.index_cast %swap3A_347 : i32 to index
    %swap3A_349 = arith.constant 80 : index
    %swap3A_350 = tpu.vector_load %arg11[%swap3A_348, %swap3A_349] {strides = array<i32>} : memref<16x144xf32, #tpu.memory_space<vmem>>, vector<16xf32>,
    tpu.vector_store %arg11[%swap3A_348, %swap3A_349], %broadcast_in_dim3A_3 {strides = array<i32>} : memref<16x144xf32, #tpu.memory_space<vmem>>, vector<16xf32>,
    %swap3A_351 = arith.constant 9 : i32
    %swap3A_352 = arith.index_cast %swap3A_351 : i32 to index
    %swap3A_353 = arith.constant 96 : index
    %swap3A_354 = tpu.vector_load %arg11[%swap3A_352, %swap3A_353] {strides = array<i32>} : memref<16x144xf32, #tpu.memory_space<vmem>>, vector<16xf32>,
    tpu.vector_store %arg11[%swap3A_352, %swap3A_353], %broadcast_in_dim3A_3 {strides = array<i32>} : memref<16x144xf32, #tpu.memory_space<vmem>>, vector<16xf32>,
    %swap3A_355 = arith.constant 9 : i32
    %swap3A_356 = arith.index_cast %swap3A_355 : i32 to index
    %swap3A_357 = arith.constant 112 : index
    %swap3A_358 = tpu.vector_load %arg11[%swap3A_356, %swap3A_357] {strides = array<i32>} : memref<16x144xf32, #tpu.memory_space<vmem>>, vector<16xf32>,
    tpu.vector_store %arg11[%swap3A_356, %swap3A_357], %broadcast_in_dim3A_3 {strides = array<i32>} : memref<16x144xf32, #tpu.memory_space<vmem>>, vector<16xf32>,
    %swap3A_359 = arith.constant 9 : i32
    %swap3A_360 = arith.index_cast %swap3A_359 : i32 to index
    %swap3A_361 = arith.constant 128 : index
    %swap3A_362 = tpu.vector_load %arg11[%swap3A_360, %swap3A_361] {strides = array<i32>} : memref<16x144xf32, #tpu.memory_space<vmem>>, vector<16xf32>,
    tpu.vector_store %arg11[%swap3A_360, %swap3A_361], %broadcast_in_dim3A_3 {strides = array<i32>} : memref<16x144xf32, #tpu.memory_space<vmem>>, vector<16xf32>,
    %swap3A_363 = arith.constant 10 : i32
    %swap3A_364 = arith.index_cast %swap3A_363 : i32 to index
    %swap3A_365 = arith.constant 0 : index
    %swap3A_366 = tpu.vector_load %arg11[%swap3A_364, %swap3A_365] {strides = array<i32>} : memref<16x144xf32, #tpu.memory_space<vmem>>, vector<16xf32>,
    tpu.vector_store %arg11[%swap3A_364, %swap3A_365], %broadcast_in_dim3A_3 {strides = array<i32>} : memref<16x144xf32, #tpu.memory_space<vmem>>, vector<16xf32>,
    %swap3A_367 = arith.constant 10 : i32
    %swap3A_368 = arith.index_cast %swap3A_367 : i32 to index
    %swap3A_369 = arith.constant 16 : index
    %swap3A_370 = tpu.vector_load %arg11[%swap3A_368, %swap3A_369] {strides = array<i32>} : memref<16x144xf32, #tpu.memory_space<vmem>>, vector<16xf32>,
    tpu.vector_store %arg11[%swap3A_368, %swap3A_369], %broadcast_in_dim3A_3 {strides = array<i32>} : memref<16x144xf32, #tpu.memory_space<vmem>>, vector<16xf32>,
    %swap3A_371 = arith.constant 10 : i32
    %swap3A_372 = arith.index_cast %swap3A_371 : i32 to index
    %swap3A_373 = arith.constant 32 : index
    %swap3A_374 = tpu.vector_load %arg11[%swap3A_372, %swap3A_373] {strides = array<i32>} : memref<16x144xf32, #tpu.memory_space<vmem>>, vector<16xf32>,
    tpu.vector_store %arg11[%swap3A_372, %swap3A_373], %broadcast_in_dim3A_3 {strides = array<i32>} : memref<16x144xf32, #tpu.memory_space<vmem>>, vector<16xf32>,
    %swap3A_375 = arith.constant 10 : i32
    %swap3A_376 = arith.index_cast %swap3A_375 : i32 to index
    %swap3A_377 = arith.constant 48 : index
    %swap3A_378 = tpu.vector_load %arg11[%swap3A_376, %swap3A_377] {strides = array<i32>} : memref<16x144xf32, #tpu.memory_space<vmem>>, vector<16xf32>,
    tpu.vector_store %arg11[%swap3A_376, %swap3A_377], %broadcast_in_dim3A_3 {strides = array<i32>} : memref<16x144xf32, #tpu.memory_space<vmem>>, vector<16xf32>,
    %swap3A_379 = arith.constant 10 : i32
    %swap3A_380 = arith.index_cast %swap3A_379 : i32 to index
    %swap3A_381 = arith.constant 64 : index
    %swap3A_382 = tpu.vector_load %arg11[%swap3A_380, %swap3A_381] {strides = array<i32>} : memref<16x144xf32, #tpu.memory_space<vmem>>, vector<16xf32>,
    tpu.vector_store %arg11[%swap3A_380, %swap3A_381], %broadcast_in_dim3A_3 {strides = array<i32>} : memref<16x144xf32, #tpu.memory_space<vmem>>, vector<16xf32>,
    %swap3A_383 = arith.constant 10 : i32
    %swap3A_384 = arith.index_cast %swap3A_383 : i32 to index
    %swap3A_385 = arith.constant 80 : index
    %swap3A_386 = tpu.vector_load %arg11[%swap3A_384, %swap3A_385] {strides = array<i32>} : memref<16x144xf32, #tpu.memory_space<vmem>>, vector<16xf32>,
    tpu.vector_store %arg11[%swap3A_384, %swap3A_385], %broadcast_in_dim3A_3 {strides = array<i32>} : memref<16x144xf32, #tpu.memory_space<vmem>>, vector<16xf32>,
    %swap3A_387 = arith.constant 10 : i32
    %swap3A_388 = arith.index_cast %swap3A_387 : i32 to index
    %swap3A_389 = arith.constant 96 : index
    %swap3A_390 = tpu.vector_load %arg11[%swap3A_388, %swap3A_389] {strides = array<i32>} : memref<16x144xf32, #tpu.memory_space<vmem>>, vector<16xf32>,
    tpu.vector_store %arg11[%swap3A_388, %swap3A_389], %broadcast_in_dim3A_3 {strides = array<i32>} : memref<16x144xf32, #tpu.memory_space<vmem>>, vector<16xf32>,
    %swap3A_391 = arith.constant 10 : i32
    %swap3A_392 = arith.index_cast %swap3A_391 : i32 to index
    %swap3A_393 = arith.constant 112 : index
    %swap3A_394 = tpu.vector_load %arg11[%swap3A_392, %swap3A_393] {strides = array<i32>} : memref<16x144xf32, #tpu.memory_space<vmem>>, vector<16xf32>,
    tpu.vector_store %arg11[%swap3A_392, %swap3A_393], %broadcast_in_dim3A_3 {strides = array<i32>} : memref<16x144xf32, #tpu.memory_space<vmem>>, vector<16xf32>,
    %swap3A_395 = arith.constant 10 : i32
    %swap3A_396 = arith.index_cast %swap3A_395 : i32 to index
    %swap3A_397 = arith.constant 128 : index
    %swap3A_398 = tpu.vector_load %arg11[%swap3A_396, %swap3A_397] {strides = array<i32>} : memref<16x144xf32, #tpu.memory_space<vmem>>, vector<16xf32>,
    tpu.vector_store %arg11[%swap3A_396, %swap3A_397], %broadcast_in_dim3A_3 {strides = array<i32>} : memref<16x144xf32, #tpu.memory_space<vmem>>, vector<16xf32>,
    %swap3A_399 = arith.constant 11 : i32
    %swap3A_400 = arith.index_cast %swap3A_399 : i32 to index
    %swap3A_401 = arith.constant 0 : index
    %swap3A_402 = tpu.vector_load %arg11[%swap3A_400, %swap3A_401] {strides = array<i32>} : memref<16x144xf32, #tpu.memory_space<vmem>>, vector<16xf32>,
    tpu.vector_store %arg11[%swap3A_400, %swap3A_401], %broadcast_in_dim3A_3 {strides = array<i32>} : memref<16x144xf32, #tpu.memory_space<vmem>>, vector<16xf32>,
    %swap3A_403 = arith.constant 11 : i32
    %swap3A_404 = arith.index_cast %swap3A_403 : i32 to index
    %swap3A_405 = arith.constant 16 : index
    %swap3A_406 = tpu.vector_load %arg11[%swap3A_404, %swap3A_405] {strides = array<i32>} : memref<16x144xf32, #tpu.memory_space<vmem>>, vector<16xf32>,
    tpu.vector_store %arg11[%swap3A_404, %swap3A_405], %broadcast_in_dim3A_3 {strides = array<i32>} : memref<16x144xf32, #tpu.memory_space<vmem>>, vector<16xf32>,
    %swap3A_407 = arith.constant 11 : i32
    %swap3A_408 = arith.index_cast %swap3A_407 : i32 to index
    %swap3A_409 = arith.constant 32 : index
    %swap3A_410 = tpu.vector_load %arg11[%swap3A_408, %swap3A_409] {strides = array<i32>} : memref<16x144xf32, #tpu.memory_space<vmem>>, vector<16xf32>,
    tpu.vector_store %arg11[%swap3A_408, %swap3A_409], %broadcast_in_dim3A_3 {strides = array<i32>} : memref<16x144xf32, #tpu.memory_space<vmem>>, vector<16xf32>,
    %swap3A_411 = arith.constant 11 : i32
    %swap3A_412 = arith.index_cast %swap3A_411 : i32 to index
    %swap3A_413 = arith.constant 48 : index
    %swap3A_414 = tpu.vector_load %arg11[%swap3A_412, %swap3A_413] {strides = array<i32>} : memref<16x144xf32, #tpu.memory_space<vmem>>, vector<16xf32>,
    tpu.vector_store %arg11[%swap3A_412, %swap3A_413], %broadcast_in_dim3A_3 {strides = array<i32>} : memref<16x144xf32, #tpu.memory_space<vmem>>, vector<16xf32>,
    %swap3A_415 = arith.constant 11 : i32
    %swap3A_416 = arith.index_cast %swap3A_415 : i32 to index
    %swap3A_417 = arith.constant 64 : index
    %swap3A_418 = tpu.vector_load %arg11[%swap3A_416, %swap3A_417] {strides = array<i32>} : memref<16x144xf32, #tpu.memory_space<vmem>>, vector<16xf32>,
    tpu.vector_store %arg11[%swap3A_416, %swap3A_417], %broadcast_in_dim3A_3 {strides = array<i32>} : memref<16x144xf32, #tpu.memory_space<vmem>>, vector<16xf32>,
    %swap3A_419 = arith.constant 11 : i32
    %swap3A_420 = arith.index_cast %swap3A_419 : i32 to index
    %swap3A_421 = arith.constant 80 : index
    %swap3A_422 = tpu.vector_load %arg11[%swap3A_420, %swap3A_421] {strides = array<i32>} : memref<16x144xf32, #tpu.memory_space<vmem>>, vector<16xf32>,
    tpu.vector_store %arg11[%swap3A_420, %swap3A_421], %broadcast_in_dim3A_3 {strides = array<i32>} : memref<16x144xf32, #tpu.memory_space<vmem>>, vector<16xf32>,
    %swap3A_423 = arith.constant 11 : i32
    %swap3A_424 = arith.index_cast %swap3A_423 : i32 to index
    %swap3A_425 = arith.constant 96 : index
    %swap3A_426 = tpu.vector_load %arg11[%swap3A_424, %swap3A_425] {strides = array<i32>} : memref<16x144xf32, #tpu.memory_space<vmem>>, vector<16xf32>,
    tpu.vector_store %arg11[%swap3A_424, %swap3A_425], %broadcast_in_dim3A_3 {strides = array<i32>} : memref<16x144xf32, #tpu.memory_space<vmem>>, vector<16xf32>,
    %swap3A_427 = arith.constant 11 : i32
    %swap3A_428 = arith.index_cast %swap3A_427 : i32 to index
    %swap3A_429 = arith.constant 112 : index
    %swap3A_430 = tpu.vector_load %arg11[%swap3A_428, %swap3A_429] {strides = array<i32>} : memref<16x144xf32, #tpu.memory_space<vmem>>, vector<16xf32>,
    tpu.vector_store %arg11[%swap3A_428, %swap3A_429], %broadcast_in_dim3A_3 {strides = array<i32>} : memref<16x144xf32, #tpu.memory_space<vmem>>, vector<16xf32>,
    %swap3A_431 = arith.constant 11 : i32
    %swap3A_432 = arith.index_cast %swap3A_431 : i32 to index
    %swap3A_433 = arith.constant 128 : index
    %swap3A_434 = tpu.vector_load %arg11[%swap3A_432, %swap3A_433] {strides = array<i32>} : memref<16x144xf32, #tpu.memory_space<vmem>>, vector<16xf32>,
    tpu.vector_store %arg11[%swap3A_432, %swap3A_433], %broadcast_in_dim3A_3 {strides = array<i32>} : memref<16x144xf32, #tpu.memory_space<vmem>>, vector<16xf32>,
    %swap3A_435 = arith.constant 12 : i32
    %swap3A_436 = arith.index_cast %swap3A_435 : i32 to index
    %swap3A_437 = arith.constant 0 : index
    %swap3A_438 = tpu.vector_load %arg11[%swap3A_436, %swap3A_437] {strides = array<i32>} : memref<16x144xf32, #tpu.memory_space<vmem>>, vector<16xf32>,
    tpu.vector_store %arg11[%swap3A_436, %swap3A_437], %broadcast_in_dim3A_3 {strides = array<i32>} : memref<16x144xf32, #tpu.memory_space<vmem>>, vector<16xf32>,
    %swap3A_439 = arith.constant 12 : i32
    %swap3A_440 = arith.index_cast %swap3A_439 : i32 to index
    %swap3A_441 = arith.constant 16 : index
    %swap3A_442 = tpu.vector_load %arg11[%swap3A_440, %swap3A_441] {strides = array<i32>} : memref<16x144xf32, #tpu.memory_space<vmem>>, vector<16xf32>,
    tpu.vector_store %arg11[%swap3A_440, %swap3A_441], %broadcast_in_dim3A_3 {strides = array<i32>} : memref<16x144xf32, #tpu.memory_space<vmem>>, vector<16xf32>,
    %swap3A_443 = arith.constant 12 : i32
    %swap3A_444 = arith.index_cast %swap3A_443 : i32 to index
    %swap3A_445 = arith.constant 32 : index
    %swap3A_446 = tpu.vector_load %arg11[%swap3A_444, %swap3A_445] {strides = array<i32>} : memref<16x144xf32, #tpu.memory_space<vmem>>, vector<16xf32>,
    tpu.vector_store %arg11[%swap3A_444, %swap3A_445], %broadcast_in_dim3A_3 {strides = array<i32>} : memref<16x144xf32, #tpu.memory_space<vmem>>, vector<16xf32>,
    %swap3A_447 = arith.constant 12 : i32
    %swap3A_448 = arith.index_cast %swap3A_447 : i32 to index
    %swap3A_449 = arith.constant 48 : index
    %swap3A_450 = tpu.vector_load %arg11[%swap3A_448, %swap3A_449] {strides = array<i32>} : memref<16x144xf32, #tpu.memory_space<vmem>>, vector<16xf32>,
    tpu.vector_store %arg11[%swap3A_448, %swap3A_449], %broadcast_in_dim3A_3 {strides = array<i32>} : memref<16x144xf32, #tpu.memory_space<vmem>>, vector<16xf32>,
    %swap3A_451 = arith.constant 12 : i32
    %swap3A_452 = arith.index_cast %swap3A_451 : i32 to index
    %swap3A_453 = arith.constant 64 : index
    %swap3A_454 = tpu.vector_load %arg11[%swap3A_452, %swap3A_453] {strides = array<i32>} : memref<16x144xf32, #tpu.memory_space<vmem>>, vector<16xf32>,
    tpu.vector_store %arg11[%swap3A_452, %swap3A_453], %broadcast_in_dim3A_3 {strides = array<i32>} : memref<16x144xf32, #tpu.memory_space<vmem>>, vector<16xf32>,
    %swap3A_455 = arith.constant 12 : i32
    %swap3A_456 = arith.index_cast %swap3A_455 : i32 to index
    %swap3A_457 = arith.constant 80 : index
    %swap3A_458 = tpu.vector_load %arg11[%swap3A_456, %swap3A_457] {strides = array<i32>} : memref<16x144xf32, #tpu.memory_space<vmem>>, vector<16xf32>,
    tpu.vector_store %arg11[%swap3A_456, %swap3A_457], %broadcast_in_dim3A_3 {strides = array<i32>} : memref<16x144xf32, #tpu.memory_space<vmem>>, vector<16xf32>,
    %swap3A_459 = arith.constant 12 : i32
    %swap3A_460 = arith.index_cast %swap3A_459 : i32 to index
    %swap3A_461 = arith.constant 96 : index
    %swap3A_462 = tpu.vector_load %arg11[%swap3A_460, %swap3A_461] {strides = array<i32>} : memref<16x144xf32, #tpu.memory_space<vmem>>, vector<16xf32>,
    tpu.vector_store %arg11[%swap3A_460, %swap3A_461], %broadcast_in_dim3A_3 {strides = array<i32>} : memref<16x144xf32, #tpu.memory_space<vmem>>, vector<16xf32>,
    %swap3A_463 = arith.constant 12 : i32
    %swap3A_464 = arith.index_cast %swap3A_463 : i32 to index
    %swap3A_465 = arith.constant 112 : index
    %swap3A_466 = tpu.vector_load %arg11[%swap3A_464, %swap3A_465] {strides = array<i32>} : memref<16x144xf32, #tpu.memory_space<vmem>>, vector<16xf32>,
    tpu.vector_store %arg11[%swap3A_464, %swap3A_465], %broadcast_in_dim3A_3 {strides = array<i32>} : memref<16x144xf32, #tpu.memory_space<vmem>>, vector<16xf32>,
    %swap3A_467 = arith.constant 12 : i32
    %swap3A_468 = arith.index_cast %swap3A_467 : i32 to index
    %swap3A_469 = arith.constant 128 : index
    %swap3A_470 = tpu.vector_load %arg11[%swap3A_468, %swap3A_469] {strides = array<i32>} : memref<16x144xf32, #tpu.memory_space<vmem>>, vector<16xf32>,
    tpu.vector_store %arg11[%swap3A_468, %swap3A_469], %broadcast_in_dim3A_3 {strides = array<i32>} : memref<16x144xf32, #tpu.memory_space<vmem>>, vector<16xf32>,
    %swap3A_471 = arith.constant 13 : i32
    %swap3A_472 = arith.index_cast %swap3A_471 : i32 to index
    %swap3A_473 = arith.constant 0 : index
    %swap3A_474 = tpu.vector_load %arg11[%swap3A_472, %swap3A_473] {strides = array<i32>} : memref<16x144xf32, #tpu.memory_space<vmem>>, vector<16xf32>,
    tpu.vector_store %arg11[%swap3A_472, %swap3A_473], %broadcast_in_dim3A_3 {strides = array<i32>} : memref<16x144xf32, #tpu.memory_space<vmem>>, vector<16xf32>,
    %swap3A_475 = arith.constant 13 : i32
    %swap3A_476 = arith.index_cast %swap3A_475 : i32 to index
    %swap3A_477 = arith.constant 16 : index
    %swap3A_478 = tpu.vector_load %arg11[%swap3A_476, %swap3A_477] {strides = array<i32>} : memref<16x144xf32, #tpu.memory_space<vmem>>, vector<16xf32>,
    tpu.vector_store %arg11[%swap3A_476, %swap3A_477], %broadcast_in_dim3A_3 {strides = array<i32>} : memref<16x144xf32, #tpu.memory_space<vmem>>, vector<16xf32>,
    %swap3A_479 = arith.constant 13 : i32
    %swap3A_480 = arith.index_cast %swap3A_479 : i32 to index
    %swap3A_481 = arith.constant 32 : index
    %swap3A_482 = tpu.vector_load %arg11[%swap3A_480, %swap3A_481] {strides = array<i32>} : memref<16x144xf32, #tpu.memory_space<vmem>>, vector<16xf32>,
    tpu.vector_store %arg11[%swap3A_480, %swap3A_481], %broadcast_in_dim3A_3 {strides = array<i32>} : memref<16x144xf32, #tpu.memory_space<vmem>>, vector<16xf32>,
    %swap3A_483 = arith.constant 13 : i32
    %swap3A_484 = arith.index_cast %swap3A_483 : i32 to index
    %swap3A_485 = arith.constant 48 : index
    %swap3A_486 = tpu.vector_load %arg11[%swap3A_484, %swap3A_485] {strides = array<i32>} : memref<16x144xf32, #tpu.memory_space<vmem>>, vector<16xf32>,
    tpu.vector_store %arg11[%swap3A_484, %swap3A_485], %broadcast_in_dim3A_3 {strides = array<i32>} : memref<16x144xf32, #tpu.memory_space<vmem>>, vector<16xf32>,
    %swap3A_487 = arith.constant 13 : i32
    %swap3A_488 = arith.index_cast %swap3A_487 : i32 to index
    %swap3A_489 = arith.constant 64 : index
    %swap3A_490 = tpu.vector_load %arg11[%swap3A_488, %swap3A_489] {strides = array<i32>} : memref<16x144xf32, #tpu.memory_space<vmem>>, vector<16xf32>,
    tpu.vector_store %arg11[%swap3A_488, %swap3A_489], %broadcast_in_dim3A_3 {strides = array<i32>} : memref<16x144xf32, #tpu.memory_space<vmem>>, vector<16xf32>,
    %swap3A_491 = arith.constant 13 : i32
    %swap3A_492 = arith.index_cast %swap3A_491 : i32 to index
    %swap3A_493 = arith.constant 80 : index
    %swap3A_494 = tpu.vector_load %arg11[%swap3A_492, %swap3A_493] {strides = array<i32>} : memref<16x144xf32, #tpu.memory_space<vmem>>, vector<16xf32>,
    tpu.vector_store %arg11[%swap3A_492, %swap3A_493], %broadcast_in_dim3A_3 {strides = array<i32>} : memref<16x144xf32, #tpu.memory_space<vmem>>, vector<16xf32>,
    %swap3A_495 = arith.constant 13 : i32
    %swap3A_496 = arith.index_cast %swap3A_495 : i32 to index
    %swap3A_497 = arith.constant 96 : index
    %swap3A_498 = tpu.vector_load %arg11[%swap3A_496, %swap3A_497] {strides = array<i32>} : memref<16x144xf32, #tpu.memory_space<vmem>>, vector<16xf32>,
    tpu.vector_store %arg11[%swap3A_496, %swap3A_497], %broadcast_in_dim3A_3 {strides = array<i32>} : memref<16x144xf32, #tpu.memory_space<vmem>>, vector<16xf32>,
    %swap3A_499 = arith.constant 13 : i32
    %swap3A_500 = arith.index_cast %swap3A_499 : i32 to index
    %swap3A_501 = arith.constant 112 : index
    %swap3A_502 = tpu.vector_load %arg11[%swap3A_500, %swap3A_501] {strides = array<i32>} : memref<16x144xf32, #tpu.memory_space<vmem>>, vector<16xf32>,
    tpu.vector_store %arg11[%swap3A_500, %swap3A_501], %broadcast_in_dim3A_3 {strides = array<i32>} : memref<16x144xf32, #tpu.memory_space<vmem>>, vector<16xf32>,
    %swap3A_503 = arith.constant 13 : i32
    %swap3A_504 = arith.index_cast %swap3A_503 : i32 to index
    %swap3A_505 = arith.constant 128 : index
    %swap3A_506 = tpu.vector_load %arg11[%swap3A_504, %swap3A_505] {strides = array<i32>} : memref<16x144xf32, #tpu.memory_space<vmem>>, vector<16xf32>,
    tpu.vector_store %arg11[%swap3A_504, %swap3A_505], %broadcast_in_dim3A_3 {strides = array<i32>} : memref<16x144xf32, #tpu.memory_space<vmem>>, vector<16xf32>,
    %swap3A_507 = arith.constant 14 : i32
    %swap3A_508 = arith.index_cast %swap3A_507 : i32 to index
    %swap3A_509 = arith.constant 0 : index
    %swap3A_510 = tpu.vector_load %arg11[%swap3A_508, %swap3A_509] {strides = array<i32>} : memref<16x144xf32, #tpu.memory_space<vmem>>, vector<16xf32>,
    tpu.vector_store %arg11[%swap3A_508, %swap3A_509], %broadcast_in_dim3A_3 {strides = array<i32>} : memref<16x144xf32, #tpu.memory_space<vmem>>, vector<16xf32>,
    %swap3A_511 = arith.constant 14 : i32
    %swap3A_512 = arith.index_cast %swap3A_511 : i32 to index
    %swap3A_513 = arith.constant 16 : index
    %swap3A_514 = tpu.vector_load %arg11[%swap3A_512, %swap3A_513] {strides = array<i32>} : memref<16x144xf32, #tpu.memory_space<vmem>>, vector<16xf32>,
    tpu.vector_store %arg11[%swap3A_512, %swap3A_513], %broadcast_in_dim3A_3 {strides = array<i32>} : memref<16x144xf32, #tpu.memory_space<vmem>>, vector<16xf32>,
    %swap3A_515 = arith.constant 14 : i32
    %swap3A_516 = arith.index_cast %swap3A_515 : i32 to index
    %swap3A_517 = arith.constant 32 : index
    %swap3A_518 = tpu.vector_load %arg11[%swap3A_516, %swap3A_517] {strides = array<i32>} : memref<16x144xf32, #tpu.memory_space<vmem>>, vector<16xf32>,
    tpu.vector_store %arg11[%swap3A_516, %swap3A_517], %broadcast_in_dim3A_3 {strides = array<i32>} : memref<16x144xf32, #tpu.memory_space<vmem>>, vector<16xf32>,
    %swap3A_519 = arith.constant 14 : i32
    %swap3A_520 = arith.index_cast %swap3A_519 : i32 to index
    %swap3A_521 = arith.constant 48 : index
    %swap3A_522 = tpu.vector_load %arg11[%swap3A_520, %swap3A_521] {strides = array<i32>} : memref<16x144xf32, #tpu.memory_space<vmem>>, vector<16xf32>,
    tpu.vector_store %arg11[%swap3A_520, %swap3A_521], %broadcast_in_dim3A_3 {strides = array<i32>} : memref<16x144xf32, #tpu.memory_space<vmem>>, vector<16xf32>,
    %swap3A_523 = arith.constant 14 : i32
    %swap3A_524 = arith.index_cast %swap3A_523 : i32 to index
    %swap3A_525 = arith.constant 64 : index
    %swap3A_526 = tpu.vector_load %arg11[%swap3A_524, %swap3A_525] {strides = array<i32>} : memref<16x144xf32, #tpu.memory_space<vmem>>, vector<16xf32>,
    tpu.vector_store %arg11[%swap3A_524, %swap3A_525], %broadcast_in_dim3A_3 {strides = array<i32>} : memref<16x144xf32, #tpu.memory_space<vmem>>, vector<16xf32>,
    %swap3A_527 = arith.constant 14 : i32
    %swap3A_528 = arith.index_cast %swap3A_527 : i32 to index
    %swap3A_529 = arith.constant 80 : index
    %swap3A_530 = tpu.vector_load %arg11[%swap3A_528, %swap3A_529] {strides = array<i32>} : memref<16x144xf32, #tpu.memory_space<vmem>>, vector<16xf32>,
    tpu.vector_store %arg11[%swap3A_528, %swap3A_529], %broadcast_in_dim3A_3 {strides = array<i32>} : memref<16x144xf32, #tpu.memory_space<vmem>>, vector<16xf32>,
    %swap3A_531 = arith.constant 14 : i32
    %swap3A_532 = arith.index_cast %swap3A_531 : i32 to index
    %swap3A_533 = arith.constant 96 : index
    %swap3A_534 = tpu.vector_load %arg11[%swap3A_532, %swap3A_533] {strides = array<i32>} : memref<16x144xf32, #tpu.memory_space<vmem>>, vector<16xf32>,
    tpu.vector_store %arg11[%swap3A_532, %swap3A_533], %broadcast_in_dim3A_3 {strides = array<i32>} : memref<16x144xf32, #tpu.memory_space<vmem>>, vector<16xf32>,
    %swap3A_535 = arith.constant 14 : i32
    %swap3A_536 = arith.index_cast %swap3A_535 : i32 to index
    %swap3A_537 = arith.constant 112 : index
    %swap3A_538 = tpu.vector_load %arg11[%swap3A_536, %swap3A_537] {strides = array<i32>} : memref<16x144xf32, #tpu.memory_space<vmem>>, vector<16xf32>,
    tpu.vector_store %arg11[%swap3A_536, %swap3A_537], %broadcast_in_dim3A_3 {strides = array<i32>} : memref<16x144xf32, #tpu.memory_space<vmem>>, vector<16xf32>,
    %swap3A_539 = arith.constant 14 : i32
    %swap3A_540 = arith.index_cast %swap3A_539 : i32 to index
    %swap3A_541 = arith.constant 128 : index
    %swap3A_542 = tpu.vector_load %arg11[%swap3A_540, %swap3A_541] {strides = array<i32>} : memref<16x144xf32, #tpu.memory_space<vmem>>, vector<16xf32>,
    tpu.vector_store %arg11[%swap3A_540, %swap3A_541], %broadcast_in_dim3A_3 {strides = array<i32>} : memref<16x144xf32, #tpu.memory_space<vmem>>, vector<16xf32>,
    %swap3A_543 = arith.constant 15 : i32
    %swap3A_544 = arith.index_cast %swap3A_543 : i32 to index
    %swap3A_545 = arith.constant 0 : index
    %swap3A_546 = tpu.vector_load %arg11[%swap3A_544, %swap3A_545] {strides = array<i32>} : memref<16x144xf32, #tpu.memory_space<vmem>>, vector<16xf32>,
    tpu.vector_store %arg11[%swap3A_544, %swap3A_545], %broadcast_in_dim3A_3 {strides = array<i32>} : memref<16x144xf32, #tpu.memory_space<vmem>>, vector<16xf32>,
    %swap3A_547 = arith.constant 15 : i32
    %swap3A_548 = arith.index_cast %swap3A_547 : i32 to index
    %swap3A_549 = arith.constant 16 : index
    %swap3A_550 = tpu.vector_load %arg11[%swap3A_548, %swap3A_549] {strides = array<i32>} : memref<16x144xf32, #tpu.memory_space<vmem>>, vector<16xf32>,
    tpu.vector_store %arg11[%swap3A_548, %swap3A_549], %broadcast_in_dim3A_3 {strides = array<i32>} : memref<16x144xf32, #tpu.memory_space<vmem>>, vector<16xf32>,
    %swap3A_551 = arith.constant 15 : i32
    %swap3A_552 = arith.index_cast %swap3A_551 : i32 to index
    %swap3A_553 = arith.constant 32 : index
    %swap3A_554 = tpu.vector_load %arg11[%swap3A_552, %swap3A_553] {strides = array<i32>} : memref<16x144xf32, #tpu.memory_space<vmem>>, vector<16xf32>,
    tpu.vector_store %arg11[%swap3A_552, %swap3A_553], %broadcast_in_dim3A_3 {strides = array<i32>} : memref<16x144xf32, #tpu.memory_space<vmem>>, vector<16xf32>,
    %swap3A_555 = arith.constant 15 : i32
    %swap3A_556 = arith.index_cast %swap3A_555 : i32 to index
    %swap3A_557 = arith.constant 48 : index
    %swap3A_558 = tpu.vector_load %arg11[%swap3A_556, %swap3A_557] {strides = array<i32>} : memref<16x144xf32, #tpu.memory_space<vmem>>, vector<16xf32>,
    tpu.vector_store %arg11[%swap3A_556, %swap3A_557], %broadcast_in_dim3A_3 {strides = array<i32>} : memref<16x144xf32, #tpu.memory_space<vmem>>, vector<16xf32>,
    %swap3A_559 = arith.constant 15 : i32
    %swap3A_560 = arith.index_cast %swap3A_559 : i32 to index
    %swap3A_561 = arith.constant 64 : index
    %swap3A_562 = tpu.vector_load %arg11[%swap3A_560, %swap3A_561] {strides = array<i32>} : memref<16x144xf32, #tpu.memory_space<vmem>>, vector<16xf32>,
    tpu.vector_store %arg11[%swap3A_560, %swap3A_561], %broadcast_in_dim3A_3 {strides = array<i32>} : memref<16x144xf32, #tpu.memory_space<vmem>>, vector<16xf32>,
    %swap3A_563 = arith.constant 15 : i32
    %swap3A_564 = arith.index_cast %swap3A_563 : i32 to index
    %swap3A_565 = arith.constant 80 : index
    %swap3A_566 = tpu.vector_load %arg11[%swap3A_564, %swap3A_565] {strides = array<i32>} : memref<16x144xf32, #tpu.memory_space<vmem>>, vector<16xf32>,
    tpu.vector_store %arg11[%swap3A_564, %swap3A_565], %broadcast_in_dim3A_3 {strides = array<i32>} : memref<16x144xf32, #tpu.memory_space<vmem>>, vector<16xf32>,
    %swap3A_567 = arith.constant 15 : i32
    %swap3A_568 = arith.index_cast %swap3A_567 : i32 to index
    %swap3A_569 = arith.constant 96 : index
    %swap3A_570 = tpu.vector_load %arg11[%swap3A_568, %swap3A_569] {strides = array<i32>} : memref<16x144xf32, #tpu.memory_space<vmem>>, vector<16xf32>,
    tpu.vector_store %arg11[%swap3A_568, %swap3A_569], %broadcast_in_dim3A_3 {strides = array<i32>} : memref<16x144xf32, #tpu.memory_space<vmem>>, vector<16xf32>,
    %swap3A_571 = arith.constant 15 : i32
    %swap3A_572 = arith.index_cast %swap3A_571 : i32 to index
    %swap3A_573 = arith.constant 112 : index
    %swap3A_574 = tpu.vector_load %arg11[%swap3A_572, %swap3A_573] {strides = array<i32>} : memref<16x144xf32, #tpu.memory_space<vmem>>, vector<16xf32>,
    tpu.vector_store %arg11[%swap3A_572, %swap3A_573], %broadcast_in_dim3A_3 {strides = array<i32>} : memref<16x144xf32, #tpu.memory_space<vmem>>, vector<16xf32>,
    %swap3A_575 = arith.constant 15 : i32
    %swap3A_576 = arith.index_cast %swap3A_575 : i32 to index
    %swap3A_577 = arith.constant 128 : index
    %swap3A_578 = tpu.vector_load %arg11[%swap3A_576, %swap3A_577] {strides = array<i32>} : memref<16x144xf32, #tpu.memory_space<vmem>>, vector<16xf32>,
    tpu.vector_store %arg11[%swap3A_576, %swap3A_577], %broadcast_in_dim3A_3 {strides = array<i32>} : memref<16x144xf32, #tpu.memory_space<vmem>>, vector<16xf32>,
    %scan3A = arith.constant 0 : i32
    %scan3A_579 = arith.constant 0 : i32
    %scan3A_580 = arith.constant 39 : i32
    %scan3A_581 = arith.addi %scan3A_579, %scan3A_580 : i32
    %scan3A_582 = arith.constant 1 : i32
    scf.for %scan3A_600 = %scan3A_579 to %scan3A_581 step %scan3A_582  : i32 {
      %mul3A_601 = arith.constant 626 : i32
      %mul3A_602 = arith.muli %arg1, %mul3A_601 : i32
      %mul3A_603 = arith.constant 16 : i32
      %mul3A_604 = arith.muli %scan3A_600, %mul3A_603 : i32
      %add3A_605 = arith.addi %mul3A_602, %mul3A_604 : i32
      "tpu.region"() ({
        %run_scoped3A = tpu.sem_alloc : memref<!tpu.dma_semaphore, #tpu.memory_space<semaphore_mem>>
        %dma_start3A = arith.constant 0 : i32
        %dma_start3A_606 = tpu.memref_slice %arg12[%add3A_605, %dma_start3A] : memref<10016x144xf32, #tpu.memory_space<vmem_shared>> -> memref<16x144xf32, #tpu.memory_space<vmem_shared>>
        %dma_start3A_607 = arith.constant 0 : i32
        %dma_start3A_608 = tpu.memref_slice %arg12[%add3A_605, %dma_start3A_607] : memref<10016x144xf32, #tpu.memory_space<vmem_shared>> -> memref<16x144xf32, #tpu.memory_space<vmem_shared>>
        tpu.enqueue_dma source(%arg11 : memref<16x144xf32, #tpu.memory_space<vmem>>) target(%dma_start3A_608 : memref<16x144xf32, #tpu.memory_space<vmem_shared>>) target_semaphore(%run_scoped3A : memref<!tpu.dma_semaphore, #tpu.memory_space<semaphore_mem>>)
        %dma_wait3A = arith.constant 0 : i32
        %dma_wait3A_609 = tpu.memref_slice %arg12[%add3A_605, %dma_wait3A] : memref<10016x144xf32, #tpu.memory_space<vmem_shared>> -> memref<16x144xf32, #tpu.memory_space<vmem_shared>>
        %dma_wait3A_610 = arith.constant 0 : i32
        %dma_wait3A_611 = tpu.memref_slice %arg12[%add3A_605, %dma_wait3A_610] : memref<10016x144xf32, #tpu.memory_space<vmem_shared>> -> memref<16x144xf32, #tpu.memory_space<vmem_shared>>
        tpu.wait_dma2 semaphore(%run_scoped3A : memref<!tpu.dma_semaphore, #tpu.memory_space<semaphore_mem>>) src(%arg11 : memref<16x144xf32, #tpu.memory_space<vmem>>) dst(%dma_wait3A_611 : memref<16x144xf32, #tpu.memory_space<vmem_shared>>)
        tpu.yield
      }) : () -> ()
    }
    %scan3A_583 = arith.constant 39 : i32
    %mul3A_584 = arith.constant 626 : i32
    %mul3A_585 = arith.muli %arg1, %mul3A_584 : i32
    %add3A_586 = arith.constant 626 : i32
    %add3A_587 = arith.addi %mul3A_585, %add3A_586 : i32
    %sub3A = arith.constant 2 : i32
    %sub3A_588 = arith.subi %add3A_587, %sub3A : i32
    "tpu.region"() ({
      %run_scoped3A = tpu.sem_alloc : memref<!tpu.dma_semaphore, #tpu.memory_space<semaphore_mem>>
      %dma_start3A = arith.constant 0 : i32
      %dma_start3A_600 = arith.constant 0 : i32
      %dma_start3A_601 = tpu.memref_slice %arg11[%dma_start3A, %dma_start3A_600] : memref<16x144xf32, #tpu.memory_space<vmem>> -> memref<2x144xf32, #tpu.memory_space<vmem>>
      %dma_start3A_602 = arith.constant 0 : i32
      %dma_start3A_603 = tpu.memref_slice %arg12[%sub3A_588, %dma_start3A_602] : memref<10016x144xf32, #tpu.memory_space<vmem_shared>> -> memref<2x144xf32, #tpu.memory_space<vmem_shared>>
      %dma_start3A_604 = arith.constant 0 : i32
      %dma_start3A_605 = tpu.memref_slice %arg12[%sub3A_588, %dma_start3A_604] : memref<10016x144xf32, #tpu.memory_space<vmem_shared>> -> memref<2x144xf32, #tpu.memory_space<vmem_shared>>
      %dma_start3A_606 = arith.constant 0 : i32
      %dma_start3A_607 = arith.constant 0 : i32
      %dma_start3A_608 = tpu.memref_slice %arg11[%dma_start3A_606, %dma_start3A_607] : memref<16x144xf32, #tpu.memory_space<vmem>> -> memref<2x144xf32, #tpu.memory_space<vmem>>
      tpu.enqueue_dma source(%dma_start3A_608 : memref<2x144xf32, #tpu.memory_space<vmem>>) target(%dma_start3A_605 : memref<2x144xf32, #tpu.memory_space<vmem_shared>>) target_semaphore(%run_scoped3A : memref<!tpu.dma_semaphore, #tpu.memory_space<semaphore_mem>>)
      %dma_wait3A = arith.constant 0 : i32
      %dma_wait3A_609 = arith.constant 0 : i32
      %dma_wait3A_610 = tpu.memref_slice %arg11[%dma_wait3A, %dma_wait3A_609] : memref<16x144xf32, #tpu.memory_space<vmem>> -> memref<2x144xf32, #tpu.memory_space<vmem>>
      %dma_wait3A_611 = arith.constant 0 : i32
      %dma_wait3A_612 = tpu.memref_slice %arg12[%sub3A_588, %dma_wait3A_611] : memref<10016x144xf32, #tpu.memory_space<vmem_shared>> -> memref<2x144xf32, #tpu.memory_space<vmem_shared>>
      %dma_wait3A_613 = arith.constant 0 : i32
      %dma_wait3A_614 = tpu.memref_slice %arg12[%sub3A_588, %dma_wait3A_613] : memref<10016x144xf32, #tpu.memory_space<vmem_shared>> -> memref<2x144xf32, #tpu.memory_space<vmem_shared>>
      %dma_wait3A_615 = arith.constant 0 : i32
      %dma_wait3A_616 = arith.constant 0 : i32
      %dma_wait3A_617 = tpu.memref_slice %arg11[%dma_wait3A_615, %dma_wait3A_616] : memref<16x144xf32, #tpu.memory_space<vmem>> -> memref<2x144xf32, #tpu.memory_space<vmem>>
      tpu.wait_dma2 semaphore(%run_scoped3A : memref<!tpu.dma_semaphore, #tpu.memory_space<semaphore_mem>>) src(%dma_wait3A_617 : memref<2x144xf32, #tpu.memory_space<vmem>>) dst(%dma_wait3A_614 : memref<2x144xf32, #tpu.memory_space<vmem_shared>>)
      tpu.yield
    }) : () -> ()
    %barrier3A = arith.constant 0 : index
    tpu.barrier barrier_id(%barrier3A)
    %scan3A_589 = arith.constant 0 : i32
    %scan3A_590 = arith.constant 0 : i32
    %scan3A_591 = arith.constant 125 : i32
    %scan3A_592 = arith.addi %scan3A_590, %scan3A_591 : i32
    %scan3A_593 = arith.constant 1 : i32
    scf.for %scan3A_600 = %scan3A_590 to %scan3A_592 step %scan3A_593  : i32 {
      %mul3A_601 = arith.constant 80 : i32
      %mul3A_602 = arith.muli %scan3A_600, %mul3A_601 : i32
      %add3A_603 = arith.constant 0 : i32
      %add3A_604 = arith.addi %mul3A_602, %add3A_603 : i32
      %get3A = arith.index_cast %add3A_604 : i32 to index
      %get3A_605 = tpu.vector_load %arg6[%get3A] {strides = array<i32>} : memref<10000xi32, #tpu.memory_space<vmem>>, vector<16xi32>,
      %swap3A_606 = arith.constant 0 : index
      %swap3A_607 = tpu.vector_load %arg8[%swap3A_606] {strides = array<i32>} : memref<80xi32, #tpu.memory_space<vmem>>, vector<16xi32>,
      tpu.vector_store %arg8[%swap3A_606], %get3A_605 {strides = array<i32>} : memref<80xi32, #tpu.memory_space<vmem>>, vector<16xi32>,
      %add3A_608 = arith.constant 0 : i32
      %add3A_609 = arith.addi %mul3A_602, %add3A_608 : i32
      %get3A_610 = arith.index_cast %add3A_609 : i32 to index
      %get3A_611 = tpu.vector_load %arg7[%get3A_610] {strides = array<i32>} : memref<10000xi32, #tpu.memory_space<vmem>>, vector<16xi32>,
      %swap3A_612 = arith.constant 0 : index
      %swap3A_613 = tpu.vector_load %arg9[%swap3A_612] {strides = array<i32>} : memref<80xi32, #tpu.memory_space<vmem>>, vector<16xi32>,
      tpu.vector_store %arg9[%swap3A_612], %get3A_611 {strides = array<i32>} : memref<80xi32, #tpu.memory_space<vmem>>, vector<16xi32>,
      %add3A_614 = arith.constant 16 : i32
      %add3A_615 = arith.addi %mul3A_602, %add3A_614 : i32
      %get3A_616 = arith.index_cast %add3A_615 : i32 to index
      %get3A_617 = tpu.vector_load %arg6[%get3A_616] {strides = array<i32>} : memref<10000xi32, #tpu.memory_space<vmem>>, vector<16xi32>,
      %swap3A_618 = arith.constant 16 : index
      %swap3A_619 = tpu.vector_load %arg8[%swap3A_618] {strides = array<i32>} : memref<80xi32, #tpu.memory_space<vmem>>, vector<16xi32>,
      tpu.vector_store %arg8[%swap3A_618], %get3A_617 {strides = array<i32>} : memref<80xi32, #tpu.memory_space<vmem>>, vector<16xi32>,
      %add3A_620 = arith.constant 16 : i32
      %add3A_621 = arith.addi %mul3A_602, %add3A_620 : i32
      %get3A_622 = arith.index_cast %add3A_621 : i32 to index
      %get3A_623 = tpu.vector_load %arg7[%get3A_622] {strides = array<i32>} : memref<10000xi32, #tpu.memory_space<vmem>>, vector<16xi32>,
      %swap3A_624 = arith.constant 16 : index
      %swap3A_625 = tpu.vector_load %arg9[%swap3A_624] {strides = array<i32>} : memref<80xi32, #tpu.memory_space<vmem>>, vector<16xi32>,
      tpu.vector_store %arg9[%swap3A_624], %get3A_623 {strides = array<i32>} : memref<80xi32, #tpu.memory_space<vmem>>, vector<16xi32>,
      %add3A_626 = arith.constant 32 : i32
      %add3A_627 = arith.addi %mul3A_602, %add3A_626 : i32
      %get3A_628 = arith.index_cast %add3A_627 : i32 to index
      %get3A_629 = tpu.vector_load %arg6[%get3A_628] {strides = array<i32>} : memref<10000xi32, #tpu.memory_space<vmem>>, vector<16xi32>,
      %swap3A_630 = arith.constant 32 : index
      %swap3A_631 = tpu.vector_load %arg8[%swap3A_630] {strides = array<i32>} : memref<80xi32, #tpu.memory_space<vmem>>, vector<16xi32>,
      tpu.vector_store %arg8[%swap3A_630], %get3A_629 {strides = array<i32>} : memref<80xi32, #tpu.memory_space<vmem>>, vector<16xi32>,
      %add3A_632 = arith.constant 32 : i32
      %add3A_633 = arith.addi %mul3A_602, %add3A_632 : i32
      %get3A_634 = arith.index_cast %add3A_633 : i32 to index
      %get3A_635 = tpu.vector_load %arg7[%get3A_634] {strides = array<i32>} : memref<10000xi32, #tpu.memory_space<vmem>>, vector<16xi32>,
      %swap3A_636 = arith.constant 32 : index
      %swap3A_637 = tpu.vector_load %arg9[%swap3A_636] {strides = array<i32>} : memref<80xi32, #tpu.memory_space<vmem>>, vector<16xi32>,
      tpu.vector_store %arg9[%swap3A_636], %get3A_635 {strides = array<i32>} : memref<80xi32, #tpu.memory_space<vmem>>, vector<16xi32>,
      %add3A_638 = arith.constant 48 : i32
      %add3A_639 = arith.addi %mul3A_602, %add3A_638 : i32
      %get3A_640 = arith.index_cast %add3A_639 : i32 to index
      %get3A_641 = tpu.vector_load %arg6[%get3A_640] {strides = array<i32>} : memref<10000xi32, #tpu.memory_space<vmem>>, vector<16xi32>,
      %swap3A_642 = arith.constant 48 : index
      %swap3A_643 = tpu.vector_load %arg8[%swap3A_642] {strides = array<i32>} : memref<80xi32, #tpu.memory_space<vmem>>, vector<16xi32>,
      tpu.vector_store %arg8[%swap3A_642], %get3A_641 {strides = array<i32>} : memref<80xi32, #tpu.memory_space<vmem>>, vector<16xi32>,
      %add3A_644 = arith.constant 48 : i32
      %add3A_645 = arith.addi %mul3A_602, %add3A_644 : i32
      %get3A_646 = arith.index_cast %add3A_645 : i32 to index
      %get3A_647 = tpu.vector_load %arg7[%get3A_646] {strides = array<i32>} : memref<10000xi32, #tpu.memory_space<vmem>>, vector<16xi32>,
      %swap3A_648 = arith.constant 48 : index
      %swap3A_649 = tpu.vector_load %arg9[%swap3A_648] {strides = array<i32>} : memref<80xi32, #tpu.memory_space<vmem>>, vector<16xi32>,
      tpu.vector_store %arg9[%swap3A_648], %get3A_647 {strides = array<i32>} : memref<80xi32, #tpu.memory_space<vmem>>, vector<16xi32>,
      %add3A_650 = arith.constant 64 : i32
      %add3A_651 = arith.addi %mul3A_602, %add3A_650 : i32
      %get3A_652 = arith.index_cast %add3A_651 : i32 to index
      %get3A_653 = tpu.vector_load %arg6[%get3A_652] {strides = array<i32>} : memref<10000xi32, #tpu.memory_space<vmem>>, vector<16xi32>,
      %swap3A_654 = arith.constant 64 : index
      %swap3A_655 = tpu.vector_load %arg8[%swap3A_654] {strides = array<i32>} : memref<80xi32, #tpu.memory_space<vmem>>, vector<16xi32>,
      tpu.vector_store %arg8[%swap3A_654], %get3A_653 {strides = array<i32>} : memref<80xi32, #tpu.memory_space<vmem>>, vector<16xi32>,
      %add3A_656 = arith.constant 64 : i32
      %add3A_657 = arith.addi %mul3A_602, %add3A_656 : i32
      %get3A_658 = arith.index_cast %add3A_657 : i32 to index
      %get3A_659 = tpu.vector_load %arg7[%get3A_658] {strides = array<i32>} : memref<10000xi32, #tpu.memory_space<vmem>>, vector<16xi32>,
      %swap3A_660 = arith.constant 64 : index
      %swap3A_661 = tpu.vector_load %arg9[%swap3A_660] {strides = array<i32>} : memref<80xi32, #tpu.memory_space<vmem>>, vector<16xi32>,
      tpu.vector_store %arg9[%swap3A_660], %get3A_659 {strides = array<i32>} : memref<80xi32, #tpu.memory_space<vmem>>, vector<16xi32>,
      %dma_start3A = arith.constant 0 : i32
      %dma_start3A_662 = arith.constant 0 : i32
      %dma_start3A_663 = tpu.memref_slice %arg2[%dma_start3A, %dma_start3A_662] : memref<10000x144xf32, #tpu.memory_space<hbm>> -> memref<10000x144xf32, #tpu.memory_space<hbm>>
      tpu.enqueue_indirect_dma source(%dma_start3A_663 : memref<10000x144xf32, #tpu.memory_space<hbm>>) target(%arg10 : memref<80x144xf32, #tpu.memory_space<vmem>>) offsets(%arg9 : memref<80xi32, #tpu.memory_space<vmem>>) semaphore(%arg13 : memref<!tpu.dma_semaphore, #tpu.memory_space<semaphore_mem>>)
      %dma_wait3A = arith.constant 0 : i32
      %dma_wait3A_664 = arith.constant 0 : i32
      %dma_wait3A_665 = tpu.memref_slice %arg2[%dma_wait3A, %dma_wait3A_664] : memref<10000x144xf32, #tpu.memory_space<hbm>> -> memref<10000x144xf32, #tpu.memory_space<hbm>>
      tpu.wait_indirect_dma semaphore(%arg13 : memref<!tpu.dma_semaphore, #tpu.memory_space<semaphore_mem>>) src(%dma_wait3A_665 : memref<10000x144xf32, #tpu.memory_space<hbm>>) dst(%arg10 : memref<80x144xf32, #tpu.memory_space<vmem>>)
      "tpu.region"() ({
        %run_scoped3A = tpu.sem_alloc : memref<!tpu.dma_semaphore, #tpu.memory_space<semaphore_mem>>
        %dma_start3A_666 = arith.constant 0 : i32
        %dma_start3A_667 = arith.constant 0 : i32
        %dma_start3A_668 = tpu.memref_slice %arg12[%dma_start3A_666, %dma_start3A_667] : memref<10016x144xf32, #tpu.memory_space<vmem_shared>> -> memref<10016x144xf32, #tpu.memory_space<vmem_shared>>
        tpu.enqueue_indirect_dma source(%arg10 : memref<80x144xf32, #tpu.memory_space<vmem>>) target(%dma_start3A_668 : memref<10016x144xf32, #tpu.memory_space<vmem_shared>>) offsets(%arg8 : memref<80xi32, #tpu.memory_space<vmem>>) semaphore(%run_scoped3A : memref<!tpu.dma_semaphore, #tpu.memory_space<semaphore_mem>>) {add = true}
        %dma_wait3A_669 = arith.constant 0 : i32
        %dma_wait3A_670 = arith.constant 0 : i32
        %dma_wait3A_671 = tpu.memref_slice %arg12[%dma_wait3A_669, %dma_wait3A_670] : memref<10016x144xf32, #tpu.memory_space<vmem_shared>> -> memref<10016x144xf32, #tpu.memory_space<vmem_shared>>
        tpu.wait_indirect_dma semaphore(%run_scoped3A : memref<!tpu.dma_semaphore, #tpu.memory_space<semaphore_mem>>) src(%arg10 : memref<80x144xf32, #tpu.memory_space<vmem>>) dst(%dma_wait3A_671 : memref<10016x144xf32, #tpu.memory_space<vmem_shared>>)
        tpu.yield
      }) : () -> ()
    }
    %scan3A_594 = arith.constant 125 : i32
    %barrier3A_595 = arith.constant 0 : index
    tpu.barrier barrier_id(%barrier3A_595)
    %mul3A_596 = arith.constant 625 : i32
    %mul3A_597 = arith.muli %arg1, %mul3A_596 : i32
    %mul3A_598 = arith.constant 625 : i32
    %mul3A_599 = arith.muli %arg1, %mul3A_598 : i32
    "tpu.region"() ({
      %run_scoped3A = tpu.sem_alloc : memref<!tpu.dma_semaphore, #tpu.memory_space<semaphore_mem>>
      %dma_start3A = arith.constant 0 : i32
      %dma_start3A_600 = tpu.memref_slice %arg5[%arg0, %mul3A_599, %dma_start3A] : memref<2x10000x144xf32, #tpu.memory_space<hbm>> -> memref<1x625x144xf32, #tpu.memory_space<hbm>>
      %dma_start3A_601 = tpu.memref_squeeze %dma_start3A_600 : memref<1x625x144xf32, #tpu.memory_space<hbm>> -> memref<625x144xf32, #tpu.memory_space<hbm>>
      %dma_start3A_602 = arith.constant 0 : i32
      %dma_start3A_603 = tpu.memref_slice %arg12[%mul3A_597, %dma_start3A_602] : memref<10016x144xf32, #tpu.memory_space<vmem_shared>> -> memref<625x144xf32, #tpu.memory_space<vmem_shared>>
      tpu.enqueue_dma source(%dma_start3A_603 : memref<625x144xf32, #tpu.memory_space<vmem_shared>>) target(%dma_start3A_601 : memref<625x144xf32, #tpu.memory_space<hbm>>) target_semaphore(%run_scoped3A : memref<!tpu.dma_semaphore, #tpu.memory_space<semaphore_mem>>)
      %dma_wait3A = arith.constant 0 : i32
      %dma_wait3A_604 = tpu.memref_slice %arg5[%arg0, %mul3A_599, %dma_wait3A] : memref<2x10000x144xf32, #tpu.memory_space<hbm>> -> memref<1x625x144xf32, #tpu.memory_space<hbm>>
      %dma_wait3A_605 = tpu.memref_squeeze %dma_wait3A_604 : memref<1x625x144xf32, #tpu.memory_space<hbm>> -> memref<625x144xf32, #tpu.memory_space<hbm>>
      %dma_wait3A_606 = arith.constant 0 : i32
      %dma_wait3A_607 = tpu.memref_slice %arg12[%mul3A_597, %dma_wait3A_606] : memref<10016x144xf32, #tpu.memory_space<vmem_shared>> -> memref<625x144xf32, #tpu.memory_space<vmem_shared>>
      tpu.wait_dma2 semaphore(%run_scoped3A : memref<!tpu.dma_semaphore, #tpu.memory_space<semaphore_mem>>) src(%dma_wait3A_607 : memref<625x144xf32, #tpu.memory_space<vmem_shared>>) dst(%dma_wait3A_605 : memref<625x144xf32, #tpu.memory_space<hbm>>)
      tpu.yield
    }) : () -> ()
    return
  }
}

#map = affine_map<(d0, d1) -> (0, 0)>
#map1 = affine_map<(d0, d1) -> (0)>
#map2 = affine_map<(d0, d1) -> (0, 0, 0)>
module attributes {stable_mosaic.version = 14 : i64} {
  func.func @_spmm(%arg0: i32, %arg1: i32, %arg2: memref<10000x144xf32, #tpu.memory_space<hbm>>, %arg3: memref<320000xi32, #tpu.memory_space<hbm>>, %arg4: memref<320000xi32, #tpu.memory_space<hbm>>, %arg5: memref<2x10000x144xf32, #tpu.memory_space<hbm>>, %arg6: memref<10000xi32, #tpu.memory_space<vmem>>, %arg7: memref<10000xi32, #tpu.memory_space<vmem>>, %arg8: memref<80xi32, #tpu.memory_space<vmem>>, %arg9: memref<80xi32, #tpu.memory_space<vmem>>, %arg10: memref<80x144xf32, #tpu.memory_space<vmem>>, %arg11: memref<16x144xf32, #tpu.memory_space<vmem>>, %arg12: memref<10016x144xf32, #tpu.memory_space<vmem_shared>>, %arg13: memref<!tpu.dma_semaphore, #tpu.memory_space<semaphore_mem>>) attributes {dimension_semantics = [#tpu.dimension_semantics<core_parallel>, #tpu.dimension_semantics<subcore_parallel>], iteration_bounds = array<i64: 2, 16>, scalar_prefetch = 0 : i64, scratch_operands = 8 : i64, tpu.core_type = #tpu.core_type<sc_vector_subcore>, window_params = [{transform_indices = #map}, {transform_indices = #map1}, {transform_indices = #map1}, {transform_indices = #map2}]} {
    %mul3A = arith.constant 2 : i32
    %mul3A_0 = arith.muli %arg1, %mul3A : i32
    %add3A = arith.addi %mul3A_0, %arg0 : i32
    %mul3A_1 = arith.constant 10000 : i32
    %mul3A_2 = arith.muli %add3A, %mul3A_1 : i32
    "tpu.region"() ({
      %run_scoped3A = tpu.sem_alloc : memref<!tpu.dma_semaphore, #tpu.memory_space<semaphore_mem>>
      %dma_start3A = tpu.memref_slice %arg3[%mul3A_2] : memref<320000xi32, #tpu.memory_space<hbm>> -> memref<10000xi32, #tpu.memory_space<hbm>>
      %dma_start3A_600 = tpu.memref_slice %arg3[%mul3A_2] : memref<320000xi32, #tpu.memory_space<hbm>> -> memref<10000xi32, #tpu.memory_space<hbm>>
      tpu.enqueue_dma source(%dma_start3A_600 : memref<10000xi32, #tpu.memory_space<hbm>>) target(%arg6 : memref<10000xi32, #tpu.memory_space<vmem>>) target_semaphore(%run_scoped3A : memref<!tpu.dma_semaphore, #tpu.memory_space<semaphore_mem>>)
      %dma_wait3A = tpu.memref_slice %arg3[%mul3A_2] : memref<320000xi32, #tpu.memory_space<hbm>> -> memref<10000xi32, #tpu.memory_space<hbm>>
      %dma_wait3A_601 = tpu.memref_slice %arg3[%mul3A_2] : memref<320000xi32, #tpu.memory_space<hbm>> -> memref<10000xi32, #tpu.memory_space<hbm>>
      tpu.wait_dma2 semaphore(%run_scoped3A : memref<!tpu.dma_semaphore, #tpu.memory_space<semaphore_mem>>) src(%dma_wait3A_601 : memref<10000xi32, #tpu.memory_space<hbm>>) dst(%arg6 : memref<10000xi32, #tpu.memory_space<vmem>>)
      tpu.yield
    }) : () -> ()
    "tpu.region"() ({
      %run_scoped3A = tpu.sem_alloc : memref<!tpu.dma_semaphore, #tpu.memory_space<semaphore_mem>>
      %dma_start3A = tpu.memref_slice %arg4[%mul3A_2] : memref<320000xi32, #tpu.memory_space<hbm>> -> memref<10000xi32, #tpu.memory_space<hbm>>
      %dma_start3A_600 = tpu.memref_slice %arg4[%mul3A_2] : memref<320000xi32, #tpu.memory_space<hbm>> -> memref<10000xi32, #tpu.memory_space<hbm>>
      tpu.enqueue_dma source(%dma_start3A_600 : memref<10000xi32, #tpu.memory_space<hbm>>) target(%arg7 : memref<10000xi32, #tpu.memory_space<vmem>>) target_semaphore(%run_scoped3A : memref<!tpu.dma_semaphore, #tpu.memory_space<semaphore_mem>>)
      %dma_wait3A = tpu.memref_slice %arg4[%mul3A_2] : memref<320000xi32, #tpu.memory_space<hbm>> -> memref<10000xi32, #tpu.memory_space<hbm>>
      %dma_wait3A_601 = tpu.memref_slice %arg4[%mul3A_2] : memref<320000xi32, #tpu.memory_space<hbm>> -> memref<10000xi32, #tpu.memory_space<hbm>>
      tpu.wait_dma2 semaphore(%run_scoped3A : memref<!tpu.dma_semaphore, #tpu.memory_space<semaphore_mem>>) src(%dma_wait3A_601 : memref<10000xi32, #tpu.memory_space<hbm>>) dst(%arg7 : memref<10000xi32, #tpu.memory_space<vmem>>)
      tpu.yield
    }) : () -> ()
    %broadcast_in_dim3A = arith.constant 0.000000e+00 : f32
    %broadcast_in_dim3A_3 = vector.broadcast %broadcast_in_dim3A : f32 to vector<16xf32>
    %swap3A = arith.constant 0 : i32
    %swap3A_4 = arith.index_cast %swap3A : i32 to index
    %swap3A_5 = arith.constant 0 : index
    %swap3A_6 = tpu.vector_load %arg11[%swap3A_4, %swap3A_5] {strides = array<i32>} : memref<16x144xf32, #tpu.memory_space<vmem>>, vector<16xf32>,
    tpu.vector_store %arg11[%swap3A_4, %swap3A_5], %broadcast_in_dim3A_3 {strides = array<i32>} : memref<16x144xf32, #tpu.memory_space<vmem>>, vector<16xf32>,
    %swap3A_7 = arith.constant 0 : i32
    %swap3A_8 = arith.index_cast %swap3A_7 : i32 to index
    %swap3A_9 = arith.constant 16 : index
    %swap3A_10 = tpu.vector_load %arg11[%swap3A_8, %swap3A_9] {strides = array<i32>} : memref<16x144xf32, #tpu.memory_space<vmem>>, vector<16xf32>,
    tpu.vector_store %arg11[%swap3A_8, %swap3A_9], %broadcast_in_dim3A_3 {strides = array<i32>} : memref<16x144xf32, #tpu.memory_space<vmem>>, vector<16xf32>,
    %swap3A_11 = arith.constant 0 : i32
    %swap3A_12 = arith.index_cast %swap3A_11 : i32 to index
    %swap3A_13 = arith.constant 32 : index
    %swap3A_14 = tpu.vector_load %arg11[%swap3A_12, %swap3A_13] {strides = array<i32>} : memref<16x144xf32, #tpu.memory_space<vmem>>, vector<16xf32>,
    tpu.vector_store %arg11[%swap3A_12, %swap3A_13], %broadcast_in_dim3A_3 {strides = array<i32>} : memref<16x144xf32, #tpu.memory_space<vmem>>, vector<16xf32>,
    %swap3A_15 = arith.constant 0 : i32
    %swap3A_16 = arith.index_cast %swap3A_15 : i32 to index
    %swap3A_17 = arith.constant 48 : index
    %swap3A_18 = tpu.vector_load %arg11[%swap3A_16, %swap3A_17] {strides = array<i32>} : memref<16x144xf32, #tpu.memory_space<vmem>>, vector<16xf32>,
    tpu.vector_store %arg11[%swap3A_16, %swap3A_17], %broadcast_in_dim3A_3 {strides = array<i32>} : memref<16x144xf32, #tpu.memory_space<vmem>>, vector<16xf32>,
    %swap3A_19 = arith.constant 0 : i32
    %swap3A_20 = arith.index_cast %swap3A_19 : i32 to index
    %swap3A_21 = arith.constant 64 : index
    %swap3A_22 = tpu.vector_load %arg11[%swap3A_20, %swap3A_21] {strides = array<i32>} : memref<16x144xf32, #tpu.memory_space<vmem>>, vector<16xf32>,
    tpu.vector_store %arg11[%swap3A_20, %swap3A_21], %broadcast_in_dim3A_3 {strides = array<i32>} : memref<16x144xf32, #tpu.memory_space<vmem>>, vector<16xf32>,
    %swap3A_23 = arith.constant 0 : i32
    %swap3A_24 = arith.index_cast %swap3A_23 : i32 to index
    %swap3A_25 = arith.constant 80 : index
    %swap3A_26 = tpu.vector_load %arg11[%swap3A_24, %swap3A_25] {strides = array<i32>} : memref<16x144xf32, #tpu.memory_space<vmem>>, vector<16xf32>,
    tpu.vector_store %arg11[%swap3A_24, %swap3A_25], %broadcast_in_dim3A_3 {strides = array<i32>} : memref<16x144xf32, #tpu.memory_space<vmem>>, vector<16xf32>,
    %swap3A_27 = arith.constant 0 : i32
    %swap3A_28 = arith.index_cast %swap3A_27 : i32 to index
    %swap3A_29 = arith.constant 96 : index
    %swap3A_30 = tpu.vector_load %arg11[%swap3A_28, %swap3A_29] {strides = array<i32>} : memref<16x144xf32, #tpu.memory_space<vmem>>, vector<16xf32>,
    tpu.vector_store %arg11[%swap3A_28, %swap3A_29], %broadcast_in_dim3A_3 {strides = array<i32>} : memref<16x144xf32, #tpu.memory_space<vmem>>, vector<16xf32>,
    %swap3A_31 = arith.constant 0 : i32
    %swap3A_32 = arith.index_cast %swap3A_31 : i32 to index
    %swap3A_33 = arith.constant 112 : index
    %swap3A_34 = tpu.vector_load %arg11[%swap3A_32, %swap3A_33] {strides = array<i32>} : memref<16x144xf32, #tpu.memory_space<vmem>>, vector<16xf32>,
    tpu.vector_store %arg11[%swap3A_32, %swap3A_33], %broadcast_in_dim3A_3 {strides = array<i32>} : memref<16x144xf32, #tpu.memory_space<vmem>>, vector<16xf32>,
    %swap3A_35 = arith.constant 0 : i32
    %swap3A_36 = arith.index_cast %swap3A_35 : i32 to index
    %swap3A_37 = arith.constant 128 : index
    %swap3A_38 = tpu.vector_load %arg11[%swap3A_36, %swap3A_37] {strides = array<i32>} : memref<16x144xf32, #tpu.memory_space<vmem>>, vector<16xf32>,
    tpu.vector_store %arg11[%swap3A_36, %swap3A_37], %broadcast_in_dim3A_3 {strides = array<i32>} : memref<16x144xf32, #tpu.memory_space<vmem>>, vector<16xf32>,
    %swap3A_39 = arith.constant 1 : i32
    %swap3A_40 = arith.index_cast %swap3A_39 : i32 to index
    %swap3A_41 = arith.constant 0 : index
    %swap3A_42 = tpu.vector_load %arg11[%swap3A_40, %swap3A_41] {strides = array<i32>} : memref<16x144xf32, #tpu.memory_space<vmem>>, vector<16xf32>,
    tpu.vector_store %arg11[%swap3A_40, %swap3A_41], %broadcast_in_dim3A_3 {strides = array<i32>} : memref<16x144xf32, #tpu.memory_space<vmem>>, vector<16xf32>,
    %swap3A_43 = arith.constant 1 : i32
    %swap3A_44 = arith.index_cast %swap3A_43 : i32 to index
    %swap3A_45 = arith.constant 16 : index
    %swap3A_46 = tpu.vector_load %arg11[%swap3A_44, %swap3A_45] {strides = array<i32>} : memref<16x144xf32, #tpu.memory_space<vmem>>, vector<16xf32>,
    tpu.vector_store %arg11[%swap3A_44, %swap3A_45], %broadcast_in_dim3A_3 {strides = array<i32>} : memref<16x144xf32, #tpu.memory_space<vmem>>, vector<16xf32>,
    %swap3A_47 = arith.constant 1 : i32
    %swap3A_48 = arith.index_cast %swap3A_47 : i32 to index
    %swap3A_49 = arith.constant 32 : index
    %swap3A_50 = tpu.vector_load %arg11[%swap3A_48, %swap3A_49] {strides = array<i32>} : memref<16x144xf32, #tpu.memory_space<vmem>>, vector<16xf32>,
    tpu.vector_store %arg11[%swap3A_48, %swap3A_49], %broadcast_in_dim3A_3 {strides = array<i32>} : memref<16x144xf32, #tpu.memory_space<vmem>>, vector<16xf32>,
    %swap3A_51 = arith.constant 1 : i32
    %swap3A_52 = arith.index_cast %swap3A_51 : i32 to index
    %swap3A_53 = arith.constant 48 : index
    %swap3A_54 = tpu.vector_load %arg11[%swap3A_52, %swap3A_53] {strides = array<i32>} : memref<16x144xf32, #tpu.memory_space<vmem>>, vector<16xf32>,
    tpu.vector_store %arg11[%swap3A_52, %swap3A_53], %broadcast_in_dim3A_3 {strides = array<i32>} : memref<16x144xf32, #tpu.memory_space<vmem>>, vector<16xf32>,
    %swap3A_55 = arith.constant 1 : i32
    %swap3A_56 = arith.index_cast %swap3A_55 : i32 to index
    %swap3A_57 = arith.constant 64 : index
    %swap3A_58 = tpu.vector_load %arg11[%swap3A_56, %swap3A_57] {strides = array<i32>} : memref<16x144xf32, #tpu.memory_space<vmem>>, vector<16xf32>,
    tpu.vector_store %arg11[%swap3A_56, %swap3A_57], %broadcast_in_dim3A_3 {strides = array<i32>} : memref<16x144xf32, #tpu.memory_space<vmem>>, vector<16xf32>,
    %swap3A_59 = arith.constant 1 : i32
    %swap3A_60 = arith.index_cast %swap3A_59 : i32 to index
    %swap3A_61 = arith.constant 80 : index
    %swap3A_62 = tpu.vector_load %arg11[%swap3A_60, %swap3A_61] {strides = array<i32>} : memref<16x144xf32, #tpu.memory_space<vmem>>, vector<16xf32>,
    tpu.vector_store %arg11[%swap3A_60, %swap3A_61], %broadcast_in_dim3A_3 {strides = array<i32>} : memref<16x144xf32, #tpu.memory_space<vmem>>, vector<16xf32>,
    %swap3A_63 = arith.constant 1 : i32
    %swap3A_64 = arith.index_cast %swap3A_63 : i32 to index
    %swap3A_65 = arith.constant 96 : index
    %swap3A_66 = tpu.vector_load %arg11[%swap3A_64, %swap3A_65] {strides = array<i32>} : memref<16x144xf32, #tpu.memory_space<vmem>>, vector<16xf32>,
    tpu.vector_store %arg11[%swap3A_64, %swap3A_65], %broadcast_in_dim3A_3 {strides = array<i32>} : memref<16x144xf32, #tpu.memory_space<vmem>>, vector<16xf32>,
    %swap3A_67 = arith.constant 1 : i32
    %swap3A_68 = arith.index_cast %swap3A_67 : i32 to index
    %swap3A_69 = arith.constant 112 : index
    %swap3A_70 = tpu.vector_load %arg11[%swap3A_68, %swap3A_69] {strides = array<i32>} : memref<16x144xf32, #tpu.memory_space<vmem>>, vector<16xf32>,
    tpu.vector_store %arg11[%swap3A_68, %swap3A_69], %broadcast_in_dim3A_3 {strides = array<i32>} : memref<16x144xf32, #tpu.memory_space<vmem>>, vector<16xf32>,
    %swap3A_71 = arith.constant 1 : i32
    %swap3A_72 = arith.index_cast %swap3A_71 : i32 to index
    %swap3A_73 = arith.constant 128 : index
    %swap3A_74 = tpu.vector_load %arg11[%swap3A_72, %swap3A_73] {strides = array<i32>} : memref<16x144xf32, #tpu.memory_space<vmem>>, vector<16xf32>,
    tpu.vector_store %arg11[%swap3A_72, %swap3A_73], %broadcast_in_dim3A_3 {strides = array<i32>} : memref<16x144xf32, #tpu.memory_space<vmem>>, vector<16xf32>,
    %swap3A_75 = arith.constant 2 : i32
    %swap3A_76 = arith.index_cast %swap3A_75 : i32 to index
    %swap3A_77 = arith.constant 0 : index
    %swap3A_78 = tpu.vector_load %arg11[%swap3A_76, %swap3A_77] {strides = array<i32>} : memref<16x144xf32, #tpu.memory_space<vmem>>, vector<16xf32>,
    tpu.vector_store %arg11[%swap3A_76, %swap3A_77], %broadcast_in_dim3A_3 {strides = array<i32>} : memref<16x144xf32, #tpu.memory_space<vmem>>, vector<16xf32>,
    %swap3A_79 = arith.constant 2 : i32
    %swap3A_80 = arith.index_cast %swap3A_79 : i32 to index
    %swap3A_81 = arith.constant 16 : index
    %swap3A_82 = tpu.vector_load %arg11[%swap3A_80, %swap3A_81] {strides = array<i32>} : memref<16x144xf32, #tpu.memory_space<vmem>>, vector<16xf32>,
    tpu.vector_store %arg11[%swap3A_80, %swap3A_81], %broadcast_in_dim3A_3 {strides = array<i32>} : memref<16x144xf32, #tpu.memory_space<vmem>>, vector<16xf32>,
    %swap3A_83 = arith.constant 2 : i32
    %swap3A_84 = arith.index_cast %swap3A_83 : i32 to index
    %swap3A_85 = arith.constant 32 : index
    %swap3A_86 = tpu.vector_load %arg11[%swap3A_84, %swap3A_85] {strides = array<i32>} : memref<16x144xf32, #tpu.memory_space<vmem>>, vector<16xf32>,
    tpu.vector_store %arg11[%swap3A_84, %swap3A_85], %broadcast_in_dim3A_3 {strides = array<i32>} : memref<16x144xf32, #tpu.memory_space<vmem>>, vector<16xf32>,
    %swap3A_87 = arith.constant 2 : i32
    %swap3A_88 = arith.index_cast %swap3A_87 : i32 to index
    %swap3A_89 = arith.constant 48 : index
    %swap3A_90 = tpu.vector_load %arg11[%swap3A_88, %swap3A_89] {strides = array<i32>} : memref<16x144xf32, #tpu.memory_space<vmem>>, vector<16xf32>,
    tpu.vector_store %arg11[%swap3A_88, %swap3A_89], %broadcast_in_dim3A_3 {strides = array<i32>} : memref<16x144xf32, #tpu.memory_space<vmem>>, vector<16xf32>,
    %swap3A_91 = arith.constant 2 : i32
    %swap3A_92 = arith.index_cast %swap3A_91 : i32 to index
    %swap3A_93 = arith.constant 64 : index
    %swap3A_94 = tpu.vector_load %arg11[%swap3A_92, %swap3A_93] {strides = array<i32>} : memref<16x144xf32, #tpu.memory_space<vmem>>, vector<16xf32>,
    tpu.vector_store %arg11[%swap3A_92, %swap3A_93], %broadcast_in_dim3A_3 {strides = array<i32>} : memref<16x144xf32, #tpu.memory_space<vmem>>, vector<16xf32>,
    %swap3A_95 = arith.constant 2 : i32
    %swap3A_96 = arith.index_cast %swap3A_95 : i32 to index
    %swap3A_97 = arith.constant 80 : index
    %swap3A_98 = tpu.vector_load %arg11[%swap3A_96, %swap3A_97] {strides = array<i32>} : memref<16x144xf32, #tpu.memory_space<vmem>>, vector<16xf32>,
    tpu.vector_store %arg11[%swap3A_96, %swap3A_97], %broadcast_in_dim3A_3 {strides = array<i32>} : memref<16x144xf32, #tpu.memory_space<vmem>>, vector<16xf32>,
    %swap3A_99 = arith.constant 2 : i32
    %swap3A_100 = arith.index_cast %swap3A_99 : i32 to index
    %swap3A_101 = arith.constant 96 : index
    %swap3A_102 = tpu.vector_load %arg11[%swap3A_100, %swap3A_101] {strides = array<i32>} : memref<16x144xf32, #tpu.memory_space<vmem>>, vector<16xf32>,
    tpu.vector_store %arg11[%swap3A_100, %swap3A_101], %broadcast_in_dim3A_3 {strides = array<i32>} : memref<16x144xf32, #tpu.memory_space<vmem>>, vector<16xf32>,
    %swap3A_103 = arith.constant 2 : i32
    %swap3A_104 = arith.index_cast %swap3A_103 : i32 to index
    %swap3A_105 = arith.constant 112 : index
    %swap3A_106 = tpu.vector_load %arg11[%swap3A_104, %swap3A_105] {strides = array<i32>} : memref<16x144xf32, #tpu.memory_space<vmem>>, vector<16xf32>,
    tpu.vector_store %arg11[%swap3A_104, %swap3A_105], %broadcast_in_dim3A_3 {strides = array<i32>} : memref<16x144xf32, #tpu.memory_space<vmem>>, vector<16xf32>,
    %swap3A_107 = arith.constant 2 : i32
    %swap3A_108 = arith.index_cast %swap3A_107 : i32 to index
    %swap3A_109 = arith.constant 128 : index
    %swap3A_110 = tpu.vector_load %arg11[%swap3A_108, %swap3A_109] {strides = array<i32>} : memref<16x144xf32, #tpu.memory_space<vmem>>, vector<16xf32>,
    tpu.vector_store %arg11[%swap3A_108, %swap3A_109], %broadcast_in_dim3A_3 {strides = array<i32>} : memref<16x144xf32, #tpu.memory_space<vmem>>, vector<16xf32>,
    %swap3A_111 = arith.constant 3 : i32
    %swap3A_112 = arith.index_cast %swap3A_111 : i32 to index
    %swap3A_113 = arith.constant 0 : index
    %swap3A_114 = tpu.vector_load %arg11[%swap3A_112, %swap3A_113] {strides = array<i32>} : memref<16x144xf32, #tpu.memory_space<vmem>>, vector<16xf32>,
    tpu.vector_store %arg11[%swap3A_112, %swap3A_113], %broadcast_in_dim3A_3 {strides = array<i32>} : memref<16x144xf32, #tpu.memory_space<vmem>>, vector<16xf32>,
    %swap3A_115 = arith.constant 3 : i32
    %swap3A_116 = arith.index_cast %swap3A_115 : i32 to index
    %swap3A_117 = arith.constant 16 : index
    %swap3A_118 = tpu.vector_load %arg11[%swap3A_116, %swap3A_117] {strides = array<i32>} : memref<16x144xf32, #tpu.memory_space<vmem>>, vector<16xf32>,
    tpu.vector_store %arg11[%swap3A_116, %swap3A_117], %broadcast_in_dim3A_3 {strides = array<i32>} : memref<16x144xf32, #tpu.memory_space<vmem>>, vector<16xf32>,
    %swap3A_119 = arith.constant 3 : i32
    %swap3A_120 = arith.index_cast %swap3A_119 : i32 to index
    %swap3A_121 = arith.constant 32 : index
    %swap3A_122 = tpu.vector_load %arg11[%swap3A_120, %swap3A_121] {strides = array<i32>} : memref<16x144xf32, #tpu.memory_space<vmem>>, vector<16xf32>,
    tpu.vector_store %arg11[%swap3A_120, %swap3A_121], %broadcast_in_dim3A_3 {strides = array<i32>} : memref<16x144xf32, #tpu.memory_space<vmem>>, vector<16xf32>,
    %swap3A_123 = arith.constant 3 : i32
    %swap3A_124 = arith.index_cast %swap3A_123 : i32 to index
    %swap3A_125 = arith.constant 48 : index
    %swap3A_126 = tpu.vector_load %arg11[%swap3A_124, %swap3A_125] {strides = array<i32>} : memref<16x144xf32, #tpu.memory_space<vmem>>, vector<16xf32>,
    tpu.vector_store %arg11[%swap3A_124, %swap3A_125], %broadcast_in_dim3A_3 {strides = array<i32>} : memref<16x144xf32, #tpu.memory_space<vmem>>, vector<16xf32>,
    %swap3A_127 = arith.constant 3 : i32
    %swap3A_128 = arith.index_cast %swap3A_127 : i32 to index
    %swap3A_129 = arith.constant 64 : index
    %swap3A_130 = tpu.vector_load %arg11[%swap3A_128, %swap3A_129] {strides = array<i32>} : memref<16x144xf32, #tpu.memory_space<vmem>>, vector<16xf32>,
    tpu.vector_store %arg11[%swap3A_128, %swap3A_129], %broadcast_in_dim3A_3 {strides = array<i32>} : memref<16x144xf32, #tpu.memory_space<vmem>>, vector<16xf32>,
    %swap3A_131 = arith.constant 3 : i32
    %swap3A_132 = arith.index_cast %swap3A_131 : i32 to index
    %swap3A_133 = arith.constant 80 : index
    %swap3A_134 = tpu.vector_load %arg11[%swap3A_132, %swap3A_133] {strides = array<i32>} : memref<16x144xf32, #tpu.memory_space<vmem>>, vector<16xf32>,
    tpu.vector_store %arg11[%swap3A_132, %swap3A_133], %broadcast_in_dim3A_3 {strides = array<i32>} : memref<16x144xf32, #tpu.memory_space<vmem>>, vector<16xf32>,
    %swap3A_135 = arith.constant 3 : i32
    %swap3A_136 = arith.index_cast %swap3A_135 : i32 to index
    %swap3A_137 = arith.constant 96 : index
    %swap3A_138 = tpu.vector_load %arg11[%swap3A_136, %swap3A_137] {strides = array<i32>} : memref<16x144xf32, #tpu.memory_space<vmem>>, vector<16xf32>,
    tpu.vector_store %arg11[%swap3A_136, %swap3A_137], %broadcast_in_dim3A_3 {strides = array<i32>} : memref<16x144xf32, #tpu.memory_space<vmem>>, vector<16xf32>,
    %swap3A_139 = arith.constant 3 : i32
    %swap3A_140 = arith.index_cast %swap3A_139 : i32 to index
    %swap3A_141 = arith.constant 112 : index
    %swap3A_142 = tpu.vector_load %arg11[%swap3A_140, %swap3A_141] {strides = array<i32>} : memref<16x144xf32, #tpu.memory_space<vmem>>, vector<16xf32>,
    tpu.vector_store %arg11[%swap3A_140, %swap3A_141], %broadcast_in_dim3A_3 {strides = array<i32>} : memref<16x144xf32, #tpu.memory_space<vmem>>, vector<16xf32>,
    %swap3A_143 = arith.constant 3 : i32
    %swap3A_144 = arith.index_cast %swap3A_143 : i32 to index
    %swap3A_145 = arith.constant 128 : index
    %swap3A_146 = tpu.vector_load %arg11[%swap3A_144, %swap3A_145] {strides = array<i32>} : memref<16x144xf32, #tpu.memory_space<vmem>>, vector<16xf32>,
    tpu.vector_store %arg11[%swap3A_144, %swap3A_145], %broadcast_in_dim3A_3 {strides = array<i32>} : memref<16x144xf32, #tpu.memory_space<vmem>>, vector<16xf32>,
    %swap3A_147 = arith.constant 4 : i32
    %swap3A_148 = arith.index_cast %swap3A_147 : i32 to index
    %swap3A_149 = arith.constant 0 : index
    %swap3A_150 = tpu.vector_load %arg11[%swap3A_148, %swap3A_149] {strides = array<i32>} : memref<16x144xf32, #tpu.memory_space<vmem>>, vector<16xf32>,
    tpu.vector_store %arg11[%swap3A_148, %swap3A_149], %broadcast_in_dim3A_3 {strides = array<i32>} : memref<16x144xf32, #tpu.memory_space<vmem>>, vector<16xf32>,
    %swap3A_151 = arith.constant 4 : i32
    %swap3A_152 = arith.index_cast %swap3A_151 : i32 to index
    %swap3A_153 = arith.constant 16 : index
    %swap3A_154 = tpu.vector_load %arg11[%swap3A_152, %swap3A_153] {strides = array<i32>} : memref<16x144xf32, #tpu.memory_space<vmem>>, vector<16xf32>,
    tpu.vector_store %arg11[%swap3A_152, %swap3A_153], %broadcast_in_dim3A_3 {strides = array<i32>} : memref<16x144xf32, #tpu.memory_space<vmem>>, vector<16xf32>,
    %swap3A_155 = arith.constant 4 : i32
    %swap3A_156 = arith.index_cast %swap3A_155 : i32 to index
    %swap3A_157 = arith.constant 32 : index
    %swap3A_158 = tpu.vector_load %arg11[%swap3A_156, %swap3A_157] {strides = array<i32>} : memref<16x144xf32, #tpu.memory_space<vmem>>, vector<16xf32>,
    tpu.vector_store %arg11[%swap3A_156, %swap3A_157], %broadcast_in_dim3A_3 {strides = array<i32>} : memref<16x144xf32, #tpu.memory_space<vmem>>, vector<16xf32>,
    %swap3A_159 = arith.constant 4 : i32
    %swap3A_160 = arith.index_cast %swap3A_159 : i32 to index
    %swap3A_161 = arith.constant 48 : index
    %swap3A_162 = tpu.vector_load %arg11[%swap3A_160, %swap3A_161] {strides = array<i32>} : memref<16x144xf32, #tpu.memory_space<vmem>>, vector<16xf32>,
    tpu.vector_store %arg11[%swap3A_160, %swap3A_161], %broadcast_in_dim3A_3 {strides = array<i32>} : memref<16x144xf32, #tpu.memory_space<vmem>>, vector<16xf32>,
    %swap3A_163 = arith.constant 4 : i32
    %swap3A_164 = arith.index_cast %swap3A_163 : i32 to index
    %swap3A_165 = arith.constant 64 : index
    %swap3A_166 = tpu.vector_load %arg11[%swap3A_164, %swap3A_165] {strides = array<i32>} : memref<16x144xf32, #tpu.memory_space<vmem>>, vector<16xf32>,
    tpu.vector_store %arg11[%swap3A_164, %swap3A_165], %broadcast_in_dim3A_3 {strides = array<i32>} : memref<16x144xf32, #tpu.memory_space<vmem>>, vector<16xf32>,
    %swap3A_167 = arith.constant 4 : i32
    %swap3A_168 = arith.index_cast %swap3A_167 : i32 to index
    %swap3A_169 = arith.constant 80 : index
    %swap3A_170 = tpu.vector_load %arg11[%swap3A_168, %swap3A_169] {strides = array<i32>} : memref<16x144xf32, #tpu.memory_space<vmem>>, vector<16xf32>,
    tpu.vector_store %arg11[%swap3A_168, %swap3A_169], %broadcast_in_dim3A_3 {strides = array<i32>} : memref<16x144xf32, #tpu.memory_space<vmem>>, vector<16xf32>,
    %swap3A_171 = arith.constant 4 : i32
    %swap3A_172 = arith.index_cast %swap3A_171 : i32 to index
    %swap3A_173 = arith.constant 96 : index
    %swap3A_174 = tpu.vector_load %arg11[%swap3A_172, %swap3A_173] {strides = array<i32>} : memref<16x144xf32, #tpu.memory_space<vmem>>, vector<16xf32>,
    tpu.vector_store %arg11[%swap3A_172, %swap3A_173], %broadcast_in_dim3A_3 {strides = array<i32>} : memref<16x144xf32, #tpu.memory_space<vmem>>, vector<16xf32>,
    %swap3A_175 = arith.constant 4 : i32
    %swap3A_176 = arith.index_cast %swap3A_175 : i32 to index
    %swap3A_177 = arith.constant 112 : index
    %swap3A_178 = tpu.vector_load %arg11[%swap3A_176, %swap3A_177] {strides = array<i32>} : memref<16x144xf32, #tpu.memory_space<vmem>>, vector<16xf32>,
    tpu.vector_store %arg11[%swap3A_176, %swap3A_177], %broadcast_in_dim3A_3 {strides = array<i32>} : memref<16x144xf32, #tpu.memory_space<vmem>>, vector<16xf32>,
    %swap3A_179 = arith.constant 4 : i32
    %swap3A_180 = arith.index_cast %swap3A_179 : i32 to index
    %swap3A_181 = arith.constant 128 : index
    %swap3A_182 = tpu.vector_load %arg11[%swap3A_180, %swap3A_181] {strides = array<i32>} : memref<16x144xf32, #tpu.memory_space<vmem>>, vector<16xf32>,
    tpu.vector_store %arg11[%swap3A_180, %swap3A_181], %broadcast_in_dim3A_3 {strides = array<i32>} : memref<16x144xf32, #tpu.memory_space<vmem>>, vector<16xf32>,
    %swap3A_183 = arith.constant 5 : i32
    %swap3A_184 = arith.index_cast %swap3A_183 : i32 to index
    %swap3A_185 = arith.constant 0 : index
    %swap3A_186 = tpu.vector_load %arg11[%swap3A_184, %swap3A_185] {strides = array<i32>} : memref<16x144xf32, #tpu.memory_space<vmem>>, vector<16xf32>,
    tpu.vector_store %arg11[%swap3A_184, %swap3A_185], %broadcast_in_dim3A_3 {strides = array<i32>} : memref<16x144xf32, #tpu.memory_space<vmem>>, vector<16xf32>,
    %swap3A_187 = arith.constant 5 : i32
    %swap3A_188 = arith.index_cast %swap3A_187 : i32 to index
    %swap3A_189 = arith.constant 16 : index
    %swap3A_190 = tpu.vector_load %arg11[%swap3A_188, %swap3A_189] {strides = array<i32>} : memref<16x144xf32, #tpu.memory_space<vmem>>, vector<16xf32>,
    tpu.vector_store %arg11[%swap3A_188, %swap3A_189], %broadcast_in_dim3A_3 {strides = array<i32>} : memref<16x144xf32, #tpu.memory_space<vmem>>, vector<16xf32>,
    %swap3A_191 = arith.constant 5 : i32
    %swap3A_192 = arith.index_cast %swap3A_191 : i32 to index
    %swap3A_193 = arith.constant 32 : index
    %swap3A_194 = tpu.vector_load %arg11[%swap3A_192, %swap3A_193] {strides = array<i32>} : memref<16x144xf32, #tpu.memory_space<vmem>>, vector<16xf32>,
    tpu.vector_store %arg11[%swap3A_192, %swap3A_193], %broadcast_in_dim3A_3 {strides = array<i32>} : memref<16x144xf32, #tpu.memory_space<vmem>>, vector<16xf32>,
    %swap3A_195 = arith.constant 5 : i32
    %swap3A_196 = arith.index_cast %swap3A_195 : i32 to index
    %swap3A_197 = arith.constant 48 : index
    %swap3A_198 = tpu.vector_load %arg11[%swap3A_196, %swap3A_197] {strides = array<i32>} : memref<16x144xf32, #tpu.memory_space<vmem>>, vector<16xf32>,
    tpu.vector_store %arg11[%swap3A_196, %swap3A_197], %broadcast_in_dim3A_3 {strides = array<i32>} : memref<16x144xf32, #tpu.memory_space<vmem>>, vector<16xf32>,
    %swap3A_199 = arith.constant 5 : i32
    %swap3A_200 = arith.index_cast %swap3A_199 : i32 to index
    %swap3A_201 = arith.constant 64 : index
    %swap3A_202 = tpu.vector_load %arg11[%swap3A_200, %swap3A_201] {strides = array<i32>} : memref<16x144xf32, #tpu.memory_space<vmem>>, vector<16xf32>,
    tpu.vector_store %arg11[%swap3A_200, %swap3A_201], %broadcast_in_dim3A_3 {strides = array<i32>} : memref<16x144xf32, #tpu.memory_space<vmem>>, vector<16xf32>,
    %swap3A_203 = arith.constant 5 : i32
    %swap3A_204 = arith.index_cast %swap3A_203 : i32 to index
    %swap3A_205 = arith.constant 80 : index
    %swap3A_206 = tpu.vector_load %arg11[%swap3A_204, %swap3A_205] {strides = array<i32>} : memref<16x144xf32, #tpu.memory_space<vmem>>, vector<16xf32>,
    tpu.vector_store %arg11[%swap3A_204, %swap3A_205], %broadcast_in_dim3A_3 {strides = array<i32>} : memref<16x144xf32, #tpu.memory_space<vmem>>, vector<16xf32>,
    %swap3A_207 = arith.constant 5 : i32
    %swap3A_208 = arith.index_cast %swap3A_207 : i32 to index
    %swap3A_209 = arith.constant 96 : index
    %swap3A_210 = tpu.vector_load %arg11[%swap3A_208, %swap3A_209] {strides = array<i32>} : memref<16x144xf32, #tpu.memory_space<vmem>>, vector<16xf32>,
    tpu.vector_store %arg11[%swap3A_208, %swap3A_209], %broadcast_in_dim3A_3 {strides = array<i32>} : memref<16x144xf32, #tpu.memory_space<vmem>>, vector<16xf32>,
    %swap3A_211 = arith.constant 5 : i32
    %swap3A_212 = arith.index_cast %swap3A_211 : i32 to index
    %swap3A_213 = arith.constant 112 : index
    %swap3A_214 = tpu.vector_load %arg11[%swap3A_212, %swap3A_213] {strides = array<i32>} : memref<16x144xf32, #tpu.memory_space<vmem>>, vector<16xf32>,
    tpu.vector_store %arg11[%swap3A_212, %swap3A_213], %broadcast_in_dim3A_3 {strides = array<i32>} : memref<16x144xf32, #tpu.memory_space<vmem>>, vector<16xf32>,
    %swap3A_215 = arith.constant 5 : i32
    %swap3A_216 = arith.index_cast %swap3A_215 : i32 to index
    %swap3A_217 = arith.constant 128 : index
    %swap3A_218 = tpu.vector_load %arg11[%swap3A_216, %swap3A_217] {strides = array<i32>} : memref<16x144xf32, #tpu.memory_space<vmem>>, vector<16xf32>,
    tpu.vector_store %arg11[%swap3A_216, %swap3A_217], %broadcast_in_dim3A_3 {strides = array<i32>} : memref<16x144xf32, #tpu.memory_space<vmem>>, vector<16xf32>,
    %swap3A_219 = arith.constant 6 : i32
    %swap3A_220 = arith.index_cast %swap3A_219 : i32 to index
    %swap3A_221 = arith.constant 0 : index
    %swap3A_222 = tpu.vector_load %arg11[%swap3A_220, %swap3A_221] {strides = array<i32>} : memref<16x144xf32, #tpu.memory_space<vmem>>, vector<16xf32>,
    tpu.vector_store %arg11[%swap3A_220, %swap3A_221], %broadcast_in_dim3A_3 {strides = array<i32>} : memref<16x144xf32, #tpu.memory_space<vmem>>, vector<16xf32>,
    %swap3A_223 = arith.constant 6 : i32
    %swap3A_224 = arith.index_cast %swap3A_223 : i32 to index
    %swap3A_225 = arith.constant 16 : index
    %swap3A_226 = tpu.vector_load %arg11[%swap3A_224, %swap3A_225] {strides = array<i32>} : memref<16x144xf32, #tpu.memory_space<vmem>>, vector<16xf32>,
    tpu.vector_store %arg11[%swap3A_224, %swap3A_225], %broadcast_in_dim3A_3 {strides = array<i32>} : memref<16x144xf32, #tpu.memory_space<vmem>>, vector<16xf32>,
    %swap3A_227 = arith.constant 6 : i32
    %swap3A_228 = arith.index_cast %swap3A_227 : i32 to index
    %swap3A_229 = arith.constant 32 : index
    %swap3A_230 = tpu.vector_load %arg11[%swap3A_228, %swap3A_229] {strides = array<i32>} : memref<16x144xf32, #tpu.memory_space<vmem>>, vector<16xf32>,
    tpu.vector_store %arg11[%swap3A_228, %swap3A_229], %broadcast_in_dim3A_3 {strides = array<i32>} : memref<16x144xf32, #tpu.memory_space<vmem>>, vector<16xf32>,
    %swap3A_231 = arith.constant 6 : i32
    %swap3A_232 = arith.index_cast %swap3A_231 : i32 to index
    %swap3A_233 = arith.constant 48 : index
    %swap3A_234 = tpu.vector_load %arg11[%swap3A_232, %swap3A_233] {strides = array<i32>} : memref<16x144xf32, #tpu.memory_space<vmem>>, vector<16xf32>,
    tpu.vector_store %arg11[%swap3A_232, %swap3A_233], %broadcast_in_dim3A_3 {strides = array<i32>} : memref<16x144xf32, #tpu.memory_space<vmem>>, vector<16xf32>,
    %swap3A_235 = arith.constant 6 : i32
    %swap3A_236 = arith.index_cast %swap3A_235 : i32 to index
    %swap3A_237 = arith.constant 64 : index
    %swap3A_238 = tpu.vector_load %arg11[%swap3A_236, %swap3A_237] {strides = array<i32>} : memref<16x144xf32, #tpu.memory_space<vmem>>, vector<16xf32>,
    tpu.vector_store %arg11[%swap3A_236, %swap3A_237], %broadcast_in_dim3A_3 {strides = array<i32>} : memref<16x144xf32, #tpu.memory_space<vmem>>, vector<16xf32>,
    %swap3A_239 = arith.constant 6 : i32
    %swap3A_240 = arith.index_cast %swap3A_239 : i32 to index
    %swap3A_241 = arith.constant 80 : index
    %swap3A_242 = tpu.vector_load %arg11[%swap3A_240, %swap3A_241] {strides = array<i32>} : memref<16x144xf32, #tpu.memory_space<vmem>>, vector<16xf32>,
    tpu.vector_store %arg11[%swap3A_240, %swap3A_241], %broadcast_in_dim3A_3 {strides = array<i32>} : memref<16x144xf32, #tpu.memory_space<vmem>>, vector<16xf32>,
    %swap3A_243 = arith.constant 6 : i32
    %swap3A_244 = arith.index_cast %swap3A_243 : i32 to index
    %swap3A_245 = arith.constant 96 : index
    %swap3A_246 = tpu.vector_load %arg11[%swap3A_244, %swap3A_245] {strides = array<i32>} : memref<16x144xf32, #tpu.memory_space<vmem>>, vector<16xf32>,
    tpu.vector_store %arg11[%swap3A_244, %swap3A_245], %broadcast_in_dim3A_3 {strides = array<i32>} : memref<16x144xf32, #tpu.memory_space<vmem>>, vector<16xf32>,
    %swap3A_247 = arith.constant 6 : i32
    %swap3A_248 = arith.index_cast %swap3A_247 : i32 to index
    %swap3A_249 = arith.constant 112 : index
    %swap3A_250 = tpu.vector_load %arg11[%swap3A_248, %swap3A_249] {strides = array<i32>} : memref<16x144xf32, #tpu.memory_space<vmem>>, vector<16xf32>,
    tpu.vector_store %arg11[%swap3A_248, %swap3A_249], %broadcast_in_dim3A_3 {strides = array<i32>} : memref<16x144xf32, #tpu.memory_space<vmem>>, vector<16xf32>,
    %swap3A_251 = arith.constant 6 : i32
    %swap3A_252 = arith.index_cast %swap3A_251 : i32 to index
    %swap3A_253 = arith.constant 128 : index
    %swap3A_254 = tpu.vector_load %arg11[%swap3A_252, %swap3A_253] {strides = array<i32>} : memref<16x144xf32, #tpu.memory_space<vmem>>, vector<16xf32>,
    tpu.vector_store %arg11[%swap3A_252, %swap3A_253], %broadcast_in_dim3A_3 {strides = array<i32>} : memref<16x144xf32, #tpu.memory_space<vmem>>, vector<16xf32>,
    %swap3A_255 = arith.constant 7 : i32
    %swap3A_256 = arith.index_cast %swap3A_255 : i32 to index
    %swap3A_257 = arith.constant 0 : index
    %swap3A_258 = tpu.vector_load %arg11[%swap3A_256, %swap3A_257] {strides = array<i32>} : memref<16x144xf32, #tpu.memory_space<vmem>>, vector<16xf32>,
    tpu.vector_store %arg11[%swap3A_256, %swap3A_257], %broadcast_in_dim3A_3 {strides = array<i32>} : memref<16x144xf32, #tpu.memory_space<vmem>>, vector<16xf32>,
    %swap3A_259 = arith.constant 7 : i32
    %swap3A_260 = arith.index_cast %swap3A_259 : i32 to index
    %swap3A_261 = arith.constant 16 : index
    %swap3A_262 = tpu.vector_load %arg11[%swap3A_260, %swap3A_261] {strides = array<i32>} : memref<16x144xf32, #tpu.memory_space<vmem>>, vector<16xf32>,
    tpu.vector_store %arg11[%swap3A_260, %swap3A_261], %broadcast_in_dim3A_3 {strides = array<i32>} : memref<16x144xf32, #tpu.memory_space<vmem>>, vector<16xf32>,
    %swap3A_263 = arith.constant 7 : i32
    %swap3A_264 = arith.index_cast %swap3A_263 : i32 to index
    %swap3A_265 = arith.constant 32 : index
    %swap3A_266 = tpu.vector_load %arg11[%swap3A_264, %swap3A_265] {strides = array<i32>} : memref<16x144xf32, #tpu.memory_space<vmem>>, vector<16xf32>,
    tpu.vector_store %arg11[%swap3A_264, %swap3A_265], %broadcast_in_dim3A_3 {strides = array<i32>} : memref<16x144xf32, #tpu.memory_space<vmem>>, vector<16xf32>,
    %swap3A_267 = arith.constant 7 : i32
    %swap3A_268 = arith.index_cast %swap3A_267 : i32 to index
    %swap3A_269 = arith.constant 48 : index
    %swap3A_270 = tpu.vector_load %arg11[%swap3A_268, %swap3A_269] {strides = array<i32>} : memref<16x144xf32, #tpu.memory_space<vmem>>, vector<16xf32>,
    tpu.vector_store %arg11[%swap3A_268, %swap3A_269], %broadcast_in_dim3A_3 {strides = array<i32>} : memref<16x144xf32, #tpu.memory_space<vmem>>, vector<16xf32>,
    %swap3A_271 = arith.constant 7 : i32
    %swap3A_272 = arith.index_cast %swap3A_271 : i32 to index
    %swap3A_273 = arith.constant 64 : index
    %swap3A_274 = tpu.vector_load %arg11[%swap3A_272, %swap3A_273] {strides = array<i32>} : memref<16x144xf32, #tpu.memory_space<vmem>>, vector<16xf32>,
    tpu.vector_store %arg11[%swap3A_272, %swap3A_273], %broadcast_in_dim3A_3 {strides = array<i32>} : memref<16x144xf32, #tpu.memory_space<vmem>>, vector<16xf32>,
    %swap3A_275 = arith.constant 7 : i32
    %swap3A_276 = arith.index_cast %swap3A_275 : i32 to index
    %swap3A_277 = arith.constant 80 : index
    %swap3A_278 = tpu.vector_load %arg11[%swap3A_276, %swap3A_277] {strides = array<i32>} : memref<16x144xf32, #tpu.memory_space<vmem>>, vector<16xf32>,
    tpu.vector_store %arg11[%swap3A_276, %swap3A_277], %broadcast_in_dim3A_3 {strides = array<i32>} : memref<16x144xf32, #tpu.memory_space<vmem>>, vector<16xf32>,
    %swap3A_279 = arith.constant 7 : i32
    %swap3A_280 = arith.index_cast %swap3A_279 : i32 to index
    %swap3A_281 = arith.constant 96 : index
    %swap3A_282 = tpu.vector_load %arg11[%swap3A_280, %swap3A_281] {strides = array<i32>} : memref<16x144xf32, #tpu.memory_space<vmem>>, vector<16xf32>,
    tpu.vector_store %arg11[%swap3A_280, %swap3A_281], %broadcast_in_dim3A_3 {strides = array<i32>} : memref<16x144xf32, #tpu.memory_space<vmem>>, vector<16xf32>,
    %swap3A_283 = arith.constant 7 : i32
    %swap3A_284 = arith.index_cast %swap3A_283 : i32 to index
    %swap3A_285 = arith.constant 112 : index
    %swap3A_286 = tpu.vector_load %arg11[%swap3A_284, %swap3A_285] {strides = array<i32>} : memref<16x144xf32, #tpu.memory_space<vmem>>, vector<16xf32>,
    tpu.vector_store %arg11[%swap3A_284, %swap3A_285], %broadcast_in_dim3A_3 {strides = array<i32>} : memref<16x144xf32, #tpu.memory_space<vmem>>, vector<16xf32>,
    %swap3A_287 = arith.constant 7 : i32
    %swap3A_288 = arith.index_cast %swap3A_287 : i32 to index
    %swap3A_289 = arith.constant 128 : index
    %swap3A_290 = tpu.vector_load %arg11[%swap3A_288, %swap3A_289] {strides = array<i32>} : memref<16x144xf32, #tpu.memory_space<vmem>>, vector<16xf32>,
    tpu.vector_store %arg11[%swap3A_288, %swap3A_289], %broadcast_in_dim3A_3 {strides = array<i32>} : memref<16x144xf32, #tpu.memory_space<vmem>>, vector<16xf32>,
    %swap3A_291 = arith.constant 8 : i32
    %swap3A_292 = arith.index_cast %swap3A_291 : i32 to index
    %swap3A_293 = arith.constant 0 : index
    %swap3A_294 = tpu.vector_load %arg11[%swap3A_292, %swap3A_293] {strides = array<i32>} : memref<16x144xf32, #tpu.memory_space<vmem>>, vector<16xf32>,
    tpu.vector_store %arg11[%swap3A_292, %swap3A_293], %broadcast_in_dim3A_3 {strides = array<i32>} : memref<16x144xf32, #tpu.memory_space<vmem>>, vector<16xf32>,
    %swap3A_295 = arith.constant 8 : i32
    %swap3A_296 = arith.index_cast %swap3A_295 : i32 to index
    %swap3A_297 = arith.constant 16 : index
    %swap3A_298 = tpu.vector_load %arg11[%swap3A_296, %swap3A_297] {strides = array<i32>} : memref<16x144xf32, #tpu.memory_space<vmem>>, vector<16xf32>,
    tpu.vector_store %arg11[%swap3A_296, %swap3A_297], %broadcast_in_dim3A_3 {strides = array<i32>} : memref<16x144xf32, #tpu.memory_space<vmem>>, vector<16xf32>,
    %swap3A_299 = arith.constant 8 : i32
    %swap3A_300 = arith.index_cast %swap3A_299 : i32 to index
    %swap3A_301 = arith.constant 32 : index
    %swap3A_302 = tpu.vector_load %arg11[%swap3A_300, %swap3A_301] {strides = array<i32>} : memref<16x144xf32, #tpu.memory_space<vmem>>, vector<16xf32>,
    tpu.vector_store %arg11[%swap3A_300, %swap3A_301], %broadcast_in_dim3A_3 {strides = array<i32>} : memref<16x144xf32, #tpu.memory_space<vmem>>, vector<16xf32>,
    %swap3A_303 = arith.constant 8 : i32
    %swap3A_304 = arith.index_cast %swap3A_303 : i32 to index
    %swap3A_305 = arith.constant 48 : index
    %swap3A_306 = tpu.vector_load %arg11[%swap3A_304, %swap3A_305] {strides = array<i32>} : memref<16x144xf32, #tpu.memory_space<vmem>>, vector<16xf32>,
    tpu.vector_store %arg11[%swap3A_304, %swap3A_305], %broadcast_in_dim3A_3 {strides = array<i32>} : memref<16x144xf32, #tpu.memory_space<vmem>>, vector<16xf32>,
    %swap3A_307 = arith.constant 8 : i32
    %swap3A_308 = arith.index_cast %swap3A_307 : i32 to index
    %swap3A_309 = arith.constant 64 : index
    %swap3A_310 = tpu.vector_load %arg11[%swap3A_308, %swap3A_309] {strides = array<i32>} : memref<16x144xf32, #tpu.memory_space<vmem>>, vector<16xf32>,
    tpu.vector_store %arg11[%swap3A_308, %swap3A_309], %broadcast_in_dim3A_3 {strides = array<i32>} : memref<16x144xf32, #tpu.memory_space<vmem>>, vector<16xf32>,
    %swap3A_311 = arith.constant 8 : i32
    %swap3A_312 = arith.index_cast %swap3A_311 : i32 to index
    %swap3A_313 = arith.constant 80 : index
    %swap3A_314 = tpu.vector_load %arg11[%swap3A_312, %swap3A_313] {strides = array<i32>} : memref<16x144xf32, #tpu.memory_space<vmem>>, vector<16xf32>,
    tpu.vector_store %arg11[%swap3A_312, %swap3A_313], %broadcast_in_dim3A_3 {strides = array<i32>} : memref<16x144xf32, #tpu.memory_space<vmem>>, vector<16xf32>,
    %swap3A_315 = arith.constant 8 : i32
    %swap3A_316 = arith.index_cast %swap3A_315 : i32 to index
    %swap3A_317 = arith.constant 96 : index
    %swap3A_318 = tpu.vector_load %arg11[%swap3A_316, %swap3A_317] {strides = array<i32>} : memref<16x144xf32, #tpu.memory_space<vmem>>, vector<16xf32>,
    tpu.vector_store %arg11[%swap3A_316, %swap3A_317], %broadcast_in_dim3A_3 {strides = array<i32>} : memref<16x144xf32, #tpu.memory_space<vmem>>, vector<16xf32>,
    %swap3A_319 = arith.constant 8 : i32
    %swap3A_320 = arith.index_cast %swap3A_319 : i32 to index
    %swap3A_321 = arith.constant 112 : index
    %swap3A_322 = tpu.vector_load %arg11[%swap3A_320, %swap3A_321] {strides = array<i32>} : memref<16x144xf32, #tpu.memory_space<vmem>>, vector<16xf32>,
    tpu.vector_store %arg11[%swap3A_320, %swap3A_321], %broadcast_in_dim3A_3 {strides = array<i32>} : memref<16x144xf32, #tpu.memory_space<vmem>>, vector<16xf32>,
    %swap3A_323 = arith.constant 8 : i32
    %swap3A_324 = arith.index_cast %swap3A_323 : i32 to index
    %swap3A_325 = arith.constant 128 : index
    %swap3A_326 = tpu.vector_load %arg11[%swap3A_324, %swap3A_325] {strides = array<i32>} : memref<16x144xf32, #tpu.memory_space<vmem>>, vector<16xf32>,
    tpu.vector_store %arg11[%swap3A_324, %swap3A_325], %broadcast_in_dim3A_3 {strides = array<i32>} : memref<16x144xf32, #tpu.memory_space<vmem>>, vector<16xf32>,
    %swap3A_327 = arith.constant 9 : i32
    %swap3A_328 = arith.index_cast %swap3A_327 : i32 to index
    %swap3A_329 = arith.constant 0 : index
    %swap3A_330 = tpu.vector_load %arg11[%swap3A_328, %swap3A_329] {strides = array<i32>} : memref<16x144xf32, #tpu.memory_space<vmem>>, vector<16xf32>,
    tpu.vector_store %arg11[%swap3A_328, %swap3A_329], %broadcast_in_dim3A_3 {strides = array<i32>} : memref<16x144xf32, #tpu.memory_space<vmem>>, vector<16xf32>,
    %swap3A_331 = arith.constant 9 : i32
    %swap3A_332 = arith.index_cast %swap3A_331 : i32 to index
    %swap3A_333 = arith.constant 16 : index
    %swap3A_334 = tpu.vector_load %arg11[%swap3A_332, %swap3A_333] {strides = array<i32>} : memref<16x144xf32, #tpu.memory_space<vmem>>, vector<16xf32>,
    tpu.vector_store %arg11[%swap3A_332, %swap3A_333], %broadcast_in_dim3A_3 {strides = array<i32>} : memref<16x144xf32, #tpu.memory_space<vmem>>, vector<16xf32>,
    %swap3A_335 = arith.constant 9 : i32
    %swap3A_336 = arith.index_cast %swap3A_335 : i32 to index
    %swap3A_337 = arith.constant 32 : index
    %swap3A_338 = tpu.vector_load %arg11[%swap3A_336, %swap3A_337] {strides = array<i32>} : memref<16x144xf32, #tpu.memory_space<vmem>>, vector<16xf32>,
    tpu.vector_store %arg11[%swap3A_336, %swap3A_337], %broadcast_in_dim3A_3 {strides = array<i32>} : memref<16x144xf32, #tpu.memory_space<vmem>>, vector<16xf32>,
    %swap3A_339 = arith.constant 9 : i32
    %swap3A_340 = arith.index_cast %swap3A_339 : i32 to index
    %swap3A_341 = arith.constant 48 : index
    %swap3A_342 = tpu.vector_load %arg11[%swap3A_340, %swap3A_341] {strides = array<i32>} : memref<16x144xf32, #tpu.memory_space<vmem>>, vector<16xf32>,
    tpu.vector_store %arg11[%swap3A_340, %swap3A_341], %broadcast_in_dim3A_3 {strides = array<i32>} : memref<16x144xf32, #tpu.memory_space<vmem>>, vector<16xf32>,
    %swap3A_343 = arith.constant 9 : i32
    %swap3A_344 = arith.index_cast %swap3A_343 : i32 to index
    %swap3A_345 = arith.constant 64 : index
    %swap3A_346 = tpu.vector_load %arg11[%swap3A_344, %swap3A_345] {strides = array<i32>} : memref<16x144xf32, #tpu.memory_space<vmem>>, vector<16xf32>,
    tpu.vector_store %arg11[%swap3A_344, %swap3A_345], %broadcast_in_dim3A_3 {strides = array<i32>} : memref<16x144xf32, #tpu.memory_space<vmem>>, vector<16xf32>,
    %swap3A_347 = arith.constant 9 : i32
    %swap3A_348 = arith.index_cast %swap3A_347 : i32 to index
    %swap3A_349 = arith.constant 80 : index
    %swap3A_350 = tpu.vector_load %arg11[%swap3A_348, %swap3A_349] {strides = array<i32>} : memref<16x144xf32, #tpu.memory_space<vmem>>, vector<16xf32>,
    tpu.vector_store %arg11[%swap3A_348, %swap3A_349], %broadcast_in_dim3A_3 {strides = array<i32>} : memref<16x144xf32, #tpu.memory_space<vmem>>, vector<16xf32>,
    %swap3A_351 = arith.constant 9 : i32
    %swap3A_352 = arith.index_cast %swap3A_351 : i32 to index
    %swap3A_353 = arith.constant 96 : index
    %swap3A_354 = tpu.vector_load %arg11[%swap3A_352, %swap3A_353] {strides = array<i32>} : memref<16x144xf32, #tpu.memory_space<vmem>>, vector<16xf32>,
    tpu.vector_store %arg11[%swap3A_352, %swap3A_353], %broadcast_in_dim3A_3 {strides = array<i32>} : memref<16x144xf32, #tpu.memory_space<vmem>>, vector<16xf32>,
    %swap3A_355 = arith.constant 9 : i32
    %swap3A_356 = arith.index_cast %swap3A_355 : i32 to index
    %swap3A_357 = arith.constant 112 : index
    %swap3A_358 = tpu.vector_load %arg11[%swap3A_356, %swap3A_357] {strides = array<i32>} : memref<16x144xf32, #tpu.memory_space<vmem>>, vector<16xf32>,
    tpu.vector_store %arg11[%swap3A_356, %swap3A_357], %broadcast_in_dim3A_3 {strides = array<i32>} : memref<16x144xf32, #tpu.memory_space<vmem>>, vector<16xf32>,
    %swap3A_359 = arith.constant 9 : i32
    %swap3A_360 = arith.index_cast %swap3A_359 : i32 to index
    %swap3A_361 = arith.constant 128 : index
    %swap3A_362 = tpu.vector_load %arg11[%swap3A_360, %swap3A_361] {strides = array<i32>} : memref<16x144xf32, #tpu.memory_space<vmem>>, vector<16xf32>,
    tpu.vector_store %arg11[%swap3A_360, %swap3A_361], %broadcast_in_dim3A_3 {strides = array<i32>} : memref<16x144xf32, #tpu.memory_space<vmem>>, vector<16xf32>,
    %swap3A_363 = arith.constant 10 : i32
    %swap3A_364 = arith.index_cast %swap3A_363 : i32 to index
    %swap3A_365 = arith.constant 0 : index
    %swap3A_366 = tpu.vector_load %arg11[%swap3A_364, %swap3A_365] {strides = array<i32>} : memref<16x144xf32, #tpu.memory_space<vmem>>, vector<16xf32>,
    tpu.vector_store %arg11[%swap3A_364, %swap3A_365], %broadcast_in_dim3A_3 {strides = array<i32>} : memref<16x144xf32, #tpu.memory_space<vmem>>, vector<16xf32>,
    %swap3A_367 = arith.constant 10 : i32
    %swap3A_368 = arith.index_cast %swap3A_367 : i32 to index
    %swap3A_369 = arith.constant 16 : index
    %swap3A_370 = tpu.vector_load %arg11[%swap3A_368, %swap3A_369] {strides = array<i32>} : memref<16x144xf32, #tpu.memory_space<vmem>>, vector<16xf32>,
    tpu.vector_store %arg11[%swap3A_368, %swap3A_369], %broadcast_in_dim3A_3 {strides = array<i32>} : memref<16x144xf32, #tpu.memory_space<vmem>>, vector<16xf32>,
    %swap3A_371 = arith.constant 10 : i32
    %swap3A_372 = arith.index_cast %swap3A_371 : i32 to index
    %swap3A_373 = arith.constant 32 : index
    %swap3A_374 = tpu.vector_load %arg11[%swap3A_372, %swap3A_373] {strides = array<i32>} : memref<16x144xf32, #tpu.memory_space<vmem>>, vector<16xf32>,
    tpu.vector_store %arg11[%swap3A_372, %swap3A_373], %broadcast_in_dim3A_3 {strides = array<i32>} : memref<16x144xf32, #tpu.memory_space<vmem>>, vector<16xf32>,
    %swap3A_375 = arith.constant 10 : i32
    %swap3A_376 = arith.index_cast %swap3A_375 : i32 to index
    %swap3A_377 = arith.constant 48 : index
    %swap3A_378 = tpu.vector_load %arg11[%swap3A_376, %swap3A_377] {strides = array<i32>} : memref<16x144xf32, #tpu.memory_space<vmem>>, vector<16xf32>,
    tpu.vector_store %arg11[%swap3A_376, %swap3A_377], %broadcast_in_dim3A_3 {strides = array<i32>} : memref<16x144xf32, #tpu.memory_space<vmem>>, vector<16xf32>,
    %swap3A_379 = arith.constant 10 : i32
    %swap3A_380 = arith.index_cast %swap3A_379 : i32 to index
    %swap3A_381 = arith.constant 64 : index
    %swap3A_382 = tpu.vector_load %arg11[%swap3A_380, %swap3A_381] {strides = array<i32>} : memref<16x144xf32, #tpu.memory_space<vmem>>, vector<16xf32>,
    tpu.vector_store %arg11[%swap3A_380, %swap3A_381], %broadcast_in_dim3A_3 {strides = array<i32>} : memref<16x144xf32, #tpu.memory_space<vmem>>, vector<16xf32>,
    %swap3A_383 = arith.constant 10 : i32
    %swap3A_384 = arith.index_cast %swap3A_383 : i32 to index
    %swap3A_385 = arith.constant 80 : index
    %swap3A_386 = tpu.vector_load %arg11[%swap3A_384, %swap3A_385] {strides = array<i32>} : memref<16x144xf32, #tpu.memory_space<vmem>>, vector<16xf32>,
    tpu.vector_store %arg11[%swap3A_384, %swap3A_385], %broadcast_in_dim3A_3 {strides = array<i32>} : memref<16x144xf32, #tpu.memory_space<vmem>>, vector<16xf32>,
    %swap3A_387 = arith.constant 10 : i32
    %swap3A_388 = arith.index_cast %swap3A_387 : i32 to index
    %swap3A_389 = arith.constant 96 : index
    %swap3A_390 = tpu.vector_load %arg11[%swap3A_388, %swap3A_389] {strides = array<i32>} : memref<16x144xf32, #tpu.memory_space<vmem>>, vector<16xf32>,
    tpu.vector_store %arg11[%swap3A_388, %swap3A_389], %broadcast_in_dim3A_3 {strides = array<i32>} : memref<16x144xf32, #tpu.memory_space<vmem>>, vector<16xf32>,
    %swap3A_391 = arith.constant 10 : i32
    %swap3A_392 = arith.index_cast %swap3A_391 : i32 to index
    %swap3A_393 = arith.constant 112 : index
    %swap3A_394 = tpu.vector_load %arg11[%swap3A_392, %swap3A_393] {strides = array<i32>} : memref<16x144xf32, #tpu.memory_space<vmem>>, vector<16xf32>,
    tpu.vector_store %arg11[%swap3A_392, %swap3A_393], %broadcast_in_dim3A_3 {strides = array<i32>} : memref<16x144xf32, #tpu.memory_space<vmem>>, vector<16xf32>,
    %swap3A_395 = arith.constant 10 : i32
    %swap3A_396 = arith.index_cast %swap3A_395 : i32 to index
    %swap3A_397 = arith.constant 128 : index
    %swap3A_398 = tpu.vector_load %arg11[%swap3A_396, %swap3A_397] {strides = array<i32>} : memref<16x144xf32, #tpu.memory_space<vmem>>, vector<16xf32>,
    tpu.vector_store %arg11[%swap3A_396, %swap3A_397], %broadcast_in_dim3A_3 {strides = array<i32>} : memref<16x144xf32, #tpu.memory_space<vmem>>, vector<16xf32>,
    %swap3A_399 = arith.constant 11 : i32
    %swap3A_400 = arith.index_cast %swap3A_399 : i32 to index
    %swap3A_401 = arith.constant 0 : index
    %swap3A_402 = tpu.vector_load %arg11[%swap3A_400, %swap3A_401] {strides = array<i32>} : memref<16x144xf32, #tpu.memory_space<vmem>>, vector<16xf32>,
    tpu.vector_store %arg11[%swap3A_400, %swap3A_401], %broadcast_in_dim3A_3 {strides = array<i32>} : memref<16x144xf32, #tpu.memory_space<vmem>>, vector<16xf32>,
    %swap3A_403 = arith.constant 11 : i32
    %swap3A_404 = arith.index_cast %swap3A_403 : i32 to index
    %swap3A_405 = arith.constant 16 : index
    %swap3A_406 = tpu.vector_load %arg11[%swap3A_404, %swap3A_405] {strides = array<i32>} : memref<16x144xf32, #tpu.memory_space<vmem>>, vector<16xf32>,
    tpu.vector_store %arg11[%swap3A_404, %swap3A_405], %broadcast_in_dim3A_3 {strides = array<i32>} : memref<16x144xf32, #tpu.memory_space<vmem>>, vector<16xf32>,
    %swap3A_407 = arith.constant 11 : i32
    %swap3A_408 = arith.index_cast %swap3A_407 : i32 to index
    %swap3A_409 = arith.constant 32 : index
    %swap3A_410 = tpu.vector_load %arg11[%swap3A_408, %swap3A_409] {strides = array<i32>} : memref<16x144xf32, #tpu.memory_space<vmem>>, vector<16xf32>,
    tpu.vector_store %arg11[%swap3A_408, %swap3A_409], %broadcast_in_dim3A_3 {strides = array<i32>} : memref<16x144xf32, #tpu.memory_space<vmem>>, vector<16xf32>,
    %swap3A_411 = arith.constant 11 : i32
    %swap3A_412 = arith.index_cast %swap3A_411 : i32 to index
    %swap3A_413 = arith.constant 48 : index
    %swap3A_414 = tpu.vector_load %arg11[%swap3A_412, %swap3A_413] {strides = array<i32>} : memref<16x144xf32, #tpu.memory_space<vmem>>, vector<16xf32>,
    tpu.vector_store %arg11[%swap3A_412, %swap3A_413], %broadcast_in_dim3A_3 {strides = array<i32>} : memref<16x144xf32, #tpu.memory_space<vmem>>, vector<16xf32>,
    %swap3A_415 = arith.constant 11 : i32
    %swap3A_416 = arith.index_cast %swap3A_415 : i32 to index
    %swap3A_417 = arith.constant 64 : index
    %swap3A_418 = tpu.vector_load %arg11[%swap3A_416, %swap3A_417] {strides = array<i32>} : memref<16x144xf32, #tpu.memory_space<vmem>>, vector<16xf32>,
    tpu.vector_store %arg11[%swap3A_416, %swap3A_417], %broadcast_in_dim3A_3 {strides = array<i32>} : memref<16x144xf32, #tpu.memory_space<vmem>>, vector<16xf32>,
    %swap3A_419 = arith.constant 11 : i32
    %swap3A_420 = arith.index_cast %swap3A_419 : i32 to index
    %swap3A_421 = arith.constant 80 : index
    %swap3A_422 = tpu.vector_load %arg11[%swap3A_420, %swap3A_421] {strides = array<i32>} : memref<16x144xf32, #tpu.memory_space<vmem>>, vector<16xf32>,
    tpu.vector_store %arg11[%swap3A_420, %swap3A_421], %broadcast_in_dim3A_3 {strides = array<i32>} : memref<16x144xf32, #tpu.memory_space<vmem>>, vector<16xf32>,
    %swap3A_423 = arith.constant 11 : i32
    %swap3A_424 = arith.index_cast %swap3A_423 : i32 to index
    %swap3A_425 = arith.constant 96 : index
    %swap3A_426 = tpu.vector_load %arg11[%swap3A_424, %swap3A_425] {strides = array<i32>} : memref<16x144xf32, #tpu.memory_space<vmem>>, vector<16xf32>,
    tpu.vector_store %arg11[%swap3A_424, %swap3A_425], %broadcast_in_dim3A_3 {strides = array<i32>} : memref<16x144xf32, #tpu.memory_space<vmem>>, vector<16xf32>,
    %swap3A_427 = arith.constant 11 : i32
    %swap3A_428 = arith.index_cast %swap3A_427 : i32 to index
    %swap3A_429 = arith.constant 112 : index
    %swap3A_430 = tpu.vector_load %arg11[%swap3A_428, %swap3A_429] {strides = array<i32>} : memref<16x144xf32, #tpu.memory_space<vmem>>, vector<16xf32>,
    tpu.vector_store %arg11[%swap3A_428, %swap3A_429], %broadcast_in_dim3A_3 {strides = array<i32>} : memref<16x144xf32, #tpu.memory_space<vmem>>, vector<16xf32>,
    %swap3A_431 = arith.constant 11 : i32
    %swap3A_432 = arith.index_cast %swap3A_431 : i32 to index
    %swap3A_433 = arith.constant 128 : index
    %swap3A_434 = tpu.vector_load %arg11[%swap3A_432, %swap3A_433] {strides = array<i32>} : memref<16x144xf32, #tpu.memory_space<vmem>>, vector<16xf32>,
    tpu.vector_store %arg11[%swap3A_432, %swap3A_433], %broadcast_in_dim3A_3 {strides = array<i32>} : memref<16x144xf32, #tpu.memory_space<vmem>>, vector<16xf32>,
    %swap3A_435 = arith.constant 12 : i32
    %swap3A_436 = arith.index_cast %swap3A_435 : i32 to index
    %swap3A_437 = arith.constant 0 : index
    %swap3A_438 = tpu.vector_load %arg11[%swap3A_436, %swap3A_437] {strides = array<i32>} : memref<16x144xf32, #tpu.memory_space<vmem>>, vector<16xf32>,
    tpu.vector_store %arg11[%swap3A_436, %swap3A_437], %broadcast_in_dim3A_3 {strides = array<i32>} : memref<16x144xf32, #tpu.memory_space<vmem>>, vector<16xf32>,
    %swap3A_439 = arith.constant 12 : i32
    %swap3A_440 = arith.index_cast %swap3A_439 : i32 to index
    %swap3A_441 = arith.constant 16 : index
    %swap3A_442 = tpu.vector_load %arg11[%swap3A_440, %swap3A_441] {strides = array<i32>} : memref<16x144xf32, #tpu.memory_space<vmem>>, vector<16xf32>,
    tpu.vector_store %arg11[%swap3A_440, %swap3A_441], %broadcast_in_dim3A_3 {strides = array<i32>} : memref<16x144xf32, #tpu.memory_space<vmem>>, vector<16xf32>,
    %swap3A_443 = arith.constant 12 : i32
    %swap3A_444 = arith.index_cast %swap3A_443 : i32 to index
    %swap3A_445 = arith.constant 32 : index
    %swap3A_446 = tpu.vector_load %arg11[%swap3A_444, %swap3A_445] {strides = array<i32>} : memref<16x144xf32, #tpu.memory_space<vmem>>, vector<16xf32>,
    tpu.vector_store %arg11[%swap3A_444, %swap3A_445], %broadcast_in_dim3A_3 {strides = array<i32>} : memref<16x144xf32, #tpu.memory_space<vmem>>, vector<16xf32>,
    %swap3A_447 = arith.constant 12 : i32
    %swap3A_448 = arith.index_cast %swap3A_447 : i32 to index
    %swap3A_449 = arith.constant 48 : index
    %swap3A_450 = tpu.vector_load %arg11[%swap3A_448, %swap3A_449] {strides = array<i32>} : memref<16x144xf32, #tpu.memory_space<vmem>>, vector<16xf32>,
    tpu.vector_store %arg11[%swap3A_448, %swap3A_449], %broadcast_in_dim3A_3 {strides = array<i32>} : memref<16x144xf32, #tpu.memory_space<vmem>>, vector<16xf32>,
    %swap3A_451 = arith.constant 12 : i32
    %swap3A_452 = arith.index_cast %swap3A_451 : i32 to index
    %swap3A_453 = arith.constant 64 : index
    %swap3A_454 = tpu.vector_load %arg11[%swap3A_452, %swap3A_453] {strides = array<i32>} : memref<16x144xf32, #tpu.memory_space<vmem>>, vector<16xf32>,
    tpu.vector_store %arg11[%swap3A_452, %swap3A_453], %broadcast_in_dim3A_3 {strides = array<i32>} : memref<16x144xf32, #tpu.memory_space<vmem>>, vector<16xf32>,
    %swap3A_455 = arith.constant 12 : i32
    %swap3A_456 = arith.index_cast %swap3A_455 : i32 to index
    %swap3A_457 = arith.constant 80 : index
    %swap3A_458 = tpu.vector_load %arg11[%swap3A_456, %swap3A_457] {strides = array<i32>} : memref<16x144xf32, #tpu.memory_space<vmem>>, vector<16xf32>,
    tpu.vector_store %arg11[%swap3A_456, %swap3A_457], %broadcast_in_dim3A_3 {strides = array<i32>} : memref<16x144xf32, #tpu.memory_space<vmem>>, vector<16xf32>,
    %swap3A_459 = arith.constant 12 : i32
    %swap3A_460 = arith.index_cast %swap3A_459 : i32 to index
    %swap3A_461 = arith.constant 96 : index
    %swap3A_462 = tpu.vector_load %arg11[%swap3A_460, %swap3A_461] {strides = array<i32>} : memref<16x144xf32, #tpu.memory_space<vmem>>, vector<16xf32>,
    tpu.vector_store %arg11[%swap3A_460, %swap3A_461], %broadcast_in_dim3A_3 {strides = array<i32>} : memref<16x144xf32, #tpu.memory_space<vmem>>, vector<16xf32>,
    %swap3A_463 = arith.constant 12 : i32
    %swap3A_464 = arith.index_cast %swap3A_463 : i32 to index
    %swap3A_465 = arith.constant 112 : index
    %swap3A_466 = tpu.vector_load %arg11[%swap3A_464, %swap3A_465] {strides = array<i32>} : memref<16x144xf32, #tpu.memory_space<vmem>>, vector<16xf32>,
    tpu.vector_store %arg11[%swap3A_464, %swap3A_465], %broadcast_in_dim3A_3 {strides = array<i32>} : memref<16x144xf32, #tpu.memory_space<vmem>>, vector<16xf32>,
    %swap3A_467 = arith.constant 12 : i32
    %swap3A_468 = arith.index_cast %swap3A_467 : i32 to index
    %swap3A_469 = arith.constant 128 : index
    %swap3A_470 = tpu.vector_load %arg11[%swap3A_468, %swap3A_469] {strides = array<i32>} : memref<16x144xf32, #tpu.memory_space<vmem>>, vector<16xf32>,
    tpu.vector_store %arg11[%swap3A_468, %swap3A_469], %broadcast_in_dim3A_3 {strides = array<i32>} : memref<16x144xf32, #tpu.memory_space<vmem>>, vector<16xf32>,
    %swap3A_471 = arith.constant 13 : i32
    %swap3A_472 = arith.index_cast %swap3A_471 : i32 to index
    %swap3A_473 = arith.constant 0 : index
    %swap3A_474 = tpu.vector_load %arg11[%swap3A_472, %swap3A_473] {strides = array<i32>} : memref<16x144xf32, #tpu.memory_space<vmem>>, vector<16xf32>,
    tpu.vector_store %arg11[%swap3A_472, %swap3A_473], %broadcast_in_dim3A_3 {strides = array<i32>} : memref<16x144xf32, #tpu.memory_space<vmem>>, vector<16xf32>,
    %swap3A_475 = arith.constant 13 : i32
    %swap3A_476 = arith.index_cast %swap3A_475 : i32 to index
    %swap3A_477 = arith.constant 16 : index
    %swap3A_478 = tpu.vector_load %arg11[%swap3A_476, %swap3A_477] {strides = array<i32>} : memref<16x144xf32, #tpu.memory_space<vmem>>, vector<16xf32>,
    tpu.vector_store %arg11[%swap3A_476, %swap3A_477], %broadcast_in_dim3A_3 {strides = array<i32>} : memref<16x144xf32, #tpu.memory_space<vmem>>, vector<16xf32>,
    %swap3A_479 = arith.constant 13 : i32
    %swap3A_480 = arith.index_cast %swap3A_479 : i32 to index
    %swap3A_481 = arith.constant 32 : index
    %swap3A_482 = tpu.vector_load %arg11[%swap3A_480, %swap3A_481] {strides = array<i32>} : memref<16x144xf32, #tpu.memory_space<vmem>>, vector<16xf32>,
    tpu.vector_store %arg11[%swap3A_480, %swap3A_481], %broadcast_in_dim3A_3 {strides = array<i32>} : memref<16x144xf32, #tpu.memory_space<vmem>>, vector<16xf32>,
    %swap3A_483 = arith.constant 13 : i32
    %swap3A_484 = arith.index_cast %swap3A_483 : i32 to index
    %swap3A_485 = arith.constant 48 : index
    %swap3A_486 = tpu.vector_load %arg11[%swap3A_484, %swap3A_485] {strides = array<i32>} : memref<16x144xf32, #tpu.memory_space<vmem>>, vector<16xf32>,
    tpu.vector_store %arg11[%swap3A_484, %swap3A_485], %broadcast_in_dim3A_3 {strides = array<i32>} : memref<16x144xf32, #tpu.memory_space<vmem>>, vector<16xf32>,
    %swap3A_487 = arith.constant 13 : i32
    %swap3A_488 = arith.index_cast %swap3A_487 : i32 to index
    %swap3A_489 = arith.constant 64 : index
    %swap3A_490 = tpu.vector_load %arg11[%swap3A_488, %swap3A_489] {strides = array<i32>} : memref<16x144xf32, #tpu.memory_space<vmem>>, vector<16xf32>,
    tpu.vector_store %arg11[%swap3A_488, %swap3A_489], %broadcast_in_dim3A_3 {strides = array<i32>} : memref<16x144xf32, #tpu.memory_space<vmem>>, vector<16xf32>,
    %swap3A_491 = arith.constant 13 : i32
    %swap3A_492 = arith.index_cast %swap3A_491 : i32 to index
    %swap3A_493 = arith.constant 80 : index
    %swap3A_494 = tpu.vector_load %arg11[%swap3A_492, %swap3A_493] {strides = array<i32>} : memref<16x144xf32, #tpu.memory_space<vmem>>, vector<16xf32>,
    tpu.vector_store %arg11[%swap3A_492, %swap3A_493], %broadcast_in_dim3A_3 {strides = array<i32>} : memref<16x144xf32, #tpu.memory_space<vmem>>, vector<16xf32>,
    %swap3A_495 = arith.constant 13 : i32
    %swap3A_496 = arith.index_cast %swap3A_495 : i32 to index
    %swap3A_497 = arith.constant 96 : index
    %swap3A_498 = tpu.vector_load %arg11[%swap3A_496, %swap3A_497] {strides = array<i32>} : memref<16x144xf32, #tpu.memory_space<vmem>>, vector<16xf32>,
    tpu.vector_store %arg11[%swap3A_496, %swap3A_497], %broadcast_in_dim3A_3 {strides = array<i32>} : memref<16x144xf32, #tpu.memory_space<vmem>>, vector<16xf32>,
    %swap3A_499 = arith.constant 13 : i32
    %swap3A_500 = arith.index_cast %swap3A_499 : i32 to index
    %swap3A_501 = arith.constant 112 : index
    %swap3A_502 = tpu.vector_load %arg11[%swap3A_500, %swap3A_501] {strides = array<i32>} : memref<16x144xf32, #tpu.memory_space<vmem>>, vector<16xf32>,
    tpu.vector_store %arg11[%swap3A_500, %swap3A_501], %broadcast_in_dim3A_3 {strides = array<i32>} : memref<16x144xf32, #tpu.memory_space<vmem>>, vector<16xf32>,
    %swap3A_503 = arith.constant 13 : i32
    %swap3A_504 = arith.index_cast %swap3A_503 : i32 to index
    %swap3A_505 = arith.constant 128 : index
    %swap3A_506 = tpu.vector_load %arg11[%swap3A_504, %swap3A_505] {strides = array<i32>} : memref<16x144xf32, #tpu.memory_space<vmem>>, vector<16xf32>,
    tpu.vector_store %arg11[%swap3A_504, %swap3A_505], %broadcast_in_dim3A_3 {strides = array<i32>} : memref<16x144xf32, #tpu.memory_space<vmem>>, vector<16xf32>,
    %swap3A_507 = arith.constant 14 : i32
    %swap3A_508 = arith.index_cast %swap3A_507 : i32 to index
    %swap3A_509 = arith.constant 0 : index
    %swap3A_510 = tpu.vector_load %arg11[%swap3A_508, %swap3A_509] {strides = array<i32>} : memref<16x144xf32, #tpu.memory_space<vmem>>, vector<16xf32>,
    tpu.vector_store %arg11[%swap3A_508, %swap3A_509], %broadcast_in_dim3A_3 {strides = array<i32>} : memref<16x144xf32, #tpu.memory_space<vmem>>, vector<16xf32>,
    %swap3A_511 = arith.constant 14 : i32
    %swap3A_512 = arith.index_cast %swap3A_511 : i32 to index
    %swap3A_513 = arith.constant 16 : index
    %swap3A_514 = tpu.vector_load %arg11[%swap3A_512, %swap3A_513] {strides = array<i32>} : memref<16x144xf32, #tpu.memory_space<vmem>>, vector<16xf32>,
    tpu.vector_store %arg11[%swap3A_512, %swap3A_513], %broadcast_in_dim3A_3 {strides = array<i32>} : memref<16x144xf32, #tpu.memory_space<vmem>>, vector<16xf32>,
    %swap3A_515 = arith.constant 14 : i32
    %swap3A_516 = arith.index_cast %swap3A_515 : i32 to index
    %swap3A_517 = arith.constant 32 : index
    %swap3A_518 = tpu.vector_load %arg11[%swap3A_516, %swap3A_517] {strides = array<i32>} : memref<16x144xf32, #tpu.memory_space<vmem>>, vector<16xf32>,
    tpu.vector_store %arg11[%swap3A_516, %swap3A_517], %broadcast_in_dim3A_3 {strides = array<i32>} : memref<16x144xf32, #tpu.memory_space<vmem>>, vector<16xf32>,
    %swap3A_519 = arith.constant 14 : i32
    %swap3A_520 = arith.index_cast %swap3A_519 : i32 to index
    %swap3A_521 = arith.constant 48 : index
    %swap3A_522 = tpu.vector_load %arg11[%swap3A_520, %swap3A_521] {strides = array<i32>} : memref<16x144xf32, #tpu.memory_space<vmem>>, vector<16xf32>,
    tpu.vector_store %arg11[%swap3A_520, %swap3A_521], %broadcast_in_dim3A_3 {strides = array<i32>} : memref<16x144xf32, #tpu.memory_space<vmem>>, vector<16xf32>,
    %swap3A_523 = arith.constant 14 : i32
    %swap3A_524 = arith.index_cast %swap3A_523 : i32 to index
    %swap3A_525 = arith.constant 64 : index
    %swap3A_526 = tpu.vector_load %arg11[%swap3A_524, %swap3A_525] {strides = array<i32>} : memref<16x144xf32, #tpu.memory_space<vmem>>, vector<16xf32>,
    tpu.vector_store %arg11[%swap3A_524, %swap3A_525], %broadcast_in_dim3A_3 {strides = array<i32>} : memref<16x144xf32, #tpu.memory_space<vmem>>, vector<16xf32>,
    %swap3A_527 = arith.constant 14 : i32
    %swap3A_528 = arith.index_cast %swap3A_527 : i32 to index
    %swap3A_529 = arith.constant 80 : index
    %swap3A_530 = tpu.vector_load %arg11[%swap3A_528, %swap3A_529] {strides = array<i32>} : memref<16x144xf32, #tpu.memory_space<vmem>>, vector<16xf32>,
    tpu.vector_store %arg11[%swap3A_528, %swap3A_529], %broadcast_in_dim3A_3 {strides = array<i32>} : memref<16x144xf32, #tpu.memory_space<vmem>>, vector<16xf32>,
    %swap3A_531 = arith.constant 14 : i32
    %swap3A_532 = arith.index_cast %swap3A_531 : i32 to index
    %swap3A_533 = arith.constant 96 : index
    %swap3A_534 = tpu.vector_load %arg11[%swap3A_532, %swap3A_533] {strides = array<i32>} : memref<16x144xf32, #tpu.memory_space<vmem>>, vector<16xf32>,
    tpu.vector_store %arg11[%swap3A_532, %swap3A_533], %broadcast_in_dim3A_3 {strides = array<i32>} : memref<16x144xf32, #tpu.memory_space<vmem>>, vector<16xf32>,
    %swap3A_535 = arith.constant 14 : i32
    %swap3A_536 = arith.index_cast %swap3A_535 : i32 to index
    %swap3A_537 = arith.constant 112 : index
    %swap3A_538 = tpu.vector_load %arg11[%swap3A_536, %swap3A_537] {strides = array<i32>} : memref<16x144xf32, #tpu.memory_space<vmem>>, vector<16xf32>,
    tpu.vector_store %arg11[%swap3A_536, %swap3A_537], %broadcast_in_dim3A_3 {strides = array<i32>} : memref<16x144xf32, #tpu.memory_space<vmem>>, vector<16xf32>,
    %swap3A_539 = arith.constant 14 : i32
    %swap3A_540 = arith.index_cast %swap3A_539 : i32 to index
    %swap3A_541 = arith.constant 128 : index
    %swap3A_542 = tpu.vector_load %arg11[%swap3A_540, %swap3A_541] {strides = array<i32>} : memref<16x144xf32, #tpu.memory_space<vmem>>, vector<16xf32>,
    tpu.vector_store %arg11[%swap3A_540, %swap3A_541], %broadcast_in_dim3A_3 {strides = array<i32>} : memref<16x144xf32, #tpu.memory_space<vmem>>, vector<16xf32>,
    %swap3A_543 = arith.constant 15 : i32
    %swap3A_544 = arith.index_cast %swap3A_543 : i32 to index
    %swap3A_545 = arith.constant 0 : index
    %swap3A_546 = tpu.vector_load %arg11[%swap3A_544, %swap3A_545] {strides = array<i32>} : memref<16x144xf32, #tpu.memory_space<vmem>>, vector<16xf32>,
    tpu.vector_store %arg11[%swap3A_544, %swap3A_545], %broadcast_in_dim3A_3 {strides = array<i32>} : memref<16x144xf32, #tpu.memory_space<vmem>>, vector<16xf32>,
    %swap3A_547 = arith.constant 15 : i32
    %swap3A_548 = arith.index_cast %swap3A_547 : i32 to index
    %swap3A_549 = arith.constant 16 : index
    %swap3A_550 = tpu.vector_load %arg11[%swap3A_548, %swap3A_549] {strides = array<i32>} : memref<16x144xf32, #tpu.memory_space<vmem>>, vector<16xf32>,
    tpu.vector_store %arg11[%swap3A_548, %swap3A_549], %broadcast_in_dim3A_3 {strides = array<i32>} : memref<16x144xf32, #tpu.memory_space<vmem>>, vector<16xf32>,
    %swap3A_551 = arith.constant 15 : i32
    %swap3A_552 = arith.index_cast %swap3A_551 : i32 to index
    %swap3A_553 = arith.constant 32 : index
    %swap3A_554 = tpu.vector_load %arg11[%swap3A_552, %swap3A_553] {strides = array<i32>} : memref<16x144xf32, #tpu.memory_space<vmem>>, vector<16xf32>,
    tpu.vector_store %arg11[%swap3A_552, %swap3A_553], %broadcast_in_dim3A_3 {strides = array<i32>} : memref<16x144xf32, #tpu.memory_space<vmem>>, vector<16xf32>,
    %swap3A_555 = arith.constant 15 : i32
    %swap3A_556 = arith.index_cast %swap3A_555 : i32 to index
    %swap3A_557 = arith.constant 48 : index
    %swap3A_558 = tpu.vector_load %arg11[%swap3A_556, %swap3A_557] {strides = array<i32>} : memref<16x144xf32, #tpu.memory_space<vmem>>, vector<16xf32>,
    tpu.vector_store %arg11[%swap3A_556, %swap3A_557], %broadcast_in_dim3A_3 {strides = array<i32>} : memref<16x144xf32, #tpu.memory_space<vmem>>, vector<16xf32>,
    %swap3A_559 = arith.constant 15 : i32
    %swap3A_560 = arith.index_cast %swap3A_559 : i32 to index
    %swap3A_561 = arith.constant 64 : index
    %swap3A_562 = tpu.vector_load %arg11[%swap3A_560, %swap3A_561] {strides = array<i32>} : memref<16x144xf32, #tpu.memory_space<vmem>>, vector<16xf32>,
    tpu.vector_store %arg11[%swap3A_560, %swap3A_561], %broadcast_in_dim3A_3 {strides = array<i32>} : memref<16x144xf32, #tpu.memory_space<vmem>>, vector<16xf32>,
    %swap3A_563 = arith.constant 15 : i32
    %swap3A_564 = arith.index_cast %swap3A_563 : i32 to index
    %swap3A_565 = arith.constant 80 : index
    %swap3A_566 = tpu.vector_load %arg11[%swap3A_564, %swap3A_565] {strides = array<i32>} : memref<16x144xf32, #tpu.memory_space<vmem>>, vector<16xf32>,
    tpu.vector_store %arg11[%swap3A_564, %swap3A_565], %broadcast_in_dim3A_3 {strides = array<i32>} : memref<16x144xf32, #tpu.memory_space<vmem>>, vector<16xf32>,
    %swap3A_567 = arith.constant 15 : i32
    %swap3A_568 = arith.index_cast %swap3A_567 : i32 to index
    %swap3A_569 = arith.constant 96 : index
    %swap3A_570 = tpu.vector_load %arg11[%swap3A_568, %swap3A_569] {strides = array<i32>} : memref<16x144xf32, #tpu.memory_space<vmem>>, vector<16xf32>,
    tpu.vector_store %arg11[%swap3A_568, %swap3A_569], %broadcast_in_dim3A_3 {strides = array<i32>} : memref<16x144xf32, #tpu.memory_space<vmem>>, vector<16xf32>,
    %swap3A_571 = arith.constant 15 : i32
    %swap3A_572 = arith.index_cast %swap3A_571 : i32 to index
    %swap3A_573 = arith.constant 112 : index
    %swap3A_574 = tpu.vector_load %arg11[%swap3A_572, %swap3A_573] {strides = array<i32>} : memref<16x144xf32, #tpu.memory_space<vmem>>, vector<16xf32>,
    tpu.vector_store %arg11[%swap3A_572, %swap3A_573], %broadcast_in_dim3A_3 {strides = array<i32>} : memref<16x144xf32, #tpu.memory_space<vmem>>, vector<16xf32>,
    %swap3A_575 = arith.constant 15 : i32
    %swap3A_576 = arith.index_cast %swap3A_575 : i32 to index
    %swap3A_577 = arith.constant 128 : index
    %swap3A_578 = tpu.vector_load %arg11[%swap3A_576, %swap3A_577] {strides = array<i32>} : memref<16x144xf32, #tpu.memory_space<vmem>>, vector<16xf32>,
    tpu.vector_store %arg11[%swap3A_576, %swap3A_577], %broadcast_in_dim3A_3 {strides = array<i32>} : memref<16x144xf32, #tpu.memory_space<vmem>>, vector<16xf32>,
    %scan3A = arith.constant 0 : i32
    %scan3A_579 = arith.constant 0 : i32
    %scan3A_580 = arith.constant 39 : i32
    %scan3A_581 = arith.addi %scan3A_579, %scan3A_580 : i32
    %scan3A_582 = arith.constant 1 : i32
    scf.for %scan3A_600 = %scan3A_579 to %scan3A_581 step %scan3A_582  : i32 {
      %mul3A_601 = arith.constant 626 : i32
      %mul3A_602 = arith.muli %arg1, %mul3A_601 : i32
      %mul3A_603 = arith.constant 16 : i32
      %mul3A_604 = arith.muli %scan3A_600, %mul3A_603 : i32
      %add3A_605 = arith.addi %mul3A_602, %mul3A_604 : i32
      "tpu.region"() ({
        %run_scoped3A = tpu.sem_alloc : memref<!tpu.dma_semaphore, #tpu.memory_space<semaphore_mem>>
        %dma_start3A = arith.constant 0 : i32
        %dma_start3A_606 = tpu.memref_slice %arg12[%add3A_605, %dma_start3A] : memref<10016x144xf32, #tpu.memory_space<vmem_shared>> -> memref<16x144xf32, #tpu.memory_space<vmem_shared>>
        %dma_start3A_607 = arith.constant 0 : i32
        %dma_start3A_608 = tpu.memref_slice %arg12[%add3A_605, %dma_start3A_607] : memref<10016x144xf32, #tpu.memory_space<vmem_shared>> -> memref<16x144xf32, #tpu.memory_space<vmem_shared>>
        tpu.enqueue_dma source(%arg11 : memref<16x144xf32, #tpu.memory_space<vmem>>) target(%dma_start3A_608 : memref<16x144xf32, #tpu.memory_space<vmem_shared>>) target_semaphore(%run_scoped3A : memref<!tpu.dma_semaphore, #tpu.memory_space<semaphore_mem>>)
        %dma_wait3A = arith.constant 0 : i32
        %dma_wait3A_609 = tpu.memref_slice %arg12[%add3A_605, %dma_wait3A] : memref<10016x144xf32, #tpu.memory_space<vmem_shared>> -> memref<16x144xf32, #tpu.memory_space<vmem_shared>>
        %dma_wait3A_610 = arith.constant 0 : i32
        %dma_wait3A_611 = tpu.memref_slice %arg12[%add3A_605, %dma_wait3A_610] : memref<10016x144xf32, #tpu.memory_space<vmem_shared>> -> memref<16x144xf32, #tpu.memory_space<vmem_shared>>
        tpu.wait_dma2 semaphore(%run_scoped3A : memref<!tpu.dma_semaphore, #tpu.memory_space<semaphore_mem>>) src(%arg11 : memref<16x144xf32, #tpu.memory_space<vmem>>) dst(%dma_wait3A_611 : memref<16x144xf32, #tpu.memory_space<vmem_shared>>)
        tpu.yield
      }) : () -> ()
    }
    %scan3A_583 = arith.constant 39 : i32
    %mul3A_584 = arith.constant 626 : i32
    %mul3A_585 = arith.muli %arg1, %mul3A_584 : i32
    %add3A_586 = arith.constant 626 : i32
    %add3A_587 = arith.addi %mul3A_585, %add3A_586 : i32
    %sub3A = arith.constant 2 : i32
    %sub3A_588 = arith.subi %add3A_587, %sub3A : i32
    "tpu.region"() ({
      %run_scoped3A = tpu.sem_alloc : memref<!tpu.dma_semaphore, #tpu.memory_space<semaphore_mem>>
      %dma_start3A = arith.constant 0 : i32
      %dma_start3A_600 = arith.constant 0 : i32
      %dma_start3A_601 = tpu.memref_slice %arg11[%dma_start3A, %dma_start3A_600] : memref<16x144xf32, #tpu.memory_space<vmem>> -> memref<2x144xf32, #tpu.memory_space<vmem>>
      %dma_start3A_602 = arith.constant 0 : i32
      %dma_start3A_603 = tpu.memref_slice %arg12[%sub3A_588, %dma_start3A_602] : memref<10016x144xf32, #tpu.memory_space<vmem_shared>> -> memref<2x144xf32, #tpu.memory_space<vmem_shared>>
      %dma_start3A_604 = arith.constant 0 : i32
      %dma_start3A_605 = tpu.memref_slice %arg12[%sub3A_588, %dma_start3A_604] : memref<10016x144xf32, #tpu.memory_space<vmem_shared>> -> memref<2x144xf32, #tpu.memory_space<vmem_shared>>
      %dma_start3A_606 = arith.constant 0 : i32
      %dma_start3A_607 = arith.constant 0 : i32
      %dma_start3A_608 = tpu.memref_slice %arg11[%dma_start3A_606, %dma_start3A_607] : memref<16x144xf32, #tpu.memory_space<vmem>> -> memref<2x144xf32, #tpu.memory_space<vmem>>
      tpu.enqueue_dma source(%dma_start3A_608 : memref<2x144xf32, #tpu.memory_space<vmem>>) target(%dma_start3A_605 : memref<2x144xf32, #tpu.memory_space<vmem_shared>>) target_semaphore(%run_scoped3A : memref<!tpu.dma_semaphore, #tpu.memory_space<semaphore_mem>>)
      %dma_wait3A = arith.constant 0 : i32
      %dma_wait3A_609 = arith.constant 0 : i32
      %dma_wait3A_610 = tpu.memref_slice %arg11[%dma_wait3A, %dma_wait3A_609] : memref<16x144xf32, #tpu.memory_space<vmem>> -> memref<2x144xf32, #tpu.memory_space<vmem>>
      %dma_wait3A_611 = arith.constant 0 : i32
      %dma_wait3A_612 = tpu.memref_slice %arg12[%sub3A_588, %dma_wait3A_611] : memref<10016x144xf32, #tpu.memory_space<vmem_shared>> -> memref<2x144xf32, #tpu.memory_space<vmem_shared>>
      %dma_wait3A_613 = arith.constant 0 : i32
      %dma_wait3A_614 = tpu.memref_slice %arg12[%sub3A_588, %dma_wait3A_613] : memref<10016x144xf32, #tpu.memory_space<vmem_shared>> -> memref<2x144xf32, #tpu.memory_space<vmem_shared>>
      %dma_wait3A_615 = arith.constant 0 : i32
      %dma_wait3A_616 = arith.constant 0 : i32
      %dma_wait3A_617 = tpu.memref_slice %arg11[%dma_wait3A_615, %dma_wait3A_616] : memref<16x144xf32, #tpu.memory_space<vmem>> -> memref<2x144xf32, #tpu.memory_space<vmem>>
      tpu.wait_dma2 semaphore(%run_scoped3A : memref<!tpu.dma_semaphore, #tpu.memory_space<semaphore_mem>>) src(%dma_wait3A_617 : memref<2x144xf32, #tpu.memory_space<vmem>>) dst(%dma_wait3A_614 : memref<2x144xf32, #tpu.memory_space<vmem_shared>>)
      tpu.yield
    }) : () -> ()
    %barrier3A = arith.constant 0 : index
    tpu.barrier barrier_id(%barrier3A)
    %scan3A_589 = arith.constant 0 : i32
    %scan3A_590 = arith.constant 0 : i32
    %scan3A_591 = arith.constant 125 : i32
    %scan3A_592 = arith.addi %scan3A_590, %scan3A_591 : i32
    %scan3A_593 = arith.constant 1 : i32
    scf.for %scan3A_600 = %scan3A_590 to %scan3A_592 step %scan3A_593  : i32 {
      %mul3A_601 = arith.constant 80 : i32
      %mul3A_602 = arith.muli %scan3A_600, %mul3A_601 : i32
      %add3A_603 = arith.constant 0 : i32
      %add3A_604 = arith.addi %mul3A_602, %add3A_603 : i32
      %get3A = arith.index_cast %add3A_604 : i32 to index
      %get3A_605 = tpu.vector_load %arg6[%get3A] {strides = array<i32>} : memref<10000xi32, #tpu.memory_space<vmem>>, vector<16xi32>,
      %swap3A_606 = arith.constant 0 : index
      %swap3A_607 = tpu.vector_load %arg8[%swap3A_606] {strides = array<i32>} : memref<80xi32, #tpu.memory_space<vmem>>, vector<16xi32>,
      tpu.vector_store %arg8[%swap3A_606], %get3A_605 {strides = array<i32>} : memref<80xi32, #tpu.memory_space<vmem>>, vector<16xi32>,
      %add3A_608 = arith.constant 0 : i32
      %add3A_609 = arith.addi %mul3A_602, %add3A_608 : i32
      %get3A_610 = arith.index_cast %add3A_609 : i32 to index
      %get3A_611 = tpu.vector_load %arg7[%get3A_610] {strides = array<i32>} : memref<10000xi32, #tpu.memory_space<vmem>>, vector<16xi32>,
      %swap3A_612 = arith.constant 0 : index
      %swap3A_613 = tpu.vector_load %arg9[%swap3A_612] {strides = array<i32>} : memref<80xi32, #tpu.memory_space<vmem>>, vector<16xi32>,
      tpu.vector_store %arg9[%swap3A_612], %get3A_611 {strides = array<i32>} : memref<80xi32, #tpu.memory_space<vmem>>, vector<16xi32>,
      %add3A_614 = arith.constant 16 : i32
      %add3A_615 = arith.addi %mul3A_602, %add3A_614 : i32
      %get3A_616 = arith.index_cast %add3A_615 : i32 to index
      %get3A_617 = tpu.vector_load %arg6[%get3A_616] {strides = array<i32>} : memref<10000xi32, #tpu.memory_space<vmem>>, vector<16xi32>,
      %swap3A_618 = arith.constant 16 : index
      %swap3A_619 = tpu.vector_load %arg8[%swap3A_618] {strides = array<i32>} : memref<80xi32, #tpu.memory_space<vmem>>, vector<16xi32>,
      tpu.vector_store %arg8[%swap3A_618], %get3A_617 {strides = array<i32>} : memref<80xi32, #tpu.memory_space<vmem>>, vector<16xi32>,
      %add3A_620 = arith.constant 16 : i32
      %add3A_621 = arith.addi %mul3A_602, %add3A_620 : i32
      %get3A_622 = arith.index_cast %add3A_621 : i32 to index
      %get3A_623 = tpu.vector_load %arg7[%get3A_622] {strides = array<i32>} : memref<10000xi32, #tpu.memory_space<vmem>>, vector<16xi32>,
      %swap3A_624 = arith.constant 16 : index
      %swap3A_625 = tpu.vector_load %arg9[%swap3A_624] {strides = array<i32>} : memref<80xi32, #tpu.memory_space<vmem>>, vector<16xi32>,
      tpu.vector_store %arg9[%swap3A_624], %get3A_623 {strides = array<i32>} : memref<80xi32, #tpu.memory_space<vmem>>, vector<16xi32>,
      %add3A_626 = arith.constant 32 : i32
      %add3A_627 = arith.addi %mul3A_602, %add3A_626 : i32
      %get3A_628 = arith.index_cast %add3A_627 : i32 to index
      %get3A_629 = tpu.vector_load %arg6[%get3A_628] {strides = array<i32>} : memref<10000xi32, #tpu.memory_space<vmem>>, vector<16xi32>,
      %swap3A_630 = arith.constant 32 : index
      %swap3A_631 = tpu.vector_load %arg8[%swap3A_630] {strides = array<i32>} : memref<80xi32, #tpu.memory_space<vmem>>, vector<16xi32>,
      tpu.vector_store %arg8[%swap3A_630], %get3A_629 {strides = array<i32>} : memref<80xi32, #tpu.memory_space<vmem>>, vector<16xi32>,
      %add3A_632 = arith.constant 32 : i32
      %add3A_633 = arith.addi %mul3A_602, %add3A_632 : i32
      %get3A_634 = arith.index_cast %add3A_633 : i32 to index
      %get3A_635 = tpu.vector_load %arg7[%get3A_634] {strides = array<i32>} : memref<10000xi32, #tpu.memory_space<vmem>>, vector<16xi32>,
      %swap3A_636 = arith.constant 32 : index
      %swap3A_637 = tpu.vector_load %arg9[%swap3A_636] {strides = array<i32>} : memref<80xi32, #tpu.memory_space<vmem>>, vector<16xi32>,
      tpu.vector_store %arg9[%swap3A_636], %get3A_635 {strides = array<i32>} : memref<80xi32, #tpu.memory_space<vmem>>, vector<16xi32>,
      %add3A_638 = arith.constant 48 : i32
      %add3A_639 = arith.addi %mul3A_602, %add3A_638 : i32
      %get3A_640 = arith.index_cast %add3A_639 : i32 to index
      %get3A_641 = tpu.vector_load %arg6[%get3A_640] {strides = array<i32>} : memref<10000xi32, #tpu.memory_space<vmem>>, vector<16xi32>,
      %swap3A_642 = arith.constant 48 : index
      %swap3A_643 = tpu.vector_load %arg8[%swap3A_642] {strides = array<i32>} : memref<80xi32, #tpu.memory_space<vmem>>, vector<16xi32>,
      tpu.vector_store %arg8[%swap3A_642], %get3A_641 {strides = array<i32>} : memref<80xi32, #tpu.memory_space<vmem>>, vector<16xi32>,
      %add3A_644 = arith.constant 48 : i32
      %add3A_645 = arith.addi %mul3A_602, %add3A_644 : i32
      %get3A_646 = arith.index_cast %add3A_645 : i32 to index
      %get3A_647 = tpu.vector_load %arg7[%get3A_646] {strides = array<i32>} : memref<10000xi32, #tpu.memory_space<vmem>>, vector<16xi32>,
      %swap3A_648 = arith.constant 48 : index
      %swap3A_649 = tpu.vector_load %arg9[%swap3A_648] {strides = array<i32>} : memref<80xi32, #tpu.memory_space<vmem>>, vector<16xi32>,
      tpu.vector_store %arg9[%swap3A_648], %get3A_647 {strides = array<i32>} : memref<80xi32, #tpu.memory_space<vmem>>, vector<16xi32>,
      %add3A_650 = arith.constant 64 : i32
      %add3A_651 = arith.addi %mul3A_602, %add3A_650 : i32
      %get3A_652 = arith.index_cast %add3A_651 : i32 to index
      %get3A_653 = tpu.vector_load %arg6[%get3A_652] {strides = array<i32>} : memref<10000xi32, #tpu.memory_space<vmem>>, vector<16xi32>,
      %swap3A_654 = arith.constant 64 : index
      %swap3A_655 = tpu.vector_load %arg8[%swap3A_654] {strides = array<i32>} : memref<80xi32, #tpu.memory_space<vmem>>, vector<16xi32>,
      tpu.vector_store %arg8[%swap3A_654], %get3A_653 {strides = array<i32>} : memref<80xi32, #tpu.memory_space<vmem>>, vector<16xi32>,
      %add3A_656 = arith.constant 64 : i32
      %add3A_657 = arith.addi %mul3A_602, %add3A_656 : i32
      %get3A_658 = arith.index_cast %add3A_657 : i32 to index
      %get3A_659 = tpu.vector_load %arg7[%get3A_658] {strides = array<i32>} : memref<10000xi32, #tpu.memory_space<vmem>>, vector<16xi32>,
      %swap3A_660 = arith.constant 64 : index
      %swap3A_661 = tpu.vector_load %arg9[%swap3A_660] {strides = array<i32>} : memref<80xi32, #tpu.memory_space<vmem>>, vector<16xi32>,
      tpu.vector_store %arg9[%swap3A_660], %get3A_659 {strides = array<i32>} : memref<80xi32, #tpu.memory_space<vmem>>, vector<16xi32>,
      %dma_start3A = arith.constant 0 : i32
      %dma_start3A_662 = arith.constant 0 : i32
      %dma_start3A_663 = tpu.memref_slice %arg2[%dma_start3A, %dma_start3A_662] : memref<10000x144xf32, #tpu.memory_space<hbm>> -> memref<10000x144xf32, #tpu.memory_space<hbm>>
      tpu.enqueue_indirect_dma source(%dma_start3A_663 : memref<10000x144xf32, #tpu.memory_space<hbm>>) target(%arg10 : memref<80x144xf32, #tpu.memory_space<vmem>>) offsets(%arg9 : memref<80xi32, #tpu.memory_space<vmem>>) semaphore(%arg13 : memref<!tpu.dma_semaphore, #tpu.memory_space<semaphore_mem>>)
      %dma_wait3A = arith.constant 0 : i32
      %dma_wait3A_664 = arith.constant 0 : i32
      %dma_wait3A_665 = tpu.memref_slice %arg2[%dma_wait3A, %dma_wait3A_664] : memref<10000x144xf32, #tpu.memory_space<hbm>> -> memref<10000x144xf32, #tpu.memory_space<hbm>>
      tpu.wait_indirect_dma semaphore(%arg13 : memref<!tpu.dma_semaphore, #tpu.memory_space<semaphore_mem>>) src(%dma_wait3A_665 : memref<10000x144xf32, #tpu.memory_space<hbm>>) dst(%arg10 : memref<80x144xf32, #tpu.memory_space<vmem>>)
      "tpu.region"() ({
        %run_scoped3A = tpu.sem_alloc : memref<!tpu.dma_semaphore, #tpu.memory_space<semaphore_mem>>
        %dma_start3A_666 = arith.constant 0 : i32
        %dma_start3A_667 = arith.constant 0 : i32
        %dma_start3A_668 = tpu.memref_slice %arg12[%dma_start3A_666, %dma_start3A_667] : memref<10016x144xf32, #tpu.memory_space<vmem_shared>> -> memref<10016x144xf32, #tpu.memory_space<vmem_shared>>
        tpu.enqueue_indirect_dma source(%arg10 : memref<80x144xf32, #tpu.memory_space<vmem>>) target(%dma_start3A_668 : memref<10016x144xf32, #tpu.memory_space<vmem_shared>>) offsets(%arg8 : memref<80xi32, #tpu.memory_space<vmem>>) semaphore(%run_scoped3A : memref<!tpu.dma_semaphore, #tpu.memory_space<semaphore_mem>>) {add = true}
        %dma_wait3A_669 = arith.constant 0 : i32
        %dma_wait3A_670 = arith.constant 0 : i32
        %dma_wait3A_671 = tpu.memref_slice %arg12[%dma_wait3A_669, %dma_wait3A_670] : memref<10016x144xf32, #tpu.memory_space<vmem_shared>> -> memref<10016x144xf32, #tpu.memory_space<vmem_shared>>
        tpu.wait_indirect_dma semaphore(%run_scoped3A : memref<!tpu.dma_semaphore, #tpu.memory_space<semaphore_mem>>) src(%arg10 : memref<80x144xf32, #tpu.memory_space<vmem>>) dst(%dma_wait3A_671 : memref<10016x144xf32, #tpu.memory_space<vmem_shared>>)
        tpu.yield
      }) : () -> ()
    }
    %scan3A_594 = arith.constant 125 : i32
    %barrier3A_595 = arith.constant 0 : index
    tpu.barrier barrier_id(%barrier3A_595)
    %mul3A_596 = arith.constant 625 : i32
    %mul3A_597 = arith.muli %arg1, %mul3A_596 : i32
    %mul3A_598 = arith.constant 625 : i32
    %mul3A_599 = arith.muli %arg1, %mul3A_598 : i32
    "tpu.region"() ({
      %run_scoped3A = tpu.sem_alloc : memref<!tpu.dma_semaphore, #tpu.memory_space<semaphore_mem>>
      %dma_start3A = arith.constant 0 : i32
      %dma_start3A_600 = tpu.memref_slice %arg5[%arg0, %mul3A_599, %dma_start3A] : memref<2x10000x144xf32, #tpu.memory_space<hbm>> -> memref<1x625x144xf32, #tpu.memory_space<hbm>>
      %dma_start3A_601 = tpu.memref_squeeze %dma_start3A_600 : memref<1x625x144xf32, #tpu.memory_space<hbm>> -> memref<625x144xf32, #tpu.memory_space<hbm>>
      %dma_start3A_602 = arith.constant 0 : i32
      %dma_start3A_603 = tpu.memref_slice %arg12[%mul3A_597, %dma_start3A_602] : memref<10016x144xf32, #tpu.memory_space<vmem_shared>> -> memref<625x144xf32, #tpu.memory_space<vmem_shared>>
      tpu.enqueue_dma source(%dma_start3A_603 : memref<625x144xf32, #tpu.memory_space<vmem_shared>>) target(%dma_start3A_601 : memref<625x144xf32, #tpu.memory_space<hbm>>) target_semaphore(%run_scoped3A : memref<!tpu.dma_semaphore, #tpu.memory_space<semaphore_mem>>)
      %dma_wait3A = arith.constant 0 : i32
      %dma_wait3A_604 = tpu.memref_slice %arg5[%arg0, %mul3A_599, %dma_wait3A] : memref<2x10000x144xf32, #tpu.memory_space<hbm>> -> memref<1x625x144xf32, #tpu.memory_space<hbm>>
      %dma_wait3A_605 = tpu.memref_squeeze %dma_wait3A_604 : memref<1x625x144xf32, #tpu.memory_space<hbm>> -> memref<625x144xf32, #tpu.memory_space<hbm>>
      %dma_wait3A_606 = arith.constant 0 : i32
      %dma_wait3A_607 = tpu.memref_slice %arg12[%mul3A_597, %dma_wait3A_606] : memref<10016x144xf32, #tpu.memory_space<vmem_shared>> -> memref<625x144xf32, #tpu.memory_space<vmem_shared>>
      tpu.wait_dma2 semaphore(%run_scoped3A : memref<!tpu.dma_semaphore, #tpu.memory_space<semaphore_mem>>) src(%dma_wait3A_607 : memref<625x144xf32, #tpu.memory_space<vmem_shared>>) dst(%dma_wait3A_605 : memref<625x144xf32, #tpu.memory_space<hbm>>)
      tpu.yield
    }) : () -> ()
    return
  }
}

module attributes {stable_mosaic.version = 14 : i64} {
  func.func @_dinv_body(%arg0: memref<32x10000xf32, #tpu.memory_space<vmem>>, %arg1: memref<10000xf32, #tpu.memory_space<vmem>>) attributes {dimension_semantics = [], scalar_prefetch = 0 : i64, scratch_operands = 0 : i64, tpu.core_type = #tpu.core_type<tc>} {
    %get3A = arith.constant 0 : index
    %get3A_0 = arith.constant 0 : index
    %get3A_1 = vector.load %arg0[%get3A, %get3A_0] : memref<32x10000xf32, #tpu.memory_space<vmem>>, vector<32x10000xf32>
    %reduce_sum3A = arith.constant dense<0.000000e+00> : vector<10000xf32>
    %reduce_sum3A_2 = vector.multi_reduction <add>, %get3A_1, %reduce_sum3A [0] : vector<32x10000xf32> to vector<10000xf32>
    %gt3A = arith.constant 0.000000e+00 : f32
    %gt3A_3 = vector.broadcast %gt3A : f32 to vector<10000xf32>
    %gt3A_4 = arith.cmpf ogt, %reduce_sum3A_2, %gt3A_3 : vector<10000xf32>
    %rsqrt3A = math.rsqrt %reduce_sum3A_2 : vector<10000xf32>
    %jit3A = arith.constant 0.000000e+00 : f32
    %broadcast_in_dim3A = vector.broadcast %jit3A : f32 to vector<10000xf32>
    %select_n3A = arith.select %gt3A_4, %rsqrt3A, %broadcast_in_dim3A : vector<10000xi1>, vector<10000xf32>
    %swap3A = arith.constant 0 : index
    %swap3A_5 = vector.load %arg1[%swap3A] : memref<10000xf32, #tpu.memory_space<vmem>>, vector<10000xf32>
    tpu.vector_store %arg1[%swap3A], %select_n3A {strides = array<i32>} : memref<10000xf32, #tpu.memory_space<vmem>>, vector<10000xf32>,
    return
  }
}

module attributes {stable_mosaic.version = 14 : i64} {
  func.func @_scale_body(%arg0: i32, %arg1: memref<2000x144xf32, #tpu.memory_space<vmem>>, %arg2: memref<2000x1xf32, #tpu.memory_space<vmem>>, %arg3: memref<2000x144xf32, #tpu.memory_space<vmem>>) attributes {dimension_semantics = [#tpu.dimension_semantics<arbitrary>], iteration_bounds = array<i64: 5>, scalar_prefetch = 0 : i64, scratch_operands = 0 : i64, tpu.core_type = #tpu.core_type<tc>, window_params = [{transform_indices = @transform_0, window_bounds = array<i64: 2000, 144>}, {transform_indices = @transform_1, window_bounds = array<i64: 2000, 1>}, {transform_indices = @transform_2, window_bounds = array<i64: 2000, 144>}]} {
    %get3A = arith.constant 0 : index
    %get3A_0 = arith.constant 0 : index
    %get3A_1 = vector.load %arg1[%get3A, %get3A_0] : memref<2000x144xf32, #tpu.memory_space<vmem>>, vector<2000x144xf32>
    %get3A_2 = arith.constant 0 : index
    %get3A_3 = arith.constant 0 : index
    %get3A_4 = vector.load %arg2[%get3A_2, %get3A_3] : memref<2000x1xf32, #tpu.memory_space<vmem>>, vector<2000x1xf32>
    %mul3A = vector.broadcast %get3A_4 : vector<2000x1xf32> to vector<2000x144xf32>
    %mul3A_5 = arith.mulf %get3A_1, %mul3A : vector<2000x144xf32>
    %swap3A = arith.constant 0 : index
    %swap3A_6 = arith.constant 0 : index
    %swap3A_7 = vector.load %arg3[%swap3A, %swap3A_6] : memref<2000x144xf32, #tpu.memory_space<vmem>>, vector<2000x144xf32>
    tpu.vector_store %arg3[%swap3A, %swap3A_6], %mul3A_5 {strides = array<i32>} : memref<2000x144xf32, #tpu.memory_space<vmem>>, vector<2000x144xf32>,
    return
  }
  func.func @transform_0(%arg0: i32) -> (i32, i32) {
    %c0_i32 = arith.constant 0 : i32
    %c0_i32_0 = arith.constant 0 : i32
    return %arg0, %c0_i32 : i32, i32
  }
  func.func @transform_1(%arg0: i32) -> (i32, i32) {
    %c0_i32 = arith.constant 0 : i32
    %c0_i32_0 = arith.constant 0 : i32
    return %arg0, %c0_i32 : i32, i32
  }
  func.func @transform_2(%arg0: i32) -> (i32, i32) {
    %c0_i32 = arith.constant 0 : i32
    %c0_i32_0 = arith.constant 0 : i32
    return %arg0, %c0_i32 : i32, i32
  }
}

module attributes {stable_mosaic.version = 14 : i64} {
  func.func @_e1_body(%arg0: i32, %arg1: memref<2000x144xf32, #tpu.memory_space<vmem>>, %arg2: memref<2000x1xf32, #tpu.memory_space<vmem>>, %arg3: memref<2000x144xf32, #tpu.memory_space<vmem>>, %arg4: memref<2000x144xf32, #tpu.memory_space<vmem>>, %arg5: memref<144x144xf32, #tpu.memory_space<vmem>>, %arg6: memref<144x144xf32, #tpu.memory_space<vmem>>, %arg7: memref<1x144xf32, #tpu.memory_space<vmem>>, %arg8: memref<2000x144xf32, #tpu.memory_space<vmem>>, %arg9: memref<2000x144xf32, #tpu.memory_space<vmem>>) attributes {dimension_semantics = [#tpu.dimension_semantics<arbitrary>], iteration_bounds = array<i64: 5>, scalar_prefetch = 0 : i64, scratch_operands = 0 : i64, tpu.core_type = #tpu.core_type<tc>, window_params = [{transform_indices = @transform_0, window_bounds = array<i64: 2000, 144>}, {transform_indices = @transform_1, window_bounds = array<i64: 2000, 1>}, {transform_indices = @transform_2, window_bounds = array<i64: 2000, 144>}, {transform_indices = @transform_3, window_bounds = array<i64: 2000, 144>}, {pipeline_mode = #tpu.pipeline_mode<synchronous>, transform_indices = @transform_4, window_bounds = array<i64: 144, 144>}, {pipeline_mode = #tpu.pipeline_mode<synchronous>, transform_indices = @transform_5, window_bounds = array<i64: 144, 144>}, {pipeline_mode = #tpu.pipeline_mode<synchronous>, transform_indices = @transform_6, window_bounds = array<i64: 1, 144>}, {transform_indices = @transform_7, window_bounds = array<i64: 2000, 144>}, {transform_indices = @transform_8, window_bounds = array<i64: 2000, 144>}]} {
    %get3A = arith.constant 0 : index
    %get3A_0 = arith.constant 0 : index
    %get3A_1 = vector.load %arg2[%get3A, %get3A_0] : memref<2000x1xf32, #tpu.memory_space<vmem>>, vector<2000x1xf32>
    %neg3A = arith.constant 0.000000e+00 : f32
    %neg3A_2 = vector.broadcast %neg3A : f32 to vector<2000x1xf32>
    %neg3A_3 = arith.subf %neg3A_2, %get3A_1 : vector<2000x1xf32>
    %get3A_4 = arith.constant 0 : index
    %get3A_5 = arith.constant 0 : index
    %get3A_6 = vector.load %arg3[%get3A_4, %get3A_5] : memref<2000x144xf32, #tpu.memory_space<vmem>>, vector<2000x144xf32>
    %get3A_7 = arith.constant 0 : index
    %get3A_8 = arith.constant 0 : index
    %get3A_9 = vector.load %arg4[%get3A_7, %get3A_8] : memref<2000x144xf32, #tpu.memory_space<vmem>>, vector<2000x144xf32>
    %add3A = arith.addf %get3A_6, %get3A_9 : vector<2000x144xf32>
    %mul3A = vector.broadcast %neg3A_3 : vector<2000x1xf32> to vector<2000x144xf32>
    %mul3A_10 = arith.mulf %mul3A, %add3A : vector<2000x144xf32>
    %mul3A_11 = vector.broadcast %get3A_1 : vector<2000x1xf32> to vector<2000x144xf32>
    %mul3A_12 = arith.mulf %mul3A_11, %mul3A_10 : vector<2000x144xf32>
    %swap3A = arith.constant 0 : index
    %swap3A_13 = arith.constant 0 : index
    %swap3A_14 = vector.load %arg8[%swap3A, %swap3A_13] : memref<2000x144xf32, #tpu.memory_space<vmem>>, vector<2000x144xf32>
    tpu.vector_store %arg8[%swap3A, %swap3A_13], %mul3A_12 {strides = array<i32>} : memref<2000x144xf32, #tpu.memory_space<vmem>>, vector<2000x144xf32>,
    %get3A_15 = arith.constant 0 : index
    %get3A_16 = arith.constant 0 : index
    %get3A_17 = vector.load %arg1[%get3A_15, %get3A_16] : memref<2000x144xf32, #tpu.memory_space<vmem>>, vector<2000x144xf32>
    %get3A_18 = arith.constant 0 : index
    %get3A_19 = arith.constant 0 : index
    %get3A_20 = vector.load %arg5[%get3A_18, %get3A_19] : memref<144x144xf32, #tpu.memory_space<vmem>>, vector<144x144xf32>
    %dot_general3A = arith.constant dense<0.000000e+00> : vector<2000x144xf32>
    %dot_general3A_21 = tpu.matmul %get3A_17, %get3A_20, %dot_general3A {dimension_numbers = #tpu.dot_dimension_numbers<[1], [0], [0], [1], [0, 0, 1, 1], [], []>, transpose_lhs_hint = false} : vector<2000x144xf32>, vector<144x144xf32>, vector<2000x144xf32> -> vector<2000x144xf32>
    %get3A_22 = arith.constant 0 : index
    %get3A_23 = arith.constant 0 : index
    %get3A_24 = vector.load %arg6[%get3A_22, %get3A_23] : memref<144x144xf32, #tpu.memory_space<vmem>>, vector<144x144xf32>
    %dot_general3A_25 = arith.constant dense<0.000000e+00> : vector<2000x144xf32>
    %dot_general3A_26 = tpu.matmul %mul3A_10, %get3A_24, %dot_general3A_25 {dimension_numbers = #tpu.dot_dimension_numbers<[1], [0], [0], [1], [0, 0, 1, 1], [], []>, transpose_lhs_hint = false} : vector<2000x144xf32>, vector<144x144xf32>, vector<2000x144xf32> -> vector<2000x144xf32>
    %add3A_27 = arith.addf %dot_general3A_21, %dot_general3A_26 : vector<2000x144xf32>
    %get3A_28 = arith.constant 0 : index
    %get3A_29 = arith.constant 0 : index
    %get3A_30 = vector.load %arg7[%get3A_28, %get3A_29] : memref<1x144xf32, #tpu.memory_space<vmem>>, vector<1x144xf32>
    %add3A_31 = vector.broadcast %get3A_30 : vector<1x144xf32> to vector<2000x144xf32>
    %add3A_32 = arith.addf %add3A_27, %add3A_31 : vector<2000x144xf32>
    %swap3A_33 = arith.constant 0 : index
    %swap3A_34 = arith.constant 0 : index
    %swap3A_35 = vector.load %arg9[%swap3A_33, %swap3A_34] : memref<2000x144xf32, #tpu.memory_space<vmem>>, vector<2000x144xf32>
    tpu.vector_store %arg9[%swap3A_33, %swap3A_34], %add3A_32 {strides = array<i32>} : memref<2000x144xf32, #tpu.memory_space<vmem>>, vector<2000x144xf32>,
    return
  }
  func.func @transform_0(%arg0: i32) -> (i32, i32) {
    %c0_i32 = arith.constant 0 : i32
    %c0_i32_0 = arith.constant 0 : i32
    return %arg0, %c0_i32 : i32, i32
  }
  func.func @transform_1(%arg0: i32) -> (i32, i32) {
    %c0_i32 = arith.constant 0 : i32
    %c0_i32_0 = arith.constant 0 : i32
    return %arg0, %c0_i32 : i32, i32
  }
  func.func @transform_2(%arg0: i32) -> (i32, i32) {
    %c0_i32 = arith.constant 0 : i32
    %c0_i32_0 = arith.constant 0 : i32
    return %arg0, %c0_i32 : i32, i32
  }
  func.func @transform_3(%arg0: i32) -> (i32, i32) {
    %c0_i32 = arith.constant 0 : i32
    %c0_i32_0 = arith.constant 0 : i32
    return %arg0, %c0_i32 : i32, i32
  }
  func.func @transform_4(%arg0: i32) -> (i32, i32) {
    %c0_i32 = arith.constant 0 : i32
    %c0_i32_0 = arith.constant 0 : i32
    %c0_i32_1 = arith.constant 0 : i32
    return %c0_i32, %c0_i32_0 : i32, i32
  }
  func.func @transform_5(%arg0: i32) -> (i32, i32) {
    %c0_i32 = arith.constant 0 : i32
    %c0_i32_0 = arith.constant 0 : i32
    %c0_i32_1 = arith.constant 0 : i32
    return %c0_i32, %c0_i32_0 : i32, i32
  }
  func.func @transform_6(%arg0: i32) -> (i32, i32) {
    %c0_i32 = arith.constant 0 : i32
    %c0_i32_0 = arith.constant 0 : i32
    %c0_i32_1 = arith.constant 0 : i32
    return %c0_i32, %c0_i32_0 : i32, i32
  }
  func.func @transform_7(%arg0: i32) -> (i32, i32) {
    %c0_i32 = arith.constant 0 : i32
    %c0_i32_0 = arith.constant 0 : i32
    return %arg0, %c0_i32 : i32, i32
  }
  func.func @transform_8(%arg0: i32) -> (i32, i32) {
    %c0_i32 = arith.constant 0 : i32
    %c0_i32_0 = arith.constant 0 : i32
    return %arg0, %c0_i32 : i32, i32
  }
}

module attributes {stable_mosaic.version = 14 : i64} {
  func.func @_e2_body(%arg0: i32, %arg1: memref<2000x144xf32, #tpu.memory_space<vmem>>, %arg2: memref<2000x144xf32, #tpu.memory_space<vmem>>, %arg3: memref<2000x1xf32, #tpu.memory_space<vmem>>, %arg4: memref<2000x144xf32, #tpu.memory_space<vmem>>, %arg5: memref<2000x144xf32, #tpu.memory_space<vmem>>, %arg6: memref<144x144xf32, #tpu.memory_space<vmem>>, %arg7: memref<2000x144xf32, #tpu.memory_space<vmem>>) attributes {dimension_semantics = [#tpu.dimension_semantics<arbitrary>], iteration_bounds = array<i64: 5>, scalar_prefetch = 0 : i64, scratch_operands = 0 : i64, tpu.core_type = #tpu.core_type<tc>, window_params = [{transform_indices = @transform_0, window_bounds = array<i64: 2000, 144>}, {transform_indices = @transform_1, window_bounds = array<i64: 2000, 144>}, {transform_indices = @transform_2, window_bounds = array<i64: 2000, 1>}, {transform_indices = @transform_3, window_bounds = array<i64: 2000, 144>}, {transform_indices = @transform_4, window_bounds = array<i64: 2000, 144>}, {pipeline_mode = #tpu.pipeline_mode<synchronous>, transform_indices = @transform_5, window_bounds = array<i64: 144, 144>}, {transform_indices = @transform_6, window_bounds = array<i64: 2000, 144>}]} {
    %get3A = arith.constant 0 : index
    %get3A_0 = arith.constant 0 : index
    %get3A_1 = vector.load %arg3[%get3A, %get3A_0] : memref<2000x1xf32, #tpu.memory_space<vmem>>, vector<2000x1xf32>
    %mul3A = arith.constant -2.000000e+00 : f32
    %mul3A_2 = vector.broadcast %mul3A : f32 to vector<2000x1xf32>
    %mul3A_3 = arith.mulf %mul3A_2, %get3A_1 : vector<2000x1xf32>
    %get3A_4 = arith.constant 0 : index
    %get3A_5 = arith.constant 0 : index
    %get3A_6 = vector.load %arg4[%get3A_4, %get3A_5] : memref<2000x144xf32, #tpu.memory_space<vmem>>, vector<2000x144xf32>
    %get3A_7 = arith.constant 0 : index
    %get3A_8 = arith.constant 0 : index
    %get3A_9 = vector.load %arg5[%get3A_7, %get3A_8] : memref<2000x144xf32, #tpu.memory_space<vmem>>, vector<2000x144xf32>
    %add3A = arith.addf %get3A_6, %get3A_9 : vector<2000x144xf32>
    %mul3A_10 = vector.broadcast %mul3A_3 : vector<2000x1xf32> to vector<2000x144xf32>
    %mul3A_11 = arith.mulf %mul3A_10, %add3A : vector<2000x144xf32>
    %get3A_12 = arith.constant 0 : index
    %get3A_13 = arith.constant 0 : index
    %get3A_14 = vector.load %arg2[%get3A_12, %get3A_13] : memref<2000x144xf32, #tpu.memory_space<vmem>>, vector<2000x144xf32>
    %sub3A = arith.subf %mul3A_11, %get3A_14 : vector<2000x144xf32>
    %get3A_15 = arith.constant 0 : index
    %get3A_16 = arith.constant 0 : index
    %get3A_17 = vector.load %arg1[%get3A_15, %get3A_16] : memref<2000x144xf32, #tpu.memory_space<vmem>>, vector<2000x144xf32>
    %get3A_18 = arith.constant 0 : index
    %get3A_19 = arith.constant 0 : index
    %get3A_20 = vector.load %arg6[%get3A_18, %get3A_19] : memref<144x144xf32, #tpu.memory_space<vmem>>, vector<144x144xf32>
    %dot_general3A = arith.constant dense<0.000000e+00> : vector<2000x144xf32>
    %dot_general3A_21 = tpu.matmul %sub3A, %get3A_20, %dot_general3A {dimension_numbers = #tpu.dot_dimension_numbers<[1], [0], [0], [1], [0, 0, 1, 1], [], []>, transpose_lhs_hint = false} : vector<2000x144xf32>, vector<144x144xf32>, vector<2000x144xf32> -> vector<2000x144xf32>
    %add3A_22 = arith.addf %get3A_17, %dot_general3A_21 : vector<2000x144xf32>
    %swap3A = arith.constant 0 : index
    %swap3A_23 = arith.constant 0 : index
    %swap3A_24 = vector.load %arg7[%swap3A, %swap3A_23] : memref<2000x144xf32, #tpu.memory_space<vmem>>, vector<2000x144xf32>
    tpu.vector_store %arg7[%swap3A, %swap3A_23], %add3A_22 {strides = array<i32>} : memref<2000x144xf32, #tpu.memory_space<vmem>>, vector<2000x144xf32>,
    return
  }
  func.func @transform_0(%arg0: i32) -> (i32, i32) {
    %c0_i32 = arith.constant 0 : i32
    %c0_i32_0 = arith.constant 0 : i32
    return %arg0, %c0_i32 : i32, i32
  }
  func.func @transform_1(%arg0: i32) -> (i32, i32) {
    %c0_i32 = arith.constant 0 : i32
    %c0_i32_0 = arith.constant 0 : i32
    return %arg0, %c0_i32 : i32, i32
  }
  func.func @transform_2(%arg0: i32) -> (i32, i32) {
    %c0_i32 = arith.constant 0 : i32
    %c0_i32_0 = arith.constant 0 : i32
    return %arg0, %c0_i32 : i32, i32
  }
  func.func @transform_3(%arg0: i32) -> (i32, i32) {
    %c0_i32 = arith.constant 0 : i32
    %c0_i32_0 = arith.constant 0 : i32
    return %arg0, %c0_i32 : i32, i32
  }
  func.func @transform_4(%arg0: i32) -> (i32, i32) {
    %c0_i32 = arith.constant 0 : i32
    %c0_i32_0 = arith.constant 0 : i32
    return %arg0, %c0_i32 : i32, i32
  }
  func.func @transform_5(%arg0: i32) -> (i32, i32) {
    %c0_i32 = arith.constant 0 : i32
    %c0_i32_0 = arith.constant 0 : i32
    %c0_i32_1 = arith.constant 0 : i32
    return %c0_i32, %c0_i32_0 : i32, i32
  }
  func.func @transform_6(%arg0: i32) -> (i32, i32) {
    %c0_i32 = arith.constant 0 : i32
    %c0_i32_0 = arith.constant 0 : i32
    return %arg0, %c0_i32 : i32, i32
  }
}

</mosaic_0001>

<sc_bundles>
// kernel: kernel.12.cloned.1.call-start
scs
__scs_entry_jumppad:
0x0: {  	(pc) =	sbr.rel $0x88, $3  }
0x1: {  	(tag) =	ssettag $0x0;
	lr =	simm.s32 $0x1  }
0x2: {  	[smem:$0x3F9D] =	sst lr;
	_ =	strace $0xD0000000  }
0x3: {  	_ = 	snop  }
0x4: {  	_ = 	snop  }
0x5: {  	_ = 	snop  }
0x6: {  	_ = 	snop  }
0x7: {  	_ = 	snop  }
__scs_overlays_trampoline_lowered:
0x8: {  	[smem:$0x3FAC] =	sst s0  }
0x9: {  	[smem:$0x3FAD] =	sst s1  }
0xa: {  	[smem:$0x3FAE] =	sst s2  }
0xb: {  	[smem:$0x3FAF] =	sst s3  }
0xc: {  	[smem:$0x3FB0] =	sst s4  }
0xd: {  	[smem:$0x3FB1] =	sst s5  }
0xe: {  	[smem:$0x3FB2] =	sst s6  }
0xf: {  	[smem:$0x3FB3] =	sst s7  }
0x10: {  	[smem:$0x3FB4] =	sst s8  }
0x11: {  	[smem:$0x3FB5] =	sst s9;
	s0 =	simm.s32 @!p0 $0x0  }
0x12: {  	s1 =	sld [smem:$0x3F9B];
	s0 =	simm.s32 @p0 $0x1  }
0x13: {  	[smem:$0x3FB6] =	sst s0;
	s0 =	simm.s32 @!p1 $0x0  }
0x14: {  	s2 =	sld [smem:$0x3F9A];
	s0 =	simm.s32 @p1 $0x1  }
0x15: {  	[smem:$0x3FB7] =	sst s0;
	s0 =	simm.s32 @!p2 $0x0  }
0x16: {  	s3 =	sld [smem:$0x3FDB];
	s0 =	simm.s32 @p2 $0x1  }
0x17: {  	s4 =	simm.s32 $0x1BF5;
	[smem:$0x3FB9] =	sst s0  }
0x18: {  	s0 =	sld [smem:$0x3F9C];
	_ =	swait.ge [sflag:s4], $0x0  }
0x19: {  	s7 =	sld [smem:$0x3F9D]  }
0x1a: {  	s8 =	sadd.s32 $0xFFFFE003, lr  }
0x1b: {  	s9 =	sadd.s32 $0xFFFFFEF7, lr;
	s5 =	simm.s32 $0xFFFFFFFF;
	p2 =	slt.u32 s8, $0xFFFFF086  }
0x1c: {  	p1 =	slt.u32 s9, $0xF7A;
	s5 =	simm.s32 @!p2 $0x0  }
0x1d: {  	s5 =	simm.s32 @p1 $0x1;
	p0 =	seq.s32 s7, s2  }
0x1e: {  	s7 =	smul.u32 @!p0 $0xF7A, s2;
	p2 =	seq.s32 @!p0 s5, $0x0  }
0x1f: {  	s9 =	smul.u32 $0xF7A, s1;
	s8 =	simm.s32 @!p0 $0x1BF5;
	p2 =	por !p2, p0  }
0x20: {  	[sflag:s8] =	ssyncset.s32 @!p0 $0xFFFFF086;
	s6 =	sadd.s32 @!p0 s3, s7;
	s7 =	simm.s32 @!p0 $0x108  }
0x21: {  	s3 =	sadd.s32 s3, s9;
	s6 =	sadd.s32 @!p0 $0x88, s6;
	s7 =	simm.s32 @p2 $0x1082  }
0x22: {  	[simem:s7], [sflag:s8] =	dma.local @!p0 [hbm:s6], $0xF7A  }
0x23: {  	s9 =	sor.u32 $0xD0000000, s2;
	s6 =	simm.s32 $0x108;
	_ =	swait.ge @!p0 [sflag:s8], $0x0  }
0x24: {  	s3 =	sadd.s32 $0x88, s3;
	s6 =	simm.s32 @!p1 $0x1082;
	[sflag:s4] =	ssyncset.s32 $0xFFFFF086  }
0x25: {  	[simem:s6], [sflag:s4] =	dma.local [hbm:s3], $0xF7A  }
0x26: {  	[smem:$0x3F9D] =	sst s1;
	(tag) =	ssettag s2;
	_ =	strace s9  }
0x27: {  	s1 =	sld [smem:$0x3FAD]  }
0x28: {  	s2 =	sld [smem:$0x3FAE]  }
0x29: {  	s4 =	sld [smem:$0x3FB0]  }
0x2a: {  	p0 =	seq.s32 s5, $0x0;
	s5 =	sld [smem:$0x3FB1]  }
0x2b: {  	s6 =	sld [smem:$0x3FB2]  }
0x2c: {  	s7 =	sld [smem:$0x3FB3]  }
0x2d: {  	s3 =	simm.s32 $0x108;
	s8 =	sld [smem:$0x3FB4]  }
0x2e: {  	s3 =	simm.s32 @!p0 $0x1082;
	s9 =	sld [smem:$0x3FB5]  }
0x2f: {  	lr =	sadd.s32 s0, s3;
	s0 =	sld [smem:$0x3FAC]  }
0x30: {  	s3 =	sld [smem:$0x3FAF]  }
0x31: {  	[smem:$0x3FB8] =	sst s10  }
0x32: {  	s10 =	sld [smem:$0x3FB6];
	_ =	sdelay $0x3  }
0x33: {  	p0 =	seq.s32 s10, $0x1;
	s10 =	sld [smem:$0x3FB8];
	_ =	sdelay $0x3  }
0x34: {  	[smem:$0x3FB8] =	sst s10  }
0x35: {  	s10 =	sld [smem:$0x3FB7];
	_ =	sdelay $0x3  }
0x36: {  	p1 =	seq.s32 s10, $0x1;
	s10 =	sld [smem:$0x3FB8];
	_ =	sdelay $0x3  }
0x37: {  	[smem:$0x3FB8] =	sst s10  }
0x38: {  	s10 =	sld [smem:$0x3FB9]  }
0x39: {  	_ = 	snop;
	(pc) =	sbr.ind lr, $3  }
0x3a: {  	_ = 	snop  }
0x3b: {  	_ = 	snop  }
0x3c: {  	p2 =	seq.s32 s10, $0x1;
	s10 =	sld [smem:$0x3FB8]  }
0x3d: {  	_ =	shalt  }
0x3e: {  	_ =	shalt  }
0x3f: {  	_ =	shalt  }
0x40: {  	_ =	shalt  }
0x41: {  	_ =	shalt  }
0x42: {  	_ =	shalt  }
0x43: {  	_ =	shalt  }
0x44: {  	_ =	shalt  }
0x45: {  	_ =	shalt  }
0x46: {  	_ =	shalt  }
0x47: {  	_ =	shalt  }
0x48: {  	_ =	shalt  }
0x49: {  	_ =	shalt  }
0x4a: {  	_ =	shalt  }
0x4b: {  	_ =	shalt  }
0x4c: {  	_ =	shalt  }
0x4d: {  	_ =	shalt  }
0x4e: {  	_ =	shalt  }
0x4f: {  	_ =	shalt  }
0x50: {  	_ =	shalt  }
0x51: {  	_ =	shalt  }
0x52: {  	_ =	shalt  }
0x53: {  	_ =	shalt  }
0x54: {  	_ =	shalt  }
0x55: {  	_ =	shalt  }
0x56: {  	_ =	shalt  }
0x57: {  	_ =	shalt  }
0x58: {  	_ =	shalt  }
0x59: {  	_ =	shalt  }
0x5a: {  	_ =	shalt  }
0x5b: {  	_ =	shalt  }
0x5c: {  	_ =	shalt  }
0x5d: {  	_ =	shalt  }
0x5e: {  	_ =	shalt  }
0x5f: {  	_ =	shalt  }
0x60: {  	_ =	shalt  }
0x61: {  	_ =	shalt  }
0x62: {  	_ =	shalt  }
0x63: {  	_ =	shalt  }
0x64: {  	_ =	shalt  }
0x65: {  	_ =	shalt  }
0x66: {  	_ =	shalt  }
0x67: {  	_ =	shalt  }
0x68: {  	_ =	shalt  }
0x69: {  	_ =	shalt  }
0x6a: {  	_ =	shalt  }
0x6b: {  	_ =	shalt  }
0x6c: {  	_ =	shalt  }
0x6d: {  	_ =	shalt  }
0x6e: {  	_ =	shalt  }
0x6f: {  	_ =	shalt  }
0x70: {  	_ =	shalt  }
0x71: {  	_ =	shalt  }
0x72: {  	_ =	shalt  }
0x73: {  	_ =	shalt  }
0x74: {  	_ =	shalt  }
0x75: {  	_ =	shalt  }
0x76: {  	_ =	shalt  }
0x77: {  	_ =	shalt  }
0x78: {  	_ =	shalt  }
0x79: {  	_ =	shalt  }
0x7a: {  	_ =	shalt  }
0x7b: {  	_ =	shalt  }
0x7c: {  	_ =	shalt  }
0x7d: {  	_ =	shalt  }
0x7e: {  	_ =	shalt  }
0x7f: {  	_ =	shalt  }
0x80: {  	_ =	shalt  }
0x81: {  	_ =	shalt  }
0x82: {  	_ =	shalt  }
0x83: {  	_ =	shalt  }
0x84: {  	_ =	shalt  }
0x85: {  	_ =	shalt  }
0x86: {  	_ =	shalt  }
0x87: {  	_ =	shalt  }
.Lfunc_end0:
.L_simem_size_0:
called_computation.1_lowered:
.L_overlay_start_0:
0x88: {  	s2 =	sld [smem:$0x3FD9]  }
0x89: {  	s3 =	sld [smem:$0x3FFE];
	_ =	sdelay $0x1  }
0x8a: {  	s1 =	srdreg.scid  }
0x8b: {  	s0 =	sand.u32 $0x1, s1  }
0x8c: {  	s17 =	sshll.u32 s0, $0xA;
	s2 =	sadd.s32 s3, s2  }
0x8d: {  	s2 =	sadd.s32 s2, s17  }
0x8e: {  	[smem:$0x3FC4] =	sst s2  }
0x8f: {  	_ = 	snop  }
0x90: {  	s2 =	sld [smem:$0x3FD0];
	(tm) =	ssettm $0x1  }
0x91: {  	s18 =	sld [smem:$0x3FFB];
	_ =	sdelay $0x3  }
0x92: {  	_ =	strace s18  }
0x93: {  	s3 =	sld [smem:$0x3FFC];
	_ =	sdelay $0x3  }
0x94: {  	_ =	strace s3  }
0x95: {  	s3 =	sld [smem:$0x3FFD];
	_ =	sdelay $0x3  }
0x96: {  	_ =	strace s3  }
0x97: {  	_ =	strace $0x8FFFFFFF  }
0x98: {  	s19 =	sld [smem:$0x3FDB];
	_ =	sdelay $0x1  }
0x99: {  	s4 =	simm.s32 $_scs_section_size  }
0x9a: {  	s5 =	simm.s32 $_size__tile_overlayer_lowered;
	s6 =	simm.s32 $_tile_overlayer_lowered  }
0x9b: {  	s22 =	simm.s32 $0x1BFF;
	s21 =	sshll.u32 s6, $0x1;
	s3 =	sadd.s32 s4, s19  }
0x9c: {  	s7 =	simm.s32 $0x0;
	s20 =	sshll.u32 s5, $0x1;
	s5 =	sadd.s32 s21, s3  }
0x9d: {  	[timem:s7], [sflag:s22] =	dma.local [hbm:s5], s20  }
0x9e: {  	_ =	swait.ge [sflag:s22], s20  }
0x9f: {  	s4 =	ssub.s32 $0x0, s20;
	[sflag:s22] =	ssyncset.done $0x0  }
0xa0: {  	[sflag:s22] =	ssyncadd.s32 s4;
	_ =	sdelay $0x1  }
0xa1: {  	s23 =	simm.s32 $0x1B8B  }
0xa2: {  	_ =	swait.ge [sflag:s23], $0x1  }
0xa3: {  	[sflag:s23] =	ssyncset.done $0x0  }
0xa4: {  	s25 =	simm.s32 $0x1B8E;
	s24 =	sld [smem:$0x3FFE];
	[sflag:s23] =	ssyncadd.s32 $0xFFFFFFFF  }
0xa5: {  	s26 =	simm.s32 $execute0_lowered;
	[smem:$0x3FD2] =	sst s25  }
0xa6: {  	s5 =	sshll.u32 s26, $0x1;
	_ =	strace $0x80000049;
	[dreg:$0x1] =	wrdreg $0xFFFFFFFF  }
0xa7: {  	s28 =	simm.s32 $_size_execute0_lowered;
	s3 =	sadd.s32 s3, s5;
	[dreg:$0x0] =	wrdreg $0x0  }
0xa8: {  	s5 =	sshll.u32 s28, $0x1;
	[dreg:$0x2] =	wrdreg s3  }
0xa9: {  	[dreg:$0x3] =	wrdreg s5  }
0xaa: {  	[dreg:$0x4] =	wrdreg $0xC0  }
0xab: {  	_ =	task [dreg:s7], $0x5FFFF  }
0xac: {  	[dreg:$0x1] =	wrdreg $0xFFFFFFFF  }
0xad: {  	[dreg:$0x0] =	wrdreg $0x60  }
0xae: {  	[dreg:$0x2] =	wrdreg s2  }
0xaf: {  	[dreg:$0x3] =	wrdreg s24  }
0xb0: {  	[dreg:$0x4] =	wrdreg $0x84C00  }
0xb1: {  	[dreg:$0x5] =	wrdreg $0x9  }
0xb2: {  	_ =	task.clear_ibuf [dreg:s7], $0x6FFFF;
	_ =	strace $0x90000049  }
0xb3: {  	s29 =	simm.s32 $0x9;
	_ =	strace $0x8000004B  }
0xb4: {  	_ =	swait.ge [sflag:s29], $0x1  }
0xb5: {  	[sflag:s29] =	ssyncadd.s32 $0xFFFFFFFF  }
0xb6: {  	_ =	strace $0x9000004B  }
0xb7: {  	_ =	sfence  }
0xb8: {  	s30 =	sld [smem:$0x0];
	_ =	sdelay $0x2  }
0xb9: {  	s31 =	sshll.u32 s1, $0xD;
	s1 =	sshrl.u32 s1, $0x2  }
0xba: {  	s3 =	sand.u32 $0x4000, s31;
	s1 =	sadd.s32 s1, s30  }
0xbb: {  	s0 =	sor.u32 s3, s0;
	s1 =	sshll.u32 s1, $0x11  }
0xbc: {  	s0 =	sor.u32 s1, s0  }
0xbd: {  	s0 =	sadd.s32 $0x8F2B, s0  }
0xbe: {  	[sflag:s0] =	ssyncadd.remote.s32 $0x1  }
0xbf: {  	_ =	sfence.sel $0xFFFF  }
0xc0: {  	[dreg:$0x0] =	wrdreg $0xFFFFFFFF;
	(pc) =	sbr.abs _section_cstart, $3  }
0xc1: {  	[dreg:$0x1] =	wrdreg $0xFFFFFFFF  }
0xc2: {  	_ =	task.clear_ibuf [dreg:s7], $0x2FFFF;
	_ =	strace $0x9FFFFFFF  }
0xc3: {  	(tm) =	ssettm $0x7FFFFFFF  }
tec
execute0_lowered:
.L_overlay_start_1:
0x0: {  	(tag) =	ssettag $0x1  }
0x1: {  	s2 =	srdreg.scid;
	s1 =	rddreg [dreg:$0x0]  }
0x2: {  	s0 =	stileid.u32;
	s6 =	rddreg [dreg:$0x1]  }
0x3: {  	s3 =	rddreg [dreg:$0x2];
	s4 =	simm.s32 $0x0;
	s13 =	simm.s32 $0x7BC0  }
0x4: {  	s14 =	simm.s32 $0x50;
	s15 =	simm.s32 $0x4E70;
	s16 =	simm.s32 $0x4EC0  }
0x5: {  	s17 =	simm.s32 $0x1;
	s18 =	simm.s32 $0x4E20;
	s21 =	simm.s32 $0x0  }
0x6: {  	s5 =	sand.u32 $0x1, s2;
	s31 =	sshll.u32 s0, $0x1;
	s10 =	smul.u32 $0x15F90, s0  }
0x7: {  	[smem:$0x7FF] =	sst s4;
	s9 =	smul.u32 $0x58080, s0;
	s19 =	sshll.u32 s0, $0x6  }
0x8: {  	s2 =	sor.u32 s5, s31;
	s8 =	smul.u32 $0x15F900, s5;
	s5 =	ssub.s32 $0x2, s5  }
0x9: {  	s19 =	sor.u32 $0x1C02, s19;
	s7 =	smul.u32 $0x4E2, s2;
	s2 =	rddreg [dreg:$0x3]  }
0xa: {  	_ =	strace $0x8000004A;
	s11 =	sshrl.u32 s5, $0x1;
	s9 =	sshrl.u32 s9, $0x2  }
0xb: {  	s20 =	sadd.s32 s10, s3;
	s8 =	sadd.s32 s10, s8;
	s11 =	ssub.s32 s5, s11  }
0xc: {  	s5 =	sadd.s32 s9, s3;
	s20 =	sshrl.u32 s20, $0x3;
	s7 =	sadd.s32 s7, s6  }
0xd: {  	s8 =	sshrl.u32 s8, $0x3;
	s10 =	smax.u32 s11, $0x1;
	s11 =	simm.s32 $0x2  }
0xe: {  	s12 =	sadd.s32 s8, s6;
	s6 =	sadd.s32 $0x15800, s7;
	s7 =	sadd.s32 $0x1C00, s7  }
0xf: {  	v0 =	vimm.f32 $0.0e+00;
	s8 =	sadd.s32 $0x15F00, s5;
	s9 =	sadd.s32 $0x6D800, s12;
	s12 =	simm.s32 $0x2710  }
.LBB2_1:
0x10: {  	[tilespmem:s4], [sflag:$0x2] =	stream.linear.gather [hbm4b:s6+s4], $0x2710, $0x38;
	[tilespmem:$0x1E4E0] =	vst v63  }
0x11: {  	_ =	swait.ge [sflag:s11], $0x2710  }
0x12: {  	[sflag:s11] =	ssyncset.done $0x0  }
0x13: {  	[sflag:s11] =	ssyncadd.s32 $0xFFFFD8F0  }
0x14: {  	[tilespmem:s12], [sflag:$0x2] =	stream.linear.gather [hbm4b:s7+s4], $0x2710, $0x38;
	[tilespmem:$0x1E4E0] =	vst v63  }
0x15: {  	_ =	swait.ge [sflag:s11], $0x2710  }
0x16: {  	[sflag:s11] =	ssyncset.done $0x0  }
0x17: {  	[sflag:s11] =	ssyncadd.s32 $0xFFFFD8F0  }
0x18: {  	[tilespmem:$0x7BC0] =	vst v0  }
0x19: {  	[tilespmem:$0x7BD0] =	vst v0  }
0x1a: {  	[tilespmem:$0x7BE0] =	vst v0  }
0x1b: {  	[tilespmem:$0x7BF0] =	vst v0  }
0x1c: {  	[tilespmem:$0x7C00] =	vst v0  }
0x1d: {  	[tilespmem:$0x7C10] =	vst v0  }
0x1e: {  	[tilespmem:$0x7C20] =	vst v0  }
0x1f: {  	[tilespmem:$0x7C30] =	vst v0  }
0x20: {  	[tilespmem:$0x7C40] =	vst v0  }
0x21: {  	[tilespmem:$0x7C50] =	vst v0  }
0x22: {  	[tilespmem:$0x7C60] =	vst v0  }
0x23: {  	[tilespmem:$0x7C70] =	vst v0  }
0x24: {  	[tilespmem:$0x7C80] =	vst v0  }
0x25: {  	[tilespmem:$0x7C90] =	vst v0  }
0x26: {  	[tilespmem:$0x7CA0] =	vst v0  }
0x27: {  	[tilespmem:$0x7CB0] =	vst v0  }
0x28: {  	[tilespmem:$0x7CC0] =	vst v0  }
0x29: {  	[tilespmem:$0x7CD0] =	vst v0  }
0x2a: {  	[tilespmem:$0x7CE0] =	vst v0  }
0x2b: {  	[tilespmem:$0x7CF0] =	vst v0  }
0x2c: {  	[tilespmem:$0x7D00] =	vst v0  }
0x2d: {  	[tilespmem:$0x7D10] =	vst v0  }
0x2e: {  	[tilespmem:$0x7D20] =	vst v0  }
0x2f: {  	[tilespmem:$0x7D30] =	vst v0  }
0x30: {  	[tilespmem:$0x7D40] =	vst v0  }
0x31: {  	[tilespmem:$0x7D50] =	vst v0  }
0x32: {  	[tilespmem:$0x7D60] =	vst v0  }
0x33: {  	[tilespmem:$0x7D70] =	vst v0  }
0x34: {  	[tilespmem:$0x7D80] =	vst v0  }
0x35: {  	[tilespmem:$0x7D90] =	vst v0  }
0x36: {  	[tilespmem:$0x7DA0] =	vst v0  }
0x37: {  	[tilespmem:$0x7DB0] =	vst v0  }
0x38: {  	[tilespmem:$0x7DC0] =	vst v0  }
0x39: {  	[tilespmem:$0x7DD0] =	vst v0  }
0x3a: {  	[tilespmem:$0x7DE0] =	vst v0  }
0x3b: {  	[tilespmem:$0x7DF0] =	vst v0  }
0x3c: {  	[tilespmem:$0x7E00] =	vst v0  }
0x3d: {  	[tilespmem:$0x7E10] =	vst v0  }
0x3e: {  	[tilespmem:$0x7E20] =	vst v0  }
0x3f: {  	[tilespmem:$0x7E30] =	vst v0  }
0x40: {  	[tilespmem:$0x7E40] =	vst v0  }
0x41: {  	[tilespmem:$0x7E50] =	vst v0  }
0x42: {  	[tilespmem:$0x7E60] =	vst v0  }
0x43: {  	[tilespmem:$0x7E70] =	vst v0  }
0x44: {  	[tilespmem:$0x7E80] =	vst v0  }
0x45: {  	[tilespmem:$0x7E90] =	vst v0  }
0x46: {  	[tilespmem:$0x7EA0] =	vst v0  }
0x47: {  	[tilespmem:$0x7EB0] =	vst v0  }
0x48: {  	[tilespmem:$0x7EC0] =	vst v0  }
0x49: {  	[tilespmem:$0x7ED0] =	vst v0  }
0x4a: {  	[tilespmem:$0x7EE0] =	vst v0  }
0x4b: {  	[tilespmem:$0x7EF0] =	vst v0  }
0x4c: {  	[tilespmem:$0x7F00] =	vst v0  }
0x4d: {  	[tilespmem:$0x7F10] =	vst v0  }
0x4e: {  	[tilespmem:$0x7F20] =	vst v0  }
0x4f: {  	[tilespmem:$0x7F30] =	vst v0  }
0x50: {  	[tilespmem:$0x7F40] =	vst v0  }
0x51: {  	[tilespmem:$0x7F50] =	vst v0  }
0x52: {  	[tilespmem:$0x7F60] =	vst v0  }
0x53: {  	[tilespmem:$0x7F70] =	vst v0  }
0x54: {  	[tilespmem:$0x7F80] =	vst v0  }
0x55: {  	[tilespmem:$0x7F90] =	vst v0  }
0x56: {  	[tilespmem:$0x7FA0] =	vst v0  }
0x57: {  	[tilespmem:$0x7FB0] =	vst v0  }
0x58: {  	[tilespmem:$0x7FC0] =	vst v0  }
0x59: {  	[tilespmem:$0x7FD0] =	vst v0  }
0x5a: {  	[tilespmem:$0x7FE0] =	vst v0  }
0x5b: {  	[tilespmem:$0x7FF0] =	vst v0  }
0x5c: {  	[tilespmem:$0x8000] =	vst v0  }
0x5d: {  	[tilespmem:$0x8010] =	vst v0  }
0x5e: {  	[tilespmem:$0x8020] =	vst v0  }
0x5f: {  	[tilespmem:$0x8030] =	vst v0  }
0x60: {  	[tilespmem:$0x8040] =	vst v0  }
0x61: {  	[tilespmem:$0x8050] =	vst v0  }
0x62: {  	[tilespmem:$0x8060] =	vst v0  }
0x63: {  	[tilespmem:$0x8070] =	vst v0  }
0x64: {  	[tilespmem:$0x8080] =	vst v0  }
0x65: {  	[tilespmem:$0x8090] =	vst v0  }
0x66: {  	[tilespmem:$0x80A0] =	vst v0  }
0x67: {  	[tilespmem:$0x80B0] =	vst v0  }
0x68: {  	[tilespmem:$0x80C0] =	vst v0  }
0x69: {  	[tilespmem:$0x80D0] =	vst v0  }
0x6a: {  	[tilespmem:$0x80E0] =	vst v0  }
0x6b: {  	[tilespmem:$0x80F0] =	vst v0  }
0x6c: {  	[tilespmem:$0x8100] =	vst v0  }
0x6d: {  	[tilespmem:$0x8110] =	vst v0  }
0x6e: {  	[tilespmem:$0x8120] =	vst v0  }
0x6f: {  	[tilespmem:$0x8130] =	vst v0  }
0x70: {  	[tilespmem:$0x8140] =	vst v0  }
0x71: {  	[tilespmem:$0x8150] =	vst v0  }
0x72: {  	[tilespmem:$0x8160] =	vst v0  }
0x73: {  	[tilespmem:$0x8170] =	vst v0  }
0x74: {  	[tilespmem:$0x8180] =	vst v0  }
0x75: {  	[tilespmem:$0x8190] =	vst v0  }
0x76: {  	[tilespmem:$0x81A0] =	vst v0  }
0x77: {  	[tilespmem:$0x81B0] =	vst v0  }
0x78: {  	[tilespmem:$0x81C0] =	vst v0  }
0x79: {  	[tilespmem:$0x81D0] =	vst v0  }
0x7a: {  	[tilespmem:$0x81E0] =	vst v0  }
0x7b: {  	[tilespmem:$0x81F0] =	vst v0  }
0x7c: {  	[tilespmem:$0x8200] =	vst v0  }
0x7d: {  	[tilespmem:$0x8210] =	vst v0  }
0x7e: {  	[tilespmem:$0x8220] =	vst v0  }
0x7f: {  	[tilespmem:$0x8230] =	vst v0  }
0x80: {  	[tilespmem:$0x8240] =	vst v0  }
0x81: {  	[tilespmem:$0x8250] =	vst v0  }
0x82: {  	[tilespmem:$0x8260] =	vst v0  }
0x83: {  	[tilespmem:$0x8270] =	vst v0  }
0x84: {  	[tilespmem:$0x8280] =	vst v0  }
0x85: {  	[tilespmem:$0x8290] =	vst v0  }
0x86: {  	[tilespmem:$0x82A0] =	vst v0  }
0x87: {  	[tilespmem:$0x82B0] =	vst v0  }
0x88: {  	[tilespmem:$0x82C0] =	vst v0  }
0x89: {  	[tilespmem:$0x82D0] =	vst v0  }
0x8a: {  	[tilespmem:$0x82E0] =	vst v0  }
0x8b: {  	[tilespmem:$0x82F0] =	vst v0  }
0x8c: {  	[tilespmem:$0x8300] =	vst v0  }
0x8d: {  	[tilespmem:$0x8310] =	vst v0  }
0x8e: {  	[tilespmem:$0x8320] =	vst v0  }
0x8f: {  	[tilespmem:$0x8330] =	vst v0  }
0x90: {  	[tilespmem:$0x8340] =	vst v0  }
0x91: {  	[tilespmem:$0x8350] =	vst v0  }
0x92: {  	[tilespmem:$0x8360] =	vst v0  }
0x93: {  	[tilespmem:$0x8370] =	vst v0  }
0x94: {  	[tilespmem:$0x8380] =	vst v0  }
0x95: {  	[tilespmem:$0x8390] =	vst v0  }
0x96: {  	[tilespmem:$0x83A0] =	vst v0  }
0x97: {  	[tilespmem:$0x83B0] =	vst v0  }
0x98: {  	[tilespmem:$0x83C0] =	vst v0  }
0x99: {  	[tilespmem:$0x83D0] =	vst v0  }
0x9a: {  	[tilespmem:$0x83E0] =	vst v0  }
0x9b: {  	[tilespmem:$0x83F0] =	vst v0  }
0x9c: {  	[tilespmem:$0x8400] =	vst v0  }
0x9d: {  	[tilespmem:$0x8410] =	vst v0  }
0x9e: {  	[tilespmem:$0x8420] =	vst v0  }
0x9f: {  	[tilespmem:$0x8430] =	vst v0  }
0xa0: {  	[tilespmem:$0x8440] =	vst v0  }
0xa1: {  	[tilespmem:$0x8450] =	vst v0  }
0xa2: {  	[tilespmem:$0x8460] =	vst v0  }
0xa3: {  	[tilespmem:$0x8470] =	vst v0  }
0xa4: {  	[tilespmem:$0x8480] =	vst v0  }
0xa5: {  	[tilespmem:$0x8490] =	vst v0  }
0xa6: {  	[tilespmem:$0x84A0] =	vst v0  }
0xa7: {  	s22 =	sadd.s32 $0x0, s5;
	[tilespmem:$0x84B0] =	vst v0  }
0xa8: {  	[spmem:s22] =	stream.linear.scatter [tilespmem:s13], [sflag:$0x2], $0x900, $0x38;
	[tilespmem:$0x1E4E0] =	vst v63  }
0xa9: {  	s22 =	simm.s32 $0x2400;
	_ =	swait.ge [sflag:s11], $0x900  }
.LBB2_2:
0xaa: {  	s23 =	sshra.s32 s22, $0x2;
	[sflag:s11] =	ssyncset.done $0x0;
	p0 =	sne.s32 s22, $0x55800  }
.Ltmp0:
0xab: {  	s23 =	sadd.s32 s23, s5;
	[sflag:s11] =	ssyncadd.s32 $0xFFFFF700;
	(pc) =	sbr.rel @p0 .LBB2_2-.Ltmp0, $3  }
0xac: {  	[spmem:s23] =	stream.linear.scatter [tilespmem:s13], [sflag:$0x2], $0x900, $0x38;
	[tilespmem:$0x1E4E0] =	vst v63  }
0xad: {  	s22 =	sadd.s32 $0x2400, s22;
	_ =	sdelay $0x1  }
0xae: {  	_ =	swait.ge [sflag:s11], $0x900  }
0xaf: {  	[sflag:s11] =	ssyncset.done $0x0  }
0xb0: {  	[sflag:s11] =	ssyncadd.s32 $0xFFFFF700  }
0xb1: {  	[spmem:s8] =	stream.linear.scatter [tilespmem:s13], [sflag:$0x2], $0x120, $0x38;
	[tilespmem:$0x1E4E0] =	vst v63  }
0xb2: {  	_ =	swait.ge [sflag:s11], $0x120  }
0xb3: {  	[sflag:s11] =	ssyncset.done $0x0  }
0xb4: {  	[sflag:s11] =	ssyncadd.s32 $0xFFFFFEE0  }
0xb5: {  	s22 =	simm.s32 $0x0;
	[bflag:$0x0] =	sbarrier.arrive $0xFFFF  }
0xb6: {  	v1 =	vld [tilespmem:s22+$0x0];
	_ =	sdelay $0x4  }
0xb7: {  	[tilespmem:$0x4E20] =	vst v1  }
0xb8: {  	v1 =	vld [tilespmem:s22+$0x2710];
	_ =	sdelay $0x4  }
0xb9: {  	[tilespmem:$0x4E70] =	vst v1  }
0xba: {  	v1 =	vld [tilespmem:s22+$0x10];
	_ =	sdelay $0x4  }
0xbb: {  	[tilespmem:$0x4E30] =	vst v1  }
0xbc: {  	v1 =	vld [tilespmem:s22+$0x2720];
	_ =	sdelay $0x4  }
0xbd: {  	[tilespmem:$0x4E80] =	vst v1  }
0xbe: {  	v1 =	vld [tilespmem:s22+$0x20];
	_ =	sdelay $0x4  }
0xbf: {  	[tilespmem:$0x4E40] =	vst v1  }
0xc0: {  	v1 =	vld [tilespmem:s22+$0x2730];
	_ =	sdelay $0x4  }
0xc1: {  	[tilespmem:$0x4E90] =	vst v1  }
0xc2: {  	v1 =	vld [tilespmem:s22+$0x30];
	_ =	sdelay $0x4  }
0xc3: {  	[tilespmem:$0x4E50] =	vst v1  }
0xc4: {  	v1 =	vld [tilespmem:s22+$0x2740];
	_ =	sdelay $0x4  }
0xc5: {  	[tilespmem:$0x4EA0] =	vst v1  }
0xc6: {  	v1 =	vld [tilespmem:s22+$0x40];
	_ =	sdelay $0x4  }
0xc7: {  	[tilespmem:$0x4E60] =	vst v1  }
0xc8: {  	v1 =	vld [tilespmem:s22+$0x2750];
	_ =	sdelay $0x4  }
0xc9: {  	[tilespmem:$0x4EB0] =	vst v1  }
0xca: {  	[tilespmem:s16], [sflag:$0x1] =	stream.indirect.gather [hbm4b:s1+s14], $0x90, s15, s14, $0xb8;
	[tilespmem:$0x1E4E0] =	vst v63  }
0xcb: {  	_ =	swait.ge [sflag:s17], $0x2D00  }
0xcc: {  	[sflag:s17] =	ssyncset.done $0x0  }
0xcd: {  	[sflag:s17] =	ssyncadd.s32 $0xFFFFD300  }
0xce: {  	[spmem:s3] =	stream.indirect.scatter.add.f32 [tilespmem:s16], [sflag:$0x2], $0x90, s18, s14, $0xb8;
	[tilespmem:$0x1E4E0] =	vst v63  }
0xcf: {  	_ =	swait.ge [sflag:s11], $0x2D00  }
0xd0: {  	s25 =	simm.s32 $0x280;
	s22 =	simm.s32 $0x140;
	[sflag:s11] =	ssyncset.done $0x0  }
.LBB2_4:
0xd1: {  	s24 =	sshra.s32 s22, $0x2  }
0xd2: {  	[sflag:s11] =	ssyncadd.s32 $0xFFFFD300;
	s22 =	smov.u32 s25;
	s23 =	sadd.s32 $0x140, s25  }
0xd3: {  	p0 =	sne.s32 s25, $0x9B00;
	v1 =	vld [tilespmem:s24+$0x0];
	_ =	sdelay $0x4  }
0xd4: {  	[tilespmem:$0x4E20] =	vst v1  }
0xd5: {  	v1 =	vld [tilespmem:s24+$0x2710];
	_ =	sdelay $0x4  }
0xd6: {  	[tilespmem:$0x4E70] =	vst v1  }
0xd7: {  	v1 =	vld [tilespmem:s24+$0x10];
	_ =	sdelay $0x4  }
0xd8: {  	[tilespmem:$0x4E30] =	vst v1  }
0xd9: {  	v1 =	vld [tilespmem:s24+$0x2720];
	_ =	sdelay $0x4  }
0xda: {  	[tilespmem:$0x4E80] =	vst v1  }
0xdb: {  	v1 =	vld [tilespmem:s24+$0x20];
	_ =	sdelay $0x4  }
0xdc: {  	[tilespmem:$0x4E40] =	vst v1  }
0xdd: {  	v1 =	vld [tilespmem:s24+$0x2730];
	_ =	sdelay $0x4  }
0xde: {  	[tilespmem:$0x4E90] =	vst v1  }
0xdf: {  	v1 =	vld [tilespmem:s24+$0x30];
	_ =	sdelay $0x4  }
0xe0: {  	[tilespmem:$0x4E50] =	vst v1  }
0xe1: {  	v1 =	vld [tilespmem:s24+$0x2740];
	_ =	sdelay $0x4  }
0xe2: {  	[tilespmem:$0x4EA0] =	vst v1  }
0xe3: {  	v1 =	vld [tilespmem:s24+$0x40];
	_ =	sdelay $0x4  }
0xe4: {  	[tilespmem:$0x4E60] =	vst v1  }
0xe5: {  	v1 =	vld [tilespmem:s24+$0x2750];
	_ =	sdelay $0x4  }
0xe6: {  	[tilespmem:$0x4EB0] =	vst v1  }
0xe7: {  	[tilespmem:s16], [sflag:$0x1] =	stream.indirect.gather [hbm4b:s1+s14], $0x90, s15, s14, $0xb8;
	[tilespmem:$0x1E4E0] =	vst v63  }
0xe8: {  	_ =	swait.ge [sflag:s17], $0x2D00  }
.Ltmp1:
0xe9: {  	[sflag:s17] =	ssyncset.done $0x0;
	(pc) =	sbr.rel @p0 .LBB2_4-.Ltmp1, $4  }
0xea: {  	[sflag:s17] =	ssyncadd.s32 $0xFFFFD300  }
0xeb: {  	[spmem:s3] =	stream.indirect.scatter.add.f32 [tilespmem:s16], [sflag:$0x2], $0x90, s18, s14, $0xb8;
	[tilespmem:$0x1E4E0] =	vst v63  }
0xec: {  	_ =	swait.ge [sflag:s11], $0x2D00  }
0xed: {  	s25 =	smov.u32 s23;
	[sflag:s11] =	ssyncset.done $0x0  }
0xee: {  	s22 =	sshra.s32 s22, $0x2;
	[sflag:s11] =	ssyncadd.s32 $0xFFFFD300  }
0xef: {  	v1 =	vld [tilespmem:s22+$0x0];
	_ =	sdelay $0x4  }
0xf0: {  	[tilespmem:$0x4E20] =	vst v1  }
0xf1: {  	v1 =	vld [tilespmem:s22+$0x2710];
	_ =	sdelay $0x4  }
0xf2: {  	[tilespmem:$0x4E70] =	vst v1  }
0xf3: {  	v1 =	vld [tilespmem:s22+$0x10];
	_ =	sdelay $0x4  }
0xf4: {  	[tilespmem:$0x4E30] =	vst v1  }
0xf5: {  	v1 =	vld [tilespmem:s22+$0x2720];
	_ =	sdelay $0x4  }
0xf6: {  	[tilespmem:$0x4E80] =	vst v1  }
0xf7: {  	v1 =	vld [tilespmem:s22+$0x20];
	_ =	sdelay $0x4  }
0xf8: {  	[tilespmem:$0x4E40] =	vst v1  }
0xf9: {  	v1 =	vld [tilespmem:s22+$0x2730];
	_ =	sdelay $0x4  }
0xfa: {  	[tilespmem:$0x4E90] =	vst v1  }
0xfb: {  	v1 =	vld [tilespmem:s22+$0x30];
	_ =	sdelay $0x4  }
0xfc: {  	[tilespmem:$0x4E50] =	vst v1  }
0xfd: {  	v1 =	vld [tilespmem:s22+$0x2740];
	_ =	sdelay $0x4  }
0xfe: {  	[tilespmem:$0x4EA0] =	vst v1  }
0xff: {  	v1 =	vld [tilespmem:s22+$0x40];
	_ =	sdelay $0x4  }
0x100: {  	[tilespmem:$0x4E60] =	vst v1  }
0x101: {  	v1 =	vld [tilespmem:s22+$0x2750];
	_ =	sdelay $0x4  }
0x102: {  	[tilespmem:$0x4EB0] =	vst v1  }
0x103: {  	[tilespmem:s16], [sflag:$0x1] =	stream.indirect.gather [hbm4b:s1+s14], $0x90, s15, s14, $0xb8;
	[tilespmem:$0x1E4E0] =	vst v63  }
0x104: {  	_ =	swait.ge [sflag:s17], $0x2D00  }
0x105: {  	[sflag:s17] =	ssyncset.done $0x0  }
0x106: {  	[sflag:s17] =	ssyncadd.s32 $0xFFFFD300  }
0x107: {  	[spmem:s3] =	stream.indirect.scatter.add.f32 [tilespmem:s16], [sflag:$0x2], $0x90, s18, s14, $0xb8;
	[tilespmem:$0x1E4E0] =	vst v63  }
0x108: {  	_ =	swait.ge [sflag:s11], $0x2D00  }
0x109: {  	s21 =	sadd.s32 $0x1, s21;
	[sflag:s11] =	ssyncset.done $0x0  }
0x10a: {  	p0 =	sne.s32 s21, s10;
	[sflag:s11] =	ssyncadd.s32 $0xFFFFD300  }
.Ltmp2:
0x10b: {  	[bflag:$0x0] =	sbarrier.arrive $0xFFFF;
	(pc) =	sbr.rel @p0 .LBB2_1-.Ltmp2, $4  }
0x10c: {  	[hbm:s9], [sflag:s19] =	dma.local [spmem:s20], $0x2BF2  }
0x10d: {  	_ =	swait.ge [sflag:s11], $0x2BF2  }
0x10e: {  	[sflag:s11] =	ssyncset.done $0x0  }
0x10f: {  	[sflag:s11] =	ssyncadd.s32 $0xFFFFD40E  }
0x110: {  	_ =	sfence.sel $0x180000  }
0x111: {  	[bflag:$0x0] =	sbarrier.arrive $0xFFFF  }
0x112: {  	p0 =	sne.s32 s0, $0x0;
	_ =	strace $0x9000004A  }
0x113: {  	s0 =	sadd.s32 @!p0 $0x100000, s2;
	[bflag:$0x2] =	sbarrier.arrive $0xFFFF  }
0x114: {  	[sflag:s0] =	ssyncadd.tile.s32 @!p0 $0x1;
	_ =	shalt  }
.Lfunc_end2:
_tile_overlayer_lowered:
.L_overlay_start_2:
0x115: {  	(tag) =	ssettag $0x2  }
0x116: {  	s0 =	rddreg [dreg:$0x0];
	s2 =	stileid.u32  }
0x117: {  	s1 =	rddreg [dreg:$0x1];
	p0 =	sne.s32 s2, $0x0  }
0x118: {  	s3 =	rddreg [dreg:$0x2];
	[bflag:$0x3] =	sbarrier.arrive $0xFFFF;
	s2 =	simm.s32 @!p0 $0x1C02  }
0x119: {  	[timem:s3], [sflag:s2] =	dma.local @!p0 [hbm:s0], s1  }
0x11a: {  	s0 =	simm.s32 @!p0 $0x2  }
0x11b: {  	_ =	swait.ge @!p0 [sflag:s0], s1  }
0x11c: {  	s1 =	ssub.s32 @!p0 $0x0, s1;
	[sflag:s0] =	ssyncset.done @!p0 $0x0  }
0x11d: {  	[sflag:s0] =	ssyncadd.s32 @!p0 s1  }
0x11e: {  	[bflag:$0x3] =	sbarrier.arrive $0xFFFF  }
0x11f: {  	_ =	shalt  }

// kernel: kernel.15.cloned.1.call-start
scs
__scs_entry_jumppad:
0x0: {  	(pc) =	sbr.rel $0x88, $3  }
0x1: {  	(tag) =	ssettag $0x0;
	lr =	simm.s32 $0x1  }
0x2: {  	[smem:$0x3F9D] =	sst lr;
	_ =	strace $0xD0000000  }
0x3: {  	_ = 	snop  }
0x4: {  	_ = 	snop  }
0x5: {  	_ = 	snop  }
0x6: {  	_ = 	snop  }
0x7: {  	_ = 	snop  }
__scs_overlays_trampoline_lowered:
0x8: {  	[smem:$0x3FAC] =	sst s0  }
0x9: {  	[smem:$0x3FAD] =	sst s1  }
0xa: {  	[smem:$0x3FAE] =	sst s2  }
0xb: {  	[smem:$0x3FAF] =	sst s3  }
0xc: {  	[smem:$0x3FB0] =	sst s4  }
0xd: {  	[smem:$0x3FB1] =	sst s5  }
0xe: {  	[smem:$0x3FB2] =	sst s6  }
0xf: {  	[smem:$0x3FB3] =	sst s7  }
0x10: {  	[smem:$0x3FB4] =	sst s8  }
0x11: {  	[smem:$0x3FB5] =	sst s9;
	s0 =	simm.s32 @!p0 $0x0  }
0x12: {  	s1 =	sld [smem:$0x3F9B];
	s0 =	simm.s32 @p0 $0x1  }
0x13: {  	[smem:$0x3FB6] =	sst s0;
	s0 =	simm.s32 @!p1 $0x0  }
0x14: {  	s2 =	sld [smem:$0x3F9A];
	s0 =	simm.s32 @p1 $0x1  }
0x15: {  	[smem:$0x3FB7] =	sst s0;
	s0 =	simm.s32 @!p2 $0x0  }
0x16: {  	s3 =	sld [smem:$0x3FDB];
	s0 =	simm.s32 @p2 $0x1  }
0x17: {  	s4 =	simm.s32 $0x1BF5;
	[smem:$0x3FB9] =	sst s0  }
0x18: {  	s0 =	sld [smem:$0x3F9C];
	_ =	swait.ge [sflag:s4], $0x0  }
0x19: {  	s7 =	sld [smem:$0x3F9D]  }
0x1a: {  	s8 =	sadd.s32 $0xFFFFE003, lr  }
0x1b: {  	s9 =	sadd.s32 $0xFFFFFEF7, lr;
	s5 =	simm.s32 $0xFFFFFFFF;
	p2 =	slt.u32 s8, $0xFFFFF086  }
0x1c: {  	p1 =	slt.u32 s9, $0xF7A;
	s5 =	simm.s32 @!p2 $0x0  }
0x1d: {  	s5 =	simm.s32 @p1 $0x1;
	p0 =	seq.s32 s7, s2  }
0x1e: {  	s7 =	smul.u32 @!p0 $0xF7A, s2;
	p2 =	seq.s32 @!p0 s5, $0x0  }
0x1f: {  	s9 =	smul.u32 $0xF7A, s1;
	s8 =	simm.s32 @!p0 $0x1BF5;
	p2 =	por !p2, p0  }
0x20: {  	[sflag:s8] =	ssyncset.s32 @!p0 $0xFFFFF086;
	s6 =	sadd.s32 @!p0 s3, s7;
	s7 =	simm.s32 @!p0 $0x108  }
0x21: {  	s3 =	sadd.s32 s3, s9;
	s6 =	sadd.s32 @!p0 $0x88, s6;
	s7 =	simm.s32 @p2 $0x1082  }
0x22: {  	[simem:s7], [sflag:s8] =	dma.local @!p0 [hbm:s6], $0xF7A  }
0x23: {  	s9 =	sor.u32 $0xD0000000, s2;
	s6 =	simm.s32 $0x108;
	_ =	swait.ge @!p0 [sflag:s8], $0x0  }
0x24: {  	s3 =	sadd.s32 $0x88, s3;
	s6 =	simm.s32 @!p1 $0x1082;
	[sflag:s4] =	ssyncset.s32 $0xFFFFF086  }
0x25: {  	[simem:s6], [sflag:s4] =	dma.local [hbm:s3], $0xF7A  }
0x26: {  	[smem:$0x3F9D] =	sst s1;
	(tag) =	ssettag s2;
	_ =	strace s9  }
0x27: {  	s1 =	sld [smem:$0x3FAD]  }
0x28: {  	s2 =	sld [smem:$0x3FAE]  }
0x29: {  	s4 =	sld [smem:$0x3FB0]  }
0x2a: {  	p0 =	seq.s32 s5, $0x0;
	s5 =	sld [smem:$0x3FB1]  }
0x2b: {  	s6 =	sld [smem:$0x3FB2]  }
0x2c: {  	s7 =	sld [smem:$0x3FB3]  }
0x2d: {  	s3 =	simm.s32 $0x108;
	s8 =	sld [smem:$0x3FB4]  }
0x2e: {  	s3 =	simm.s32 @!p0 $0x1082;
	s9 =	sld [smem:$0x3FB5]  }
0x2f: {  	lr =	sadd.s32 s0, s3;
	s0 =	sld [smem:$0x3FAC]  }
0x30: {  	s3 =	sld [smem:$0x3FAF]  }
0x31: {  	[smem:$0x3FB8] =	sst s10  }
0x32: {  	s10 =	sld [smem:$0x3FB6];
	_ =	sdelay $0x3  }
0x33: {  	p0 =	seq.s32 s10, $0x1;
	s10 =	sld [smem:$0x3FB8];
	_ =	sdelay $0x3  }
0x34: {  	[smem:$0x3FB8] =	sst s10  }
0x35: {  	s10 =	sld [smem:$0x3FB7];
	_ =	sdelay $0x3  }
0x36: {  	p1 =	seq.s32 s10, $0x1;
	s10 =	sld [smem:$0x3FB8];
	_ =	sdelay $0x3  }
0x37: {  	[smem:$0x3FB8] =	sst s10  }
0x38: {  	s10 =	sld [smem:$0x3FB9]  }
0x39: {  	_ = 	snop;
	(pc) =	sbr.ind lr, $3  }
0x3a: {  	_ = 	snop  }
0x3b: {  	_ = 	snop  }
0x3c: {  	p2 =	seq.s32 s10, $0x1;
	s10 =	sld [smem:$0x3FB8]  }
0x3d: {  	_ =	shalt  }
0x3e: {  	_ =	shalt  }
0x3f: {  	_ =	shalt  }
0x40: {  	_ =	shalt  }
0x41: {  	_ =	shalt  }
0x42: {  	_ =	shalt  }
0x43: {  	_ =	shalt  }
0x44: {  	_ =	shalt  }
0x45: {  	_ =	shalt  }
0x46: {  	_ =	shalt  }
0x47: {  	_ =	shalt  }
0x48: {  	_ =	shalt  }
0x49: {  	_ =	shalt  }
0x4a: {  	_ =	shalt  }
0x4b: {  	_ =	shalt  }
0x4c: {  	_ =	shalt  }
0x4d: {  	_ =	shalt  }
0x4e: {  	_ =	shalt  }
0x4f: {  	_ =	shalt  }
0x50: {  	_ =	shalt  }
0x51: {  	_ =	shalt  }
0x52: {  	_ =	shalt  }
0x53: {  	_ =	shalt  }
0x54: {  	_ =	shalt  }
0x55: {  	_ =	shalt  }
0x56: {  	_ =	shalt  }
0x57: {  	_ =	shalt  }
0x58: {  	_ =	shalt  }
0x59: {  	_ =	shalt  }
0x5a: {  	_ =	shalt  }
0x5b: {  	_ =	shalt  }
0x5c: {  	_ =	shalt  }
0x5d: {  	_ =	shalt  }
0x5e: {  	_ =	shalt  }
0x5f: {  	_ =	shalt  }
0x60: {  	_ =	shalt  }
0x61: {  	_ =	shalt  }
0x62: {  	_ =	shalt  }
0x63: {  	_ =	shalt  }
0x64: {  	_ =	shalt  }
0x65: {  	_ =	shalt  }
0x66: {  	_ =	shalt  }
0x67: {  	_ =	shalt  }
0x68: {  	_ =	shalt  }
0x69: {  	_ =	shalt  }
0x6a: {  	_ =	shalt  }
0x6b: {  	_ =	shalt  }
0x6c: {  	_ =	shalt  }
0x6d: {  	_ =	shalt  }
0x6e: {  	_ =	shalt  }
0x6f: {  	_ =	shalt  }
0x70: {  	_ =	shalt  }
0x71: {  	_ =	shalt  }
0x72: {  	_ =	shalt  }
0x73: {  	_ =	shalt  }
0x74: {  	_ =	shalt  }
0x75: {  	_ =	shalt  }
0x76: {  	_ =	shalt  }
0x77: {  	_ =	shalt  }
0x78: {  	_ =	shalt  }
0x79: {  	_ =	shalt  }
0x7a: {  	_ =	shalt  }
0x7b: {  	_ =	shalt  }
0x7c: {  	_ =	shalt  }
0x7d: {  	_ =	shalt  }
0x7e: {  	_ =	shalt  }
0x7f: {  	_ =	shalt  }
0x80: {  	_ =	shalt  }
0x81: {  	_ =	shalt  }
0x82: {  	_ =	shalt  }
0x83: {  	_ =	shalt  }
0x84: {  	_ =	shalt  }
0x85: {  	_ =	shalt  }
0x86: {  	_ =	shalt  }
0x87: {  	_ =	shalt  }
.Lfunc_end0:
.L_simem_size_0:
called_computation.2_lowered:
.L_overlay_start_0:
0x88: {  	s2 =	sld [smem:$0x3FD9]  }
0x89: {  	s3 =	sld [smem:$0x3FFE];
	_ =	sdelay $0x1  }
0x8a: {  	s1 =	srdreg.scid  }
0x8b: {  	s0 =	sand.u32 $0x1, s1  }
0x8c: {  	s17 =	sshll.u32 s0, $0xA;
	s2 =	sadd.s32 s3, s2  }
0x8d: {  	s2 =	sadd.s32 s2, s17  }
0x8e: {  	[smem:$0x3FC4] =	sst s2  }
0x8f: {  	_ = 	snop  }
0x90: {  	s2 =	sld [smem:$0x3FD0];
	(tm) =	ssettm $0x1  }
0x91: {  	s18 =	sld [smem:$0x3FFB];
	_ =	sdelay $0x3  }
0x92: {  	_ =	strace s18  }
0x93: {  	s3 =	sld [smem:$0x3FFC];
	_ =	sdelay $0x3  }
0x94: {  	_ =	strace s3  }
0x95: {  	s3 =	sld [smem:$0x3FFD];
	_ =	sdelay $0x3  }
0x96: {  	_ =	strace s3  }
0x97: {  	_ =	strace $0x8FFFFFFF  }
0x98: {  	s19 =	sld [smem:$0x3FDB];
	_ =	sdelay $0x1  }
0x99: {  	s4 =	simm.s32 $_scs_section_size  }
0x9a: {  	s5 =	simm.s32 $_size__tile_overlayer_lowered;
	s6 =	simm.s32 $_tile_overlayer_lowered  }
0x9b: {  	s22 =	simm.s32 $0x1BFF;
	s21 =	sshll.u32 s6, $0x1;
	s3 =	sadd.s32 s4, s19  }
0x9c: {  	s7 =	simm.s32 $0x0;
	s20 =	sshll.u32 s5, $0x1;
	s5 =	sadd.s32 s21, s3  }
0x9d: {  	[timem:s7], [sflag:s22] =	dma.local [hbm:s5], s20  }
0x9e: {  	_ =	swait.ge [sflag:s22], s20  }
0x9f: {  	s4 =	ssub.s32 $0x0, s20;
	[sflag:s22] =	ssyncset.done $0x0  }
0xa0: {  	[sflag:s22] =	ssyncadd.s32 s4;
	_ =	sdelay $0x1  }
0xa1: {  	s23 =	simm.s32 $0x1B8B  }
0xa2: {  	_ =	swait.ge [sflag:s23], $0x1  }
0xa3: {  	[sflag:s23] =	ssyncset.done $0x0  }
0xa4: {  	s25 =	simm.s32 $0x1B8E;
	s24 =	sld [smem:$0x3FFE];
	[sflag:s23] =	ssyncadd.s32 $0xFFFFFFFF  }
0xa5: {  	s26 =	simm.s32 $execute0_lowered;
	[smem:$0x3FD2] =	sst s25  }
0xa6: {  	s5 =	sshll.u32 s26, $0x1;
	_ =	strace $0x8000004C;
	[dreg:$0x1] =	wrdreg $0xFFFFFFFF  }
0xa7: {  	s28 =	simm.s32 $_size_execute0_lowered;
	s3 =	sadd.s32 s3, s5;
	[dreg:$0x0] =	wrdreg $0x0  }
0xa8: {  	s5 =	sshll.u32 s28, $0x1;
	[dreg:$0x2] =	wrdreg s3  }
0xa9: {  	[dreg:$0x3] =	wrdreg s5  }
0xaa: {  	[dreg:$0x4] =	wrdreg $0xC0  }
0xab: {  	_ =	task [dreg:s7], $0x5FFFF  }
0xac: {  	[dreg:$0x1] =	wrdreg $0xFFFFFFFF  }
0xad: {  	[dreg:$0x0] =	wrdreg $0x60  }
0xae: {  	[dreg:$0x2] =	wrdreg s2  }
0xaf: {  	[dreg:$0x3] =	wrdreg s24  }
0xb0: {  	[dreg:$0x4] =	wrdreg $0x84C00  }
0xb1: {  	[dreg:$0x5] =	wrdreg $0x9  }
0xb2: {  	_ =	task.clear_ibuf [dreg:s7], $0x6FFFF;
	_ =	strace $0x9000004C  }
0xb3: {  	s29 =	simm.s32 $0x9;
	_ =	strace $0x8000004E  }
0xb4: {  	_ =	swait.ge [sflag:s29], $0x1  }
0xb5: {  	[sflag:s29] =	ssyncadd.s32 $0xFFFFFFFF  }
0xb6: {  	_ =	strace $0x9000004E  }
0xb7: {  	_ =	sfence  }
0xb8: {  	s30 =	sld [smem:$0x0];
	_ =	sdelay $0x2  }
0xb9: {  	s31 =	sshll.u32 s1, $0xD;
	s1 =	sshrl.u32 s1, $0x2  }
0xba: {  	s3 =	sand.u32 $0x4000, s31;
	s1 =	sadd.s32 s1, s30  }
0xbb: {  	s0 =	sor.u32 s3, s0;
	s1 =	sshll.u32 s1, $0x11  }
0xbc: {  	s0 =	sor.u32 s1, s0  }
0xbd: {  	s0 =	sadd.s32 $0x8F2B, s0  }
0xbe: {  	[sflag:s0] =	ssyncadd.remote.s32 $0x1  }
0xbf: {  	_ =	sfence.sel $0xFFFF  }
0xc0: {  	[dreg:$0x0] =	wrdreg $0xFFFFFFFF;
	(pc) =	sbr.abs _section_cstart, $3  }
0xc1: {  	[dreg:$0x1] =	wrdreg $0xFFFFFFFF  }
0xc2: {  	_ =	task.clear_ibuf [dreg:s7], $0x2FFFF;
	_ =	strace $0x9FFFFFFF  }
0xc3: {  	(tm) =	ssettm $0x7FFFFFFF  }
tec
execute0_lowered:
.L_overlay_start_1:
0x0: {  	(tag) =	ssettag $0x1  }
0x1: {  	s2 =	srdreg.scid;
	s1 =	rddreg [dreg:$0x0]  }
0x2: {  	s0 =	stileid.u32;
	s6 =	rddreg [dreg:$0x1]  }
0x3: {  	s3 =	rddreg [dreg:$0x2];
	s4 =	simm.s32 $0x0;
	s13 =	simm.s32 $0x7BC0  }
0x4: {  	s14 =	simm.s32 $0x50;
	s15 =	simm.s32 $0x4E70;
	s16 =	simm.s32 $0x4EC0  }
0x5: {  	s17 =	simm.s32 $0x1;
	s18 =	simm.s32 $0x4E20;
	s21 =	simm.s32 $0x0  }
0x6: {  	s5 =	sand.u32 $0x1, s2;
	s31 =	sshll.u32 s0, $0x1;
	s10 =	smul.u32 $0x15F90, s0  }
0x7: {  	[smem:$0x7FF] =	sst s4;
	s9 =	smul.u32 $0x58080, s0;
	s19 =	sshll.u32 s0, $0x6  }
0x8: {  	s2 =	sor.u32 s5, s31;
	s8 =	smul.u32 $0x15F900, s5;
	s5 =	ssub.s32 $0x2, s5  }
0x9: {  	s19 =	sor.u32 $0x1C02, s19;
	s7 =	smul.u32 $0x4E2, s2;
	s2 =	rddreg [dreg:$0x3]  }
0xa: {  	_ =	strace $0x8000004D;
	s11 =	sshrl.u32 s5, $0x1;
	s9 =	sshrl.u32 s9, $0x2  }
0xb: {  	s20 =	sadd.s32 s10, s3;
	s8 =	sadd.s32 s10, s8;
	s11 =	ssub.s32 s5, s11  }
0xc: {  	s5 =	sadd.s32 s9, s3;
	s20 =	sshrl.u32 s20, $0x3;
	s7 =	sadd.s32 s7, s6  }
0xd: {  	s8 =	sshrl.u32 s8, $0x3;
	s10 =	smax.u32 s11, $0x1;
	s11 =	simm.s32 $0x2  }
0xe: {  	s12 =	sadd.s32 s8, s6;
	s6 =	sadd.s32 $0x15800, s7;
	s7 =	sadd.s32 $0x1C00, s7  }
0xf: {  	v0 =	vimm.f32 $0.0e+00;
	s8 =	sadd.s32 $0x15F00, s5;
	s9 =	sadd.s32 $0x6D800, s12;
	s12 =	simm.s32 $0x2710  }
.LBB2_1:
0x10: {  	[tilespmem:s4], [sflag:$0x2] =	stream.linear.gather [hbm4b:s6+s4], $0x2710, $0x38;
	[tilespmem:$0x1E4E0] =	vst v63  }
0x11: {  	_ =	swait.ge [sflag:s11], $0x2710  }
0x12: {  	[sflag:s11] =	ssyncset.done $0x0  }
0x13: {  	[sflag:s11] =	ssyncadd.s32 $0xFFFFD8F0  }
0x14: {  	[tilespmem:s12], [sflag:$0x2] =	stream.linear.gather [hbm4b:s7+s4], $0x2710, $0x38;
	[tilespmem:$0x1E4E0] =	vst v63  }
0x15: {  	_ =	swait.ge [sflag:s11], $0x2710  }
0x16: {  	[sflag:s11] =	ssyncset.done $0x0  }
0x17: {  	[sflag:s11] =	ssyncadd.s32 $0xFFFFD8F0  }
0x18: {  	[tilespmem:$0x7BC0] =	vst v0  }
0x19: {  	[tilespmem:$0x7BD0] =	vst v0  }
0x1a: {  	[tilespmem:$0x7BE0] =	vst v0  }
0x1b: {  	[tilespmem:$0x7BF0] =	vst v0  }
0x1c: {  	[tilespmem:$0x7C00] =	vst v0  }
0x1d: {  	[tilespmem:$0x7C10] =	vst v0  }
0x1e: {  	[tilespmem:$0x7C20] =	vst v0  }
0x1f: {  	[tilespmem:$0x7C30] =	vst v0  }
0x20: {  	[tilespmem:$0x7C40] =	vst v0  }
0x21: {  	[tilespmem:$0x7C50] =	vst v0  }
0x22: {  	[tilespmem:$0x7C60] =	vst v0  }
0x23: {  	[tilespmem:$0x7C70] =	vst v0  }
0x24: {  	[tilespmem:$0x7C80] =	vst v0  }
0x25: {  	[tilespmem:$0x7C90] =	vst v0  }
0x26: {  	[tilespmem:$0x7CA0] =	vst v0  }
0x27: {  	[tilespmem:$0x7CB0] =	vst v0  }
0x28: {  	[tilespmem:$0x7CC0] =	vst v0  }
0x29: {  	[tilespmem:$0x7CD0] =	vst v0  }
0x2a: {  	[tilespmem:$0x7CE0] =	vst v0  }
0x2b: {  	[tilespmem:$0x7CF0] =	vst v0  }
0x2c: {  	[tilespmem:$0x7D00] =	vst v0  }
0x2d: {  	[tilespmem:$0x7D10] =	vst v0  }
0x2e: {  	[tilespmem:$0x7D20] =	vst v0  }
0x2f: {  	[tilespmem:$0x7D30] =	vst v0  }
0x30: {  	[tilespmem:$0x7D40] =	vst v0  }
0x31: {  	[tilespmem:$0x7D50] =	vst v0  }
0x32: {  	[tilespmem:$0x7D60] =	vst v0  }
0x33: {  	[tilespmem:$0x7D70] =	vst v0  }
0x34: {  	[tilespmem:$0x7D80] =	vst v0  }
0x35: {  	[tilespmem:$0x7D90] =	vst v0  }
0x36: {  	[tilespmem:$0x7DA0] =	vst v0  }
0x37: {  	[tilespmem:$0x7DB0] =	vst v0  }
0x38: {  	[tilespmem:$0x7DC0] =	vst v0  }
0x39: {  	[tilespmem:$0x7DD0] =	vst v0  }
0x3a: {  	[tilespmem:$0x7DE0] =	vst v0  }
0x3b: {  	[tilespmem:$0x7DF0] =	vst v0  }
0x3c: {  	[tilespmem:$0x7E00] =	vst v0  }
0x3d: {  	[tilespmem:$0x7E10] =	vst v0  }
0x3e: {  	[tilespmem:$0x7E20] =	vst v0  }
0x3f: {  	[tilespmem:$0x7E30] =	vst v0  }
0x40: {  	[tilespmem:$0x7E40] =	vst v0  }
0x41: {  	[tilespmem:$0x7E50] =	vst v0  }
0x42: {  	[tilespmem:$0x7E60] =	vst v0  }
0x43: {  	[tilespmem:$0x7E70] =	vst v0  }
0x44: {  	[tilespmem:$0x7E80] =	vst v0  }
0x45: {  	[tilespmem:$0x7E90] =	vst v0  }
0x46: {  	[tilespmem:$0x7EA0] =	vst v0  }
0x47: {  	[tilespmem:$0x7EB0] =	vst v0  }
0x48: {  	[tilespmem:$0x7EC0] =	vst v0  }
0x49: {  	[tilespmem:$0x7ED0] =	vst v0  }
0x4a: {  	[tilespmem:$0x7EE0] =	vst v0  }
0x4b: {  	[tilespmem:$0x7EF0] =	vst v0  }
0x4c: {  	[tilespmem:$0x7F00] =	vst v0  }
0x4d: {  	[tilespmem:$0x7F10] =	vst v0  }
0x4e: {  	[tilespmem:$0x7F20] =	vst v0  }
0x4f: {  	[tilespmem:$0x7F30] =	vst v0  }
0x50: {  	[tilespmem:$0x7F40] =	vst v0  }
0x51: {  	[tilespmem:$0x7F50] =	vst v0  }
0x52: {  	[tilespmem:$0x7F60] =	vst v0  }
0x53: {  	[tilespmem:$0x7F70] =	vst v0  }
0x54: {  	[tilespmem:$0x7F80] =	vst v0  }
0x55: {  	[tilespmem:$0x7F90] =	vst v0  }
0x56: {  	[tilespmem:$0x7FA0] =	vst v0  }
0x57: {  	[tilespmem:$0x7FB0] =	vst v0  }
0x58: {  	[tilespmem:$0x7FC0] =	vst v0  }
0x59: {  	[tilespmem:$0x7FD0] =	vst v0  }
0x5a: {  	[tilespmem:$0x7FE0] =	vst v0  }
0x5b: {  	[tilespmem:$0x7FF0] =	vst v0  }
0x5c: {  	[tilespmem:$0x8000] =	vst v0  }
0x5d: {  	[tilespmem:$0x8010] =	vst v0  }
0x5e: {  	[tilespmem:$0x8020] =	vst v0  }
0x5f: {  	[tilespmem:$0x8030] =	vst v0  }
0x60: {  	[tilespmem:$0x8040] =	vst v0  }
0x61: {  	[tilespmem:$0x8050] =	vst v0  }
0x62: {  	[tilespmem:$0x8060] =	vst v0  }
0x63: {  	[tilespmem:$0x8070] =	vst v0  }
0x64: {  	[tilespmem:$0x8080] =	vst v0  }
0x65: {  	[tilespmem:$0x8090] =	vst v0  }
0x66: {  	[tilespmem:$0x80A0] =	vst v0  }
0x67: {  	[tilespmem:$0x80B0] =	vst v0  }
0x68: {  	[tilespmem:$0x80C0] =	vst v0  }
0x69: {  	[tilespmem:$0x80D0] =	vst v0  }
0x6a: {  	[tilespmem:$0x80E0] =	vst v0  }
0x6b: {  	[tilespmem:$0x80F0] =	vst v0  }
0x6c: {  	[tilespmem:$0x8100] =	vst v0  }
0x6d: {  	[tilespmem:$0x8110] =	vst v0  }
0x6e: {  	[tilespmem:$0x8120] =	vst v0  }
0x6f: {  	[tilespmem:$0x8130] =	vst v0  }
0x70: {  	[tilespmem:$0x8140] =	vst v0  }
0x71: {  	[tilespmem:$0x8150] =	vst v0  }
0x72: {  	[tilespmem:$0x8160] =	vst v0  }
0x73: {  	[tilespmem:$0x8170] =	vst v0  }
0x74: {  	[tilespmem:$0x8180] =	vst v0  }
0x75: {  	[tilespmem:$0x8190] =	vst v0  }
0x76: {  	[tilespmem:$0x81A0] =	vst v0  }
0x77: {  	[tilespmem:$0x81B0] =	vst v0  }
0x78: {  	[tilespmem:$0x81C0] =	vst v0  }
0x79: {  	[tilespmem:$0x81D0] =	vst v0  }
0x7a: {  	[tilespmem:$0x81E0] =	vst v0  }
0x7b: {  	[tilespmem:$0x81F0] =	vst v0  }
0x7c: {  	[tilespmem:$0x8200] =	vst v0  }
0x7d: {  	[tilespmem:$0x8210] =	vst v0  }
0x7e: {  	[tilespmem:$0x8220] =	vst v0  }
0x7f: {  	[tilespmem:$0x8230] =	vst v0  }
0x80: {  	[tilespmem:$0x8240] =	vst v0  }
0x81: {  	[tilespmem:$0x8250] =	vst v0  }
0x82: {  	[tilespmem:$0x8260] =	vst v0  }
0x83: {  	[tilespmem:$0x8270] =	vst v0  }
0x84: {  	[tilespmem:$0x8280] =	vst v0  }
0x85: {  	[tilespmem:$0x8290] =	vst v0  }
0x86: {  	[tilespmem:$0x82A0] =	vst v0  }
0x87: {  	[tilespmem:$0x82B0] =	vst v0  }
0x88: {  	[tilespmem:$0x82C0] =	vst v0  }
0x89: {  	[tilespmem:$0x82D0] =	vst v0  }
0x8a: {  	[tilespmem:$0x82E0] =	vst v0  }
0x8b: {  	[tilespmem:$0x82F0] =	vst v0  }
0x8c: {  	[tilespmem:$0x8300] =	vst v0  }
0x8d: {  	[tilespmem:$0x8310] =	vst v0  }
0x8e: {  	[tilespmem:$0x8320] =	vst v0  }
0x8f: {  	[tilespmem:$0x8330] =	vst v0  }
0x90: {  	[tilespmem:$0x8340] =	vst v0  }
0x91: {  	[tilespmem:$0x8350] =	vst v0  }
0x92: {  	[tilespmem:$0x8360] =	vst v0  }
0x93: {  	[tilespmem:$0x8370] =	vst v0  }
0x94: {  	[tilespmem:$0x8380] =	vst v0  }
0x95: {  	[tilespmem:$0x8390] =	vst v0  }
0x96: {  	[tilespmem:$0x83A0] =	vst v0  }
0x97: {  	[tilespmem:$0x83B0] =	vst v0  }
0x98: {  	[tilespmem:$0x83C0] =	vst v0  }
0x99: {  	[tilespmem:$0x83D0] =	vst v0  }
0x9a: {  	[tilespmem:$0x83E0] =	vst v0  }
0x9b: {  	[tilespmem:$0x83F0] =	vst v0  }
0x9c: {  	[tilespmem:$0x8400] =	vst v0  }
0x9d: {  	[tilespmem:$0x8410] =	vst v0  }
0x9e: {  	[tilespmem:$0x8420] =	vst v0  }
0x9f: {  	[tilespmem:$0x8430] =	vst v0  }
0xa0: {  	[tilespmem:$0x8440] =	vst v0  }
0xa1: {  	[tilespmem:$0x8450] =	vst v0  }
0xa2: {  	[tilespmem:$0x8460] =	vst v0  }
0xa3: {  	[tilespmem:$0x8470] =	vst v0  }
0xa4: {  	[tilespmem:$0x8480] =	vst v0  }
0xa5: {  	[tilespmem:$0x8490] =	vst v0  }
0xa6: {  	[tilespmem:$0x84A0] =	vst v0  }
0xa7: {  	s22 =	sadd.s32 $0x0, s5;
	[tilespmem:$0x84B0] =	vst v0  }
0xa8: {  	[spmem:s22] =	stream.linear.scatter [tilespmem:s13], [sflag:$0x2], $0x900, $0x38;
	[tilespmem:$0x1E4E0] =	vst v63  }
0xa9: {  	s22 =	simm.s32 $0x2400;
	_ =	swait.ge [sflag:s11], $0x900  }
.LBB2_2:
0xaa: {  	s23 =	sshra.s32 s22, $0x2;
	[sflag:s11] =	ssyncset.done $0x0;
	p0 =	sne.s32 s22, $0x55800  }
.Ltmp0:
0xab: {  	s23 =	sadd.s32 s23, s5;
	[sflag:s11] =	ssyncadd.s32 $0xFFFFF700;
	(pc) =	sbr.rel @p0 .LBB2_2-.Ltmp0, $3  }
0xac: {  	[spmem:s23] =	stream.linear.scatter [tilespmem:s13], [sflag:$0x2], $0x900, $0x38;
	[tilespmem:$0x1E4E0] =	vst v63  }
0xad: {  	s22 =	sadd.s32 $0x2400, s22;
	_ =	sdelay $0x1  }
0xae: {  	_ =	swait.ge [sflag:s11], $0x900  }
0xaf: {  	[sflag:s11] =	ssyncset.done $0x0  }
0xb0: {  	[sflag:s11] =	ssyncadd.s32 $0xFFFFF700  }
0xb1: {  	[spmem:s8] =	stream.linear.scatter [tilespmem:s13], [sflag:$0x2], $0x120, $0x38;
	[tilespmem:$0x1E4E0] =	vst v63  }
0xb2: {  	_ =	swait.ge [sflag:s11], $0x120  }
0xb3: {  	[sflag:s11] =	ssyncset.done $0x0  }
0xb4: {  	[sflag:s11] =	ssyncadd.s32 $0xFFFFFEE0  }
0xb5: {  	s22 =	simm.s32 $0x0;
	[bflag:$0x0] =	sbarrier.arrive $0xFFFF  }
0xb6: {  	v1 =	vld [tilespmem:s22+$0x0];
	_ =	sdelay $0x4  }
0xb7: {  	[tilespmem:$0x4E20] =	vst v1  }
0xb8: {  	v1 =	vld [tilespmem:s22+$0x2710];
	_ =	sdelay $0x4  }
0xb9: {  	[tilespmem:$0x4E70] =	vst v1  }
0xba: {  	v1 =	vld [tilespmem:s22+$0x10];
	_ =	sdelay $0x4  }
0xbb: {  	[tilespmem:$0x4E30] =	vst v1  }
0xbc: {  	v1 =	vld [tilespmem:s22+$0x2720];
	_ =	sdelay $0x4  }
0xbd: {  	[tilespmem:$0x4E80] =	vst v1  }
0xbe: {  	v1 =	vld [tilespmem:s22+$0x20];
	_ =	sdelay $0x4  }
0xbf: {  	[tilespmem:$0x4E40] =	vst v1  }
0xc0: {  	v1 =	vld [tilespmem:s22+$0x2730];
	_ =	sdelay $0x4  }
0xc1: {  	[tilespmem:$0x4E90] =	vst v1  }
0xc2: {  	v1 =	vld [tilespmem:s22+$0x30];
	_ =	sdelay $0x4  }
0xc3: {  	[tilespmem:$0x4E50] =	vst v1  }
0xc4: {  	v1 =	vld [tilespmem:s22+$0x2740];
	_ =	sdelay $0x4  }
0xc5: {  	[tilespmem:$0x4EA0] =	vst v1  }
0xc6: {  	v1 =	vld [tilespmem:s22+$0x40];
	_ =	sdelay $0x4  }
0xc7: {  	[tilespmem:$0x4E60] =	vst v1  }
0xc8: {  	v1 =	vld [tilespmem:s22+$0x2750];
	_ =	sdelay $0x4  }
0xc9: {  	[tilespmem:$0x4EB0] =	vst v1  }
0xca: {  	[tilespmem:s16], [sflag:$0x1] =	stream.indirect.gather [hbm4b:s1+s14], $0x90, s15, s14, $0xb8;
	[tilespmem:$0x1E4E0] =	vst v63  }
0xcb: {  	_ =	swait.ge [sflag:s17], $0x2D00  }
0xcc: {  	[sflag:s17] =	ssyncset.done $0x0  }
0xcd: {  	[sflag:s17] =	ssyncadd.s32 $0xFFFFD300  }
0xce: {  	[spmem:s3] =	stream.indirect.scatter.add.f32 [tilespmem:s16], [sflag:$0x2], $0x90, s18, s14, $0xb8;
	[tilespmem:$0x1E4E0] =	vst v63  }
0xcf: {  	_ =	swait.ge [sflag:s11], $0x2D00  }
0xd0: {  	s25 =	simm.s32 $0x280;
	s22 =	simm.s32 $0x140;
	[sflag:s11] =	ssyncset.done $0x0  }
.LBB2_4:
0xd1: {  	s24 =	sshra.s32 s22, $0x2  }
0xd2: {  	[sflag:s11] =	ssyncadd.s32 $0xFFFFD300;
	s22 =	smov.u32 s25;
	s23 =	sadd.s32 $0x140, s25  }
0xd3: {  	p0 =	sne.s32 s25, $0x9B00;
	v1 =	vld [tilespmem:s24+$0x0];
	_ =	sdelay $0x4  }
0xd4: {  	[tilespmem:$0x4E20] =	vst v1  }
0xd5: {  	v1 =	vld [tilespmem:s24+$0x2710];
	_ =	sdelay $0x4  }
0xd6: {  	[tilespmem:$0x4E70] =	vst v1  }
0xd7: {  	v1 =	vld [tilespmem:s24+$0x10];
	_ =	sdelay $0x4  }
0xd8: {  	[tilespmem:$0x4E30] =	vst v1  }
0xd9: {  	v1 =	vld [tilespmem:s24+$0x2720];
	_ =	sdelay $0x4  }
0xda: {  	[tilespmem:$0x4E80] =	vst v1  }
0xdb: {  	v1 =	vld [tilespmem:s24+$0x20];
	_ =	sdelay $0x4  }
0xdc: {  	[tilespmem:$0x4E40] =	vst v1  }
0xdd: {  	v1 =	vld [tilespmem:s24+$0x2730];
	_ =	sdelay $0x4  }
0xde: {  	[tilespmem:$0x4E90] =	vst v1  }
0xdf: {  	v1 =	vld [tilespmem:s24+$0x30];
	_ =	sdelay $0x4  }
0xe0: {  	[tilespmem:$0x4E50] =	vst v1  }
0xe1: {  	v1 =	vld [tilespmem:s24+$0x2740];
	_ =	sdelay $0x4  }
0xe2: {  	[tilespmem:$0x4EA0] =	vst v1  }
0xe3: {  	v1 =	vld [tilespmem:s24+$0x40];
	_ =	sdelay $0x4  }
0xe4: {  	[tilespmem:$0x4E60] =	vst v1  }
0xe5: {  	v1 =	vld [tilespmem:s24+$0x2750];
	_ =	sdelay $0x4  }
0xe6: {  	[tilespmem:$0x4EB0] =	vst v1  }
0xe7: {  	[tilespmem:s16], [sflag:$0x1] =	stream.indirect.gather [hbm4b:s1+s14], $0x90, s15, s14, $0xb8;
	[tilespmem:$0x1E4E0] =	vst v63  }
0xe8: {  	_ =	swait.ge [sflag:s17], $0x2D00  }
.Ltmp1:
0xe9: {  	[sflag:s17] =	ssyncset.done $0x0;
	(pc) =	sbr.rel @p0 .LBB2_4-.Ltmp1, $4  }
0xea: {  	[sflag:s17] =	ssyncadd.s32 $0xFFFFD300  }
0xeb: {  	[spmem:s3] =	stream.indirect.scatter.add.f32 [tilespmem:s16], [sflag:$0x2], $0x90, s18, s14, $0xb8;
	[tilespmem:$0x1E4E0] =	vst v63  }
0xec: {  	_ =	swait.ge [sflag:s11], $0x2D00  }
0xed: {  	s25 =	smov.u32 s23;
	[sflag:s11] =	ssyncset.done $0x0  }
0xee: {  	s22 =	sshra.s32 s22, $0x2;
	[sflag:s11] =	ssyncadd.s32 $0xFFFFD300  }
0xef: {  	v1 =	vld [tilespmem:s22+$0x0];
	_ =	sdelay $0x4  }
0xf0: {  	[tilespmem:$0x4E20] =	vst v1  }
0xf1: {  	v1 =	vld [tilespmem:s22+$0x2710];
	_ =	sdelay $0x4  }
0xf2: {  	[tilespmem:$0x4E70] =	vst v1  }
0xf3: {  	v1 =	vld [tilespmem:s22+$0x10];
	_ =	sdelay $0x4  }
0xf4: {  	[tilespmem:$0x4E30] =	vst v1  }
0xf5: {  	v1 =	vld [tilespmem:s22+$0x2720];
	_ =	sdelay $0x4  }
0xf6: {  	[tilespmem:$0x4E80] =	vst v1  }
0xf7: {  	v1 =	vld [tilespmem:s22+$0x20];
	_ =	sdelay $0x4  }
0xf8: {  	[tilespmem:$0x4E40] =	vst v1  }
0xf9: {  	v1 =	vld [tilespmem:s22+$0x2730];
	_ =	sdelay $0x4  }
0xfa: {  	[tilespmem:$0x4E90] =	vst v1  }
0xfb: {  	v1 =	vld [tilespmem:s22+$0x30];
	_ =	sdelay $0x4  }
0xfc: {  	[tilespmem:$0x4E50] =	vst v1  }
0xfd: {  	v1 =	vld [tilespmem:s22+$0x2740];
	_ =	sdelay $0x4  }
0xfe: {  	[tilespmem:$0x4EA0] =	vst v1  }
0xff: {  	v1 =	vld [tilespmem:s22+$0x40];
	_ =	sdelay $0x4  }
0x100: {  	[tilespmem:$0x4E60] =	vst v1  }
0x101: {  	v1 =	vld [tilespmem:s22+$0x2750];
	_ =	sdelay $0x4  }
0x102: {  	[tilespmem:$0x4EB0] =	vst v1  }
0x103: {  	[tilespmem:s16], [sflag:$0x1] =	stream.indirect.gather [hbm4b:s1+s14], $0x90, s15, s14, $0xb8;
	[tilespmem:$0x1E4E0] =	vst v63  }
0x104: {  	_ =	swait.ge [sflag:s17], $0x2D00  }
0x105: {  	[sflag:s17] =	ssyncset.done $0x0  }
0x106: {  	[sflag:s17] =	ssyncadd.s32 $0xFFFFD300  }
0x107: {  	[spmem:s3] =	stream.indirect.scatter.add.f32 [tilespmem:s16], [sflag:$0x2], $0x90, s18, s14, $0xb8;
	[tilespmem:$0x1E4E0] =	vst v63  }
0x108: {  	_ =	swait.ge [sflag:s11], $0x2D00  }
0x109: {  	s21 =	sadd.s32 $0x1, s21;
	[sflag:s11] =	ssyncset.done $0x0  }
0x10a: {  	p0 =	sne.s32 s21, s10;
	[sflag:s11] =	ssyncadd.s32 $0xFFFFD300  }
.Ltmp2:
0x10b: {  	[bflag:$0x0] =	sbarrier.arrive $0xFFFF;
	(pc) =	sbr.rel @p0 .LBB2_1-.Ltmp2, $4  }
0x10c: {  	[hbm:s9], [sflag:s19] =	dma.local [spmem:s20], $0x2BF2  }
0x10d: {  	_ =	swait.ge [sflag:s11], $0x2BF2  }
0x10e: {  	[sflag:s11] =	ssyncset.done $0x0  }
0x10f: {  	[sflag:s11] =	ssyncadd.s32 $0xFFFFD40E  }
0x110: {  	_ =	sfence.sel $0x180000  }
0x111: {  	[bflag:$0x0] =	sbarrier.arrive $0xFFFF  }
0x112: {  	p0 =	sne.s32 s0, $0x0;
	_ =	strace $0x9000004D  }
0x113: {  	s0 =	sadd.s32 @!p0 $0x100000, s2;
	[bflag:$0x2] =	sbarrier.arrive $0xFFFF  }
0x114: {  	[sflag:s0] =	ssyncadd.tile.s32 @!p0 $0x1;
	_ =	shalt  }
.Lfunc_end2:
_tile_overlayer_lowered:
.L_overlay_start_2:
0x115: {  	(tag) =	ssettag $0x2  }
0x116: {  	s0 =	rddreg [dreg:$0x0];
	s2 =	stileid.u32  }
0x117: {  	s1 =	rddreg [dreg:$0x1];
	p0 =	sne.s32 s2, $0x0  }
0x118: {  	s3 =	rddreg [dreg:$0x2];
	[bflag:$0x3] =	sbarrier.arrive $0xFFFF;
	s2 =	simm.s32 @!p0 $0x1C02  }
0x119: {  	[timem:s3], [sflag:s2] =	dma.local @!p0 [hbm:s0], s1  }
0x11a: {  	s0 =	simm.s32 @!p0 $0x2  }
0x11b: {  	_ =	swait.ge @!p0 [sflag:s0], s1  }
0x11c: {  	s1 =	ssub.s32 @!p0 $0x0, s1;
	[sflag:s0] =	ssyncset.done @!p0 $0x0  }
0x11d: {  	[sflag:s0] =	ssyncadd.s32 @!p0 s1  }
0x11e: {  	[bflag:$0x3] =	sbarrier.arrive $0xFFFF  }
0x11f: {  	_ =	shalt  }

// kernel: kernel.9.cloned.1.call-start
scs
__scs_entry_jumppad:
0x0: {  	(pc) =	sbr.rel $0x88, $3  }
0x1: {  	(tag) =	ssettag $0x0;
	lr =	simm.s32 $0x1  }
0x2: {  	[smem:$0x3F9D] =	sst lr;
	_ =	strace $0xD0000000  }
0x3: {  	_ = 	snop  }
0x4: {  	_ = 	snop  }
0x5: {  	_ = 	snop  }
0x6: {  	_ = 	snop  }
0x7: {  	_ = 	snop  }
__scs_overlays_trampoline_lowered:
0x8: {  	[smem:$0x3FAC] =	sst s0  }
0x9: {  	[smem:$0x3FAD] =	sst s1  }
0xa: {  	[smem:$0x3FAE] =	sst s2  }
0xb: {  	[smem:$0x3FAF] =	sst s3  }
0xc: {  	[smem:$0x3FB0] =	sst s4  }
0xd: {  	[smem:$0x3FB1] =	sst s5  }
0xe: {  	[smem:$0x3FB2] =	sst s6  }
0xf: {  	[smem:$0x3FB3] =	sst s7  }
0x10: {  	[smem:$0x3FB4] =	sst s8  }
0x11: {  	[smem:$0x3FB5] =	sst s9;
	s0 =	simm.s32 @!p0 $0x0  }
0x12: {  	s1 =	sld [smem:$0x3F9B];
	s0 =	simm.s32 @p0 $0x1  }
0x13: {  	[smem:$0x3FB6] =	sst s0;
	s0 =	simm.s32 @!p1 $0x0  }
0x14: {  	s2 =	sld [smem:$0x3F9A];
	s0 =	simm.s32 @p1 $0x1  }
0x15: {  	[smem:$0x3FB7] =	sst s0;
	s0 =	simm.s32 @!p2 $0x0  }
0x16: {  	s3 =	sld [smem:$0x3FDB];
	s0 =	simm.s32 @p2 $0x1  }
0x17: {  	s4 =	simm.s32 $0x1BF5;
	[smem:$0x3FB9] =	sst s0  }
0x18: {  	s0 =	sld [smem:$0x3F9C];
	_ =	swait.ge [sflag:s4], $0x0  }
0x19: {  	s7 =	sld [smem:$0x3F9D]  }
0x1a: {  	s8 =	sadd.s32 $0xFFFFE003, lr  }
0x1b: {  	s9 =	sadd.s32 $0xFFFFFEF7, lr;
	s5 =	simm.s32 $0xFFFFFFFF;
	p2 =	slt.u32 s8, $0xFFFFF086  }
0x1c: {  	p1 =	slt.u32 s9, $0xF7A;
	s5 =	simm.s32 @!p2 $0x0  }
0x1d: {  	s5 =	simm.s32 @p1 $0x1;
	p0 =	seq.s32 s7, s2  }
0x1e: {  	s7 =	smul.u32 @!p0 $0xF7A, s2;
	p2 =	seq.s32 @!p0 s5, $0x0  }
0x1f: {  	s9 =	smul.u32 $0xF7A, s1;
	s8 =	simm.s32 @!p0 $0x1BF5;
	p2 =	por !p2, p0  }
0x20: {  	[sflag:s8] =	ssyncset.s32 @!p0 $0xFFFFF086;
	s6 =	sadd.s32 @!p0 s3, s7;
	s7 =	simm.s32 @!p0 $0x108  }
0x21: {  	s3 =	sadd.s32 s3, s9;
	s6 =	sadd.s32 @!p0 $0x88, s6;
	s7 =	simm.s32 @p2 $0x1082  }
0x22: {  	[simem:s7], [sflag:s8] =	dma.local @!p0 [hbm:s6], $0xF7A  }
0x23: {  	s9 =	sor.u32 $0xD0000000, s2;
	s6 =	simm.s32 $0x108;
	_ =	swait.ge @!p0 [sflag:s8], $0x0  }
0x24: {  	s3 =	sadd.s32 $0x88, s3;
	s6 =	simm.s32 @!p1 $0x1082;
	[sflag:s4] =	ssyncset.s32 $0xFFFFF086  }
0x25: {  	[simem:s6], [sflag:s4] =	dma.local [hbm:s3], $0xF7A  }
0x26: {  	[smem:$0x3F9D] =	sst s1;
	(tag) =	ssettag s2;
	_ =	strace s9  }
0x27: {  	s1 =	sld [smem:$0x3FAD]  }
0x28: {  	s2 =	sld [smem:$0x3FAE]  }
0x29: {  	s4 =	sld [smem:$0x3FB0]  }
0x2a: {  	p0 =	seq.s32 s5, $0x0;
	s5 =	sld [smem:$0x3FB1]  }
0x2b: {  	s6 =	sld [smem:$0x3FB2]  }
0x2c: {  	s7 =	sld [smem:$0x3FB3]  }
0x2d: {  	s3 =	simm.s32 $0x108;
	s8 =	sld [smem:$0x3FB4]  }
0x2e: {  	s3 =	simm.s32 @!p0 $0x1082;
	s9 =	sld [smem:$0x3FB5]  }
0x2f: {  	lr =	sadd.s32 s0, s3;
	s0 =	sld [smem:$0x3FAC]  }
0x30: {  	s3 =	sld [smem:$0x3FAF]  }
0x31: {  	[smem:$0x3FB8] =	sst s10  }
0x32: {  	s10 =	sld [smem:$0x3FB6];
	_ =	sdelay $0x3  }
0x33: {  	p0 =	seq.s32 s10, $0x1;
	s10 =	sld [smem:$0x3FB8];
	_ =	sdelay $0x3  }
0x34: {  	[smem:$0x3FB8] =	sst s10  }
0x35: {  	s10 =	sld [smem:$0x3FB7];
	_ =	sdelay $0x3  }
0x36: {  	p1 =	seq.s32 s10, $0x1;
	s10 =	sld [smem:$0x3FB8];
	_ =	sdelay $0x3  }
0x37: {  	[smem:$0x3FB8] =	sst s10  }
0x38: {  	s10 =	sld [smem:$0x3FB9]  }
0x39: {  	_ = 	snop;
	(pc) =	sbr.ind lr, $3  }
0x3a: {  	_ = 	snop  }
0x3b: {  	_ = 	snop  }
0x3c: {  	p2 =	seq.s32 s10, $0x1;
	s10 =	sld [smem:$0x3FB8]  }
0x3d: {  	_ =	shalt  }
0x3e: {  	_ =	shalt  }
0x3f: {  	_ =	shalt  }
0x40: {  	_ =	shalt  }
0x41: {  	_ =	shalt  }
0x42: {  	_ =	shalt  }
0x43: {  	_ =	shalt  }
0x44: {  	_ =	shalt  }
0x45: {  	_ =	shalt  }
0x46: {  	_ =	shalt  }
0x47: {  	_ =	shalt  }
0x48: {  	_ =	shalt  }
0x49: {  	_ =	shalt  }
0x4a: {  	_ =	shalt  }
0x4b: {  	_ =	shalt  }
0x4c: {  	_ =	shalt  }
0x4d: {  	_ =	shalt  }
0x4e: {  	_ =	shalt  }
0x4f: {  	_ =	shalt  }
0x50: {  	_ =	shalt  }
0x51: {  	_ =	shalt  }
0x52: {  	_ =	shalt  }
0x53: {  	_ =	shalt  }
0x54: {  	_ =	shalt  }
0x55: {  	_ =	shalt  }
0x56: {  	_ =	shalt  }
0x57: {  	_ =	shalt  }
0x58: {  	_ =	shalt  }
0x59: {  	_ =	shalt  }
0x5a: {  	_ =	shalt  }
0x5b: {  	_ =	shalt  }
0x5c: {  	_ =	shalt  }
0x5d: {  	_ =	shalt  }
0x5e: {  	_ =	shalt  }
0x5f: {  	_ =	shalt  }
0x60: {  	_ =	shalt  }
0x61: {  	_ =	shalt  }
0x62: {  	_ =	shalt  }
0x63: {  	_ =	shalt  }
0x64: {  	_ =	shalt  }
0x65: {  	_ =	shalt  }
0x66: {  	_ =	shalt  }
0x67: {  	_ =	shalt  }
0x68: {  	_ =	shalt  }
0x69: {  	_ =	shalt  }
0x6a: {  	_ =	shalt  }
0x6b: {  	_ =	shalt  }
0x6c: {  	_ =	shalt  }
0x6d: {  	_ =	shalt  }
0x6e: {  	_ =	shalt  }
0x6f: {  	_ =	shalt  }
0x70: {  	_ =	shalt  }
0x71: {  	_ =	shalt  }
0x72: {  	_ =	shalt  }
0x73: {  	_ =	shalt  }
0x74: {  	_ =	shalt  }
0x75: {  	_ =	shalt  }
0x76: {  	_ =	shalt  }
0x77: {  	_ =	shalt  }
0x78: {  	_ =	shalt  }
0x79: {  	_ =	shalt  }
0x7a: {  	_ =	shalt  }
0x7b: {  	_ =	shalt  }
0x7c: {  	_ =	shalt  }
0x7d: {  	_ =	shalt  }
0x7e: {  	_ =	shalt  }
0x7f: {  	_ =	shalt  }
0x80: {  	_ =	shalt  }
0x81: {  	_ =	shalt  }
0x82: {  	_ =	shalt  }
0x83: {  	_ =	shalt  }
0x84: {  	_ =	shalt  }
0x85: {  	_ =	shalt  }
0x86: {  	_ =	shalt  }
0x87: {  	_ =	shalt  }
.Lfunc_end0:
.L_simem_size_0:
called_computation_lowered:
.L_overlay_start_0:
0x88: {  	s2 =	sld [smem:$0x3FD9]  }
0x89: {  	s3 =	sld [smem:$0x3FFE];
	_ =	sdelay $0x1  }
0x8a: {  	s1 =	srdreg.scid  }
0x8b: {  	s0 =	sand.u32 $0x1, s1  }
0x8c: {  	s17 =	sshll.u32 s0, $0xA;
	s2 =	sadd.s32 s3, s2  }
0x8d: {  	s2 =	sadd.s32 s2, s17  }
0x8e: {  	[smem:$0x3FC4] =	sst s2  }
0x8f: {  	_ = 	snop  }
0x90: {  	s2 =	sld [smem:$0x3FD0];
	(tm) =	ssettm $0x1  }
0x91: {  	s18 =	sld [smem:$0x3FFB];
	_ =	sdelay $0x3  }
0x92: {  	_ =	strace s18  }
0x93: {  	s3 =	sld [smem:$0x3FFC];
	_ =	sdelay $0x3  }
0x94: {  	_ =	strace s3  }
0x95: {  	s3 =	sld [smem:$0x3FFD];
	_ =	sdelay $0x3  }
0x96: {  	_ =	strace s3  }
0x97: {  	_ =	strace $0x8FFFFFFF  }
0x98: {  	s19 =	sld [smem:$0x3FDB];
	_ =	sdelay $0x1  }
0x99: {  	s4 =	simm.s32 $_scs_section_size  }
0x9a: {  	s5 =	simm.s32 $_size__tile_overlayer_lowered;
	s6 =	simm.s32 $_tile_overlayer_lowered  }
0x9b: {  	s22 =	simm.s32 $0x1BFF;
	s21 =	sshll.u32 s6, $0x1;
	s3 =	sadd.s32 s4, s19  }
0x9c: {  	s7 =	simm.s32 $0x0;
	s20 =	sshll.u32 s5, $0x1;
	s5 =	sadd.s32 s21, s3  }
0x9d: {  	[timem:s7], [sflag:s22] =	dma.local [hbm:s5], s20  }
0x9e: {  	_ =	swait.ge [sflag:s22], s20  }
0x9f: {  	s4 =	ssub.s32 $0x0, s20;
	[sflag:s22] =	ssyncset.done $0x0  }
0xa0: {  	[sflag:s22] =	ssyncadd.s32 s4;
	_ =	sdelay $0x1  }
0xa1: {  	s23 =	simm.s32 $0x1B8B  }
0xa2: {  	_ =	swait.ge [sflag:s23], $0x1  }
0xa3: {  	[sflag:s23] =	ssyncset.done $0x0  }
0xa4: {  	s25 =	simm.s32 $0x1B8E;
	s24 =	sld [smem:$0x3FFE];
	[sflag:s23] =	ssyncadd.s32 $0xFFFFFFFF  }
0xa5: {  	s26 =	simm.s32 $execute0_lowered;
	[smem:$0x3FD2] =	sst s25  }
0xa6: {  	s5 =	sshll.u32 s26, $0x1;
	_ =	strace $0x80000046;
	[dreg:$0x1] =	wrdreg $0xFFFFFFFF  }
0xa7: {  	s28 =	simm.s32 $_size_execute0_lowered;
	s3 =	sadd.s32 s3, s5;
	[dreg:$0x0] =	wrdreg $0x0  }
0xa8: {  	s5 =	sshll.u32 s28, $0x1;
	[dreg:$0x2] =	wrdreg s3  }
0xa9: {  	[dreg:$0x3] =	wrdreg s5  }
0xaa: {  	[dreg:$0x4] =	wrdreg $0xC0  }
0xab: {  	_ =	task [dreg:s7], $0x5FFFF  }
0xac: {  	[dreg:$0x1] =	wrdreg $0xFFFFFFFF  }
0xad: {  	[dreg:$0x0] =	wrdreg $0x60  }
0xae: {  	[dreg:$0x2] =	wrdreg s2  }
0xaf: {  	[dreg:$0x3] =	wrdreg s24  }
0xb0: {  	[dreg:$0x4] =	wrdreg $0x9  }
0xb1: {  	_ =	task.clear_ibuf [dreg:s7], $0x5FFFF;
	_ =	strace $0x90000046  }
0xb2: {  	s29 =	simm.s32 $0x9;
	_ =	strace $0x80000048  }
0xb3: {  	_ =	swait.ge [sflag:s29], $0x1  }
0xb4: {  	[sflag:s29] =	ssyncadd.s32 $0xFFFFFFFF  }
0xb5: {  	_ =	strace $0x90000048  }
0xb6: {  	_ =	sfence  }
0xb7: {  	s30 =	sld [smem:$0x0];
	_ =	sdelay $0x2  }
0xb8: {  	s31 =	sshll.u32 s1, $0xD;
	s1 =	sshrl.u32 s1, $0x2  }
0xb9: {  	s3 =	sand.u32 $0x4000, s31;
	s1 =	sadd.s32 s1, s30  }
0xba: {  	s0 =	sor.u32 s3, s0;
	s1 =	sshll.u32 s1, $0x11  }
0xbb: {  	s0 =	sor.u32 s1, s0  }
0xbc: {  	s0 =	sadd.s32 $0x8F2B, s0  }
0xbd: {  	[sflag:s0] =	ssyncadd.remote.s32 $0x1  }
0xbe: {  	_ =	sfence.sel $0xFFFF  }
0xbf: {  	[dreg:$0x0] =	wrdreg $0xFFFFFFFF;
	(pc) =	sbr.abs _section_cstart, $3  }
0xc0: {  	[dreg:$0x1] =	wrdreg $0xFFFFFFFF  }
0xc1: {  	_ =	task.clear_ibuf [dreg:s7], $0x2FFFF;
	_ =	strace $0x9FFFFFFF  }
0xc2: {  	(tm) =	ssettm $0x7FFFFFFF  }
0xc3: {  	_ =	shalt  }
tec
execute0_lowered:
.L_overlay_start_1:
0x0: {  	(tag) =	ssettag $0x1  }
0x1: {  	s3 =	rddreg [dreg:$0x0];
	s1 =	srdreg.scid  }
0x2: {  	s0 =	stileid.u32;
	s4 =	rddreg [dreg:$0x1];
	s2 =	simm.s32 $0x0  }
0x3: {  	s9 =	simm.s32 $0x2710;
	s5 =	sand.u32 $0x1, s1;
	s6 =	sshll.u32 s0, $0x1  }
0x4: {  	s10 =	simm.s32 $0x7530;
	s11 =	simm.s32 $0x4E20;
	s6 =	sor.u32 s5, s6  }
0x5: {  	s1 =	rddreg [dreg:$0x2];
	s5 =	ssub.s32 $0x2, s5;
	s6 =	smul.u32 $0x4E2, s6  }
0x6: {  	s12 =	simm.s32 $0x0;
	[smem:$0x7FF] =	sst s2;
	s7 =	sshrl.u32 s5, $0x1  }
0x7: {  	_ =	strace $0x80000047;
	s7 =	ssub.s32 s5, s7;
	s8 =	sadd.s32 s6, s4  }
0x8: {  	s3 =	sadd.s32 s3, s6;
	s7 =	smax.u32 s7, $0x1;
	s4 =	sadd.s32 $0x1C00, s8  }
0x9: {  	v0 =	vimm.f32 $0.0e+00;
	v1 =	vimm.f32 $1.000000000e+00;
	s5 =	sadd.s32 $0xBA00, s8;
	s6 =	sadd.s32 $0x15800, s8;
	s8 =	simm.s32 $0x1  }
.LBB2_1:
0xa: {  	[tilespmem:s2], [sflag:$0x1] =	stream.linear.gather [hbm4b:s3+s2], $0x2710, $0x38;
	[tilespmem:$0x9C50] =	vst v63  }
0xb: {  	_ =	swait.ge [sflag:s8], $0x2710  }
0xc: {  	[sflag:s8] =	ssyncset.done $0x0  }
0xd: {  	[sflag:s8] =	ssyncadd.s32 $0xFFFFD8F0  }
0xe: {  	[tilespmem:s9], [sflag:$0x1] =	stream.linear.gather [hbm4b:s4+s2], $0x2710, $0x38;
	[tilespmem:$0x9C50] =	vst v63  }
0xf: {  	_ =	swait.ge [sflag:s8], $0x2710  }
0x10: {  	[sflag:s8] =	ssyncset.done $0x0  }
0x11: {  	s13 =	simm.s32 $0x0;
	[sflag:s8] =	ssyncadd.s32 $0xFFFFD8F0  }
.LBB2_2:
0x12: {  	p0 =	sne.s32 s13, $0x9C40  }
.Ltmp0:
0x13: {  	_ = 	snop;
	(pc) =	sbr.rel @p0 .LBB2_2-.Ltmp0, $3  }
0x14: {  	_ =	sdelay $0x1  }
0x15: {  	s14 =	sshra.s32 s13, $0x2  }
0x16: {  	s13 =	sadd.s32 $0x40, s13;
	[tilespmem:s14+$0x7530] =	vst v0  }
0x17: {  	s13 =	simm.s32 $0x0  }
0x18: {  	s14 =	simm.s32 $0x40;
	v2 =	vld [tilespmem:s13+$0x2710]  }
.LBB2_4:
0x19: {  	p0 =	sne.s32 s14, $0x9C00;
	v3 =	vld [tilespmem:s13+$0x0];
	_ =	sdelay $0x4  }
0x1a: {  	vm0 =	veq.s32 v3, v2  }
0x1b: {  	v3 =	vsel vm0, $0x2710, v3;
	_ =	sdelay $0x1  }
.Ltmp1:
0x1c: {  	(pc) =	sbr.rel @p0 .LBB2_4-.Ltmp1, $3  }
0x1d: {  	_ =	sdelay $0x1  }
0x1e: {  	s15 =	sshra.s32 s14, $0x2;
	[tilespmem:v3+s10+$0x0] =	vst.idx.add.f32.msk $0xffff, v1  }
0x1f: {  	s14 =	sadd.s32 $0x40, s14;
	v2 =	vld [tilespmem:s15+$0x2710];
	[tilespmem:s13+$0x4E20] =	vst v3;
	s13 =	smov.u32 s15  }
0x20: {  	v3 =	vld [tilespmem:s13+$0x0];
	_ =	sdelay $0x4  }
0x21: {  	vm0 =	veq.s32 v3, v2  }
0x22: {  	v2 =	vsel vm0, $0x2710, v3;
	_ =	sdelay $0x4  }
0x23: {  	[tilespmem:v2+s10+$0x0] =	vst.idx.add.f32.msk $0xffff, v1  }
0x24: {  	[tilespmem:s13+$0x4E20] =	vst v2  }
0x25: {  	[hbm4b:s5+s2] =	stream.linear.scatter [tilespmem:s10], [sflag:$0x1], $0x2710, $0x38;
	[tilespmem:$0x9C50] =	vst v63  }
0x26: {  	s12 =	sadd.s32 $0x1, s12;
	_ =	swait.ge [sflag:s8], $0x2710  }
0x27: {  	p0 =	sne.s32 s12, s7;
	[sflag:s8] =	ssyncset.done $0x0  }
.Ltmp2:
0x28: {  	[sflag:s8] =	ssyncadd.s32 $0xFFFFD8F0;
	(pc) =	sbr.rel @p0 .LBB2_1-.Ltmp2, $4  }
0x29: {  	[hbm4b:s6+s2] =	stream.linear.scatter [tilespmem:s11], [sflag:$0x1], $0x2710, $0x38;
	[tilespmem:$0x9C50] =	vst v63  }
0x2a: {  	_ =	swait.ge [sflag:s8], $0x2710  }
0x2b: {  	[sflag:s8] =	ssyncset.done $0x0  }
0x2c: {  	[sflag:s8] =	ssyncadd.s32 $0xFFFFD8F0  }
0x2d: {  	_ =	sfence.sel $0x180000  }
0x2e: {  	[bflag:$0x0] =	sbarrier.arrive $0xFFFF  }
0x2f: {  	p0 =	sne.s32 s0, $0x0;
	_ =	strace $0x90000047  }
0x30: {  	s0 =	sadd.s32 @!p0 $0x100000, s1;
	[bflag:$0x2] =	sbarrier.arrive $0xFFFF  }
0x31: {  	[sflag:s0] =	ssyncadd.tile.s32 @!p0 $0x1;
	_ =	shalt  }
.Lfunc_end2:
_tile_overlayer_lowered:
.L_overlay_start_2:
0x32: {  	(tag) =	ssettag $0x2  }
0x33: {  	s0 =	rddreg [dreg:$0x0];
	s2 =	stileid.u32  }
0x34: {  	s1 =	rddreg [dreg:$0x1];
	p0 =	sne.s32 s2, $0x0  }
0x35: {  	s3 =	rddreg [dreg:$0x2];
	[bflag:$0x3] =	sbarrier.arrive $0xFFFF;
	s2 =	simm.s32 @!p0 $0x1C01  }
0x36: {  	[timem:s3], [sflag:s2] =	dma.local @!p0 [hbm:s0], s1  }
0x37: {  	s0 =	simm.s32 @!p0 $0x1  }
0x38: {  	_ =	swait.ge @!p0 [sflag:s0], s1  }
0x39: {  	s1 =	ssub.s32 @!p0 $0x0, s1;
	[sflag:s0] =	ssyncset.done @!p0 $0x0  }
0x3a: {  	[sflag:s0] =	ssyncadd.s32 @!p0 s1  }
0x3b: {  	[bflag:$0x3] =	sbarrier.arrive $0xFFFF  }
0x3c: {  	_ =	shalt  }

</sc_bundles>
